<compile_context>
chip_gen: v7x
topology: tpu7x:2x2x1
jax: 0.10.2.dev20260603
libtpu: 0.0.44.dev20260713+nightly
codegen_flags: <defaults>
</compile_context>

<pallas_src>
import jax
import jax.numpy as jnp
from jax import lax
from jax.experimental import pallas as pl
from jax.experimental.pallas import tpu as pltpu
from jax.experimental.pallas import tpu_sc as plsc

E = 8
H = 1024
FF = 512
T = 2048
BK = 256
NB = (2 * T) // BK + E - 1
P = NB * BK
LANES = 16
WREP = 128

NC = 2
NS = 16
NW = NC * NS
TPW = T // NW
CH = 16



def _router_kernel(x_ref, gate_ref, logits_ref, p0_ref, p1_ref,
                   w0s_ref, w1s_ref, blk_ref):
    x = x_ref[...]
    logits = lax.dot_general(x, gate_ref[...], (((1,), (1,)), ((), ())),
                             preferred_element_type=jnp.float32)
    logits_ref[...] = logits
    scores = jax.nn.sigmoid(logits)
    i1 = jnp.argmax(scores, axis=1)
    v1 = jnp.max(scores, axis=1)
    cols = lax.broadcasted_iota(jnp.int32, scores.shape, 1)
    masked = jnp.where(cols == i1[:, None], -jnp.inf, scores)
    i2 = jnp.argmax(masked, axis=1)
    v2 = jnp.max(masked, axis=1)
    denom = v1 + v2 + 1e-6
    wa = (v1 / denom)[:, None]
    wb = (v2 / denom)[:, None]
    oh0 = (cols == i1[:, None]).astype(jnp.float32)
    oh1 = (cols == i2[:, None]).astype(jnp.float32)
    cnt = oh0 + oh1

    nch = T // BK
    r = lax.broadcasted_iota(jnp.int32, (BK, BK), 0)
    c = lax.broadcasted_iota(jnp.int32, (BK, BK), 1)
    ltri = (c < r).astype(jnp.float32)
    run = jnp.zeros((1, E), jnp.float32)
    cume_parts = []
    for i in range(nch):
        ci = lax.slice(cnt, (i * BK, 0), ((i + 1) * BK, E))
        part = lax.dot_general(ltri, ci, (((1,), (0,)), ((), ())),
                               preferred_element_type=jnp.float32)
        cume_parts.append(part + run)
        run = run + jnp.sum(ci, axis=0, keepdims=True)
    cume = jnp.concatenate(cume_parts, axis=0)

    totals = run
    nblk = jnp.floor((totals + (BK - 1)) * (1.0 / BK))
    e1 = lax.broadcasted_iota(jnp.int32, (E, E), 0)
    e2 = lax.broadcasted_iota(jnp.int32, (E, E), 1)
    utri = (e1 < e2).astype(jnp.float32)
    bstart = lax.dot_general(nblk, utri, (((1,), (0,)), ((), ())),
                             preferred_element_type=jnp.float32)
    poff = bstart * BK

    bs_col = jnp.transpose(bstart).astype(jnp.int32)
    jj = lax.broadcasted_iota(jnp.int32, (E, NB), 1)
    blk = jnp.sum((jj >= bs_col).astype(jnp.int32), axis=0,
                  keepdims=True) - 1
    blk_ref[...] = blk

    pos_all = cume + poff
    p0 = jnp.sum(oh0 * pos_all, axis=1, keepdims=True)
    p1 = jnp.sum(oh1 * pos_all, axis=1, keepdims=True)
    p0_ref[...] = p0.astype(jnp.int32)
    p1_ref[...] = p1.astype(jnp.int32)

    ones = jnp.ones((1, WREP), jnp.float32)
    w0s_ref[...] = wa * ones
    w1s_ref[...] = wb * ones


def _run_router(x, gate_w):
    return pl.pallas_call(
        _router_kernel,
        out_shape=[
            jax.ShapeDtypeStruct((T, E), jnp.float32),
            jax.ShapeDtypeStruct((T, 1), jnp.int32),
            jax.ShapeDtypeStruct((T, 1), jnp.int32),
            jax.ShapeDtypeStruct((T, WREP), jnp.float32),
            jax.ShapeDtypeStruct((T, WREP), jnp.float32),
            jax.ShapeDtypeStruct((1, NB), jnp.int32),
        ],
    )(x, gate_w)



def _scatter_kernel(xb_hbm, p0_hbm, p1_hbm, w0s_hbm, w1s_hbm,
                    xg_hbm, wg_hbm, xr0, xr1, i0a, i0b, i1a, i1b,
                    wr0a, wr0b, wr1a, wr1b, lsem, sem):
    wid = lax.axis_index("s") * NC + lax.axis_index("c")
    base = wid * TPW
    hpw = TPW // 2
    l0 = pltpu.async_copy(xb_hbm.at[pl.ds(base, hpw)], xr0, lsem)
    l1 = pltpu.async_copy(xb_hbm.at[pl.ds(base + hpw, hpw)], xr1, lsem)
    pltpu.sync_copy(p0_hbm.at[pl.ds(base, hpw)], i0a)
    pltpu.sync_copy(p0_hbm.at[pl.ds(base + hpw, hpw)], i0b)
    pltpu.sync_copy(p1_hbm.at[pl.ds(base, hpw)], i1a)
    pltpu.sync_copy(p1_hbm.at[pl.ds(base + hpw, hpw)], i1b)
    pltpu.sync_copy(w0s_hbm.at[pl.ds(base, hpw)], wr0a)
    pltpu.sync_copy(w0s_hbm.at[pl.ds(base + hpw, hpw)], wr0b)
    pltpu.sync_copy(w1s_hbm.at[pl.ds(base, hpw)], wr1a)
    pltpu.sync_copy(w1s_hbm.at[pl.ds(base + hpw, hpw)], wr1b)
    l0.wait()
    c0 = pltpu.async_copy(xr0, xg_hbm.at[i0a], sem)
    c1 = pltpu.async_copy(xr0, xg_hbm.at[i1a], sem)
    l1.wait()
    c2 = pltpu.async_copy(xr1, xg_hbm.at[i0b], sem)
    c3 = pltpu.async_copy(xr1, xg_hbm.at[i1b], sem)
    c4 = pltpu.async_copy(wr0a, wg_hbm.at[i0a], sem)
    c5 = pltpu.async_copy(wr1a, wg_hbm.at[i1a], sem)
    c6 = pltpu.async_copy(wr0b, wg_hbm.at[i0b], sem)
    c7 = pltpu.async_copy(wr1b, wg_hbm.at[i1b], sem)
    for c in (c0, c1, c2, c3, c4, c5, c6, c7):
        c.wait()


def _run_scatter(xbi, p0, p1, w0s, w1s):
    mesh = plsc.VectorSubcoreMesh(core_axis_name="c", subcore_axis_name="s")
    f = pl.kernel(
        _scatter_kernel,
        mesh=mesh,
        out_type=[
            jax.ShapeDtypeStruct((P, H), jnp.float32),
            jax.ShapeDtypeStruct((P, WREP), jnp.float32),
        ],
        scratch_types=[
            pltpu.VMEM((TPW // 2, H), jnp.float32),
            pltpu.VMEM((TPW // 2, H), jnp.float32),
            pltpu.VMEM((TPW // 2,), jnp.int32),
            pltpu.VMEM((TPW // 2,), jnp.int32),
            pltpu.VMEM((TPW // 2,), jnp.int32),
            pltpu.VMEM((TPW // 2,), jnp.int32),
            pltpu.VMEM((TPW // 2, WREP), jnp.float32),
            pltpu.VMEM((TPW // 2, WREP), jnp.float32),
            pltpu.VMEM((TPW // 2, WREP), jnp.float32),
            pltpu.VMEM((TPW // 2, WREP), jnp.float32),
            pltpu.SemaphoreType.DMA,
            pltpu.SemaphoreType.DMA,
        ],
    )
    return f(xbi, p0, p1, w0s, w1s)



def _ffn_kernel(blk_ref, xg_ref, wg_ref, w1_ref, w3_ref, w2_ref, yg_ref):
    xb = xg_ref[...]
    h1 = lax.dot_general(xb, w1_ref[0], (((1,), (1,)), ((), ())),
                         preferred_element_type=jnp.float32)
    h3 = lax.dot_general(xb, w3_ref[0], (((1,), (1,)), ((), ())),
                         preferred_element_type=jnp.float32)
    he = (h1 * jax.nn.sigmoid(h1)) * h3
    ye = lax.dot_general(he, w2_ref[0], (((1,), (1,)), ((), ())),
                         preferred_element_type=jnp.float32)
    yg_ref[...] = ye * wg_ref[:, :1]


def _run_ffn(blk, xgb, wg, w1, w3, w2):
    grid_spec = pltpu.PrefetchScalarGridSpec(
        num_scalar_prefetch=1,
        grid=(NB,),
        in_specs=[
            pl.BlockSpec((BK, H), lambda j, blk: (j, 0)),
            pl.BlockSpec((BK, WREP), lambda j, blk: (j, 0)),
            pl.BlockSpec((1, FF, H), lambda j, blk: (blk[j], 0, 0)),
            pl.BlockSpec((1, FF, H), lambda j, blk: (blk[j], 0, 0)),
            pl.BlockSpec((1, H, FF), lambda j, blk: (blk[j], 0, 0)),
        ],
        out_specs=pl.BlockSpec((BK, H), lambda j, blk: (j, 0)),
    )
    return pl.pallas_call(
        _ffn_kernel,
        grid_spec=grid_spec,
        out_shape=jax.ShapeDtypeStruct((P, H), jnp.float32),
    )(blk, xgb, wg, w1, w3, w2)



def _combine_kernel(yg_hbm, p0_hbm, p1_hbm, out_hbm,
                    ia, ib, b0a, b0b, b1a, b1b, ob0, ob1, sem, osem):
    wid = lax.axis_index("s") * NC + lax.axis_index("c")
    base = wid * TPW
    nch = TPW // CH
    pltpu.sync_copy(p0_hbm.at[pl.ds(base, TPW)], ia)
    pltpu.sync_copy(p1_hbm.at[pl.ds(base, TPW)], ib)
    bufs = ((b0a, b0b, ob0), (b1a, b1b, ob1))
    pend = {}
    pend[0] = (pltpu.async_copy(yg_hbm.at[ia.at[pl.ds(0, CH)]], b0a, sem),
               pltpu.async_copy(yg_hbm.at[ib.at[pl.ds(0, CH)]], b0b, sem))
    st = []
    for cidx in range(nch):
        ba, bb, ob = bufs[cidx % 2]
        if cidx + 1 < nch:
            na, nb, _ = bufs[(cidx + 1) % 2]
            s = (cidx + 1) * CH
            pend[cidx + 1] = (
                pltpu.async_copy(yg_hbm.at[ia.at[pl.ds(s, CH)]], na, sem),
                pltpu.async_copy(yg_hbm.at[ib.at[pl.ds(s, CH)]], nb, sem))
        ga, gb = pend.pop(cidx)
        ga.wait()
        gb.wait()
        if len(st) >= 2:
            st.pop(0).wait()

        def body(k, _):
            s = k * LANES
            for r in range(CH):
                ob[r, pl.ds(s, LANES)] = (ba[r, pl.ds(s, LANES)]
                                          + bb[r, pl.ds(s, LANES)])
            return 0

        lax.fori_loop(0, H // LANES, body, 0)
        st.append(pltpu.async_copy(
            ob, out_hbm.at[pl.ds(base + cidx * CH, CH)], osem))
    for h in st:
        h.wait()


def _run_combine(ygi, p0, p1):
    mesh = plsc.VectorSubcoreMesh(core_axis_name="c", subcore_axis_name="s")
    f = pl.kernel(
        _combine_kernel,
        mesh=mesh,
        out_type=jax.ShapeDtypeStruct((T, H), jnp.float32),
        scratch_types=[
            pltpu.VMEM((TPW,), jnp.int32),
            pltpu.VMEM((TPW,), jnp.int32),
            pltpu.VMEM((CH, H), jnp.float32),
            pltpu.VMEM((CH, H), jnp.float32),
            pltpu.VMEM((CH, H), jnp.float32),
            pltpu.VMEM((CH, H), jnp.float32),
            pltpu.VMEM((CH, H), jnp.float32),
            pltpu.VMEM((CH, H), jnp.float32),
            pltpu.SemaphoreType.DMA,
            pltpu.SemaphoreType.DMA,
        ],
    )
    return f(ygi, p0, p1)



def kernel(hidden_states, gate_w, w1, w3, w2):
    b, s, h = hidden_states.shape
    x = hidden_states.reshape(-1, h)
    logits, p0, p1, w0s, w1s, blk = _run_router(x, gate_w)
    p0 = p0.reshape(T)
    p1 = p1.reshape(T)
    blk = blk.reshape(NB)
    xg, wg = _run_scatter(x, p0, p1, w0s, w1s)
    yg = _run_ffn(blk, xg, wg, w1, w3, w2)
    out = _run_combine(yg, p0, p1)
    return out.reshape(b, s, h), logits

# --- scband reference (transcript-rebuilt; emitter-appended) ---
"""Pipeline reference for scband-lfm2-moe-sparse-moe-block-32736240730968 (READ-ONLY COPY).

The authoritative reference and input builder live on the scoring server;
editing this copy changes nothing except your own understanding.
"""

import jax, jax.numpy as jnp
import numpy as np

E = 8
TOP_K = 2
H = 1024
FF = 512
B = 1
S = 2048
SCALE = 1.0
NORM_TOPK = True


def setup_inputs(seed: int = 0) -> dict:
    key = jax.random.key(seed)
    ks = jax.random.split(key, 5)
    hidden_states = jax.random.normal(ks[0], (B, S, H), dtype=jnp.float32)
    gate_w = jax.random.normal(ks[1], (E, H), dtype=jnp.float32) * 0.02
    w1 = jax.random.normal(ks[2], (E, FF, H), dtype=jnp.float32) * 0.02
    w3 = jax.random.normal(ks[3], (E, FF, H), dtype=jnp.float32) * 0.02
    w2 = jax.random.normal(ks[4], (E, H, FF), dtype=jnp.float32) * 0.02
    return {"hidden_states": hidden_states, "gate_w": gate_w, "w1": w1, "w3": w3, "w2": w2}


def reference(hidden_states, gate_w, w1, w3, w2):
    b, s, h = hidden_states.shape
    x = hidden_states.reshape(-1, h)
    T = x.shape[0]
    # router
    router_logits = x @ gate_w.T  # [T, E]
    routing_weights = jax.nn.sigmoid(router_logits)
    # use_expert_bias = False branch: topk directly on sigmoid scores
    topv, selected = jax.lax.top_k(routing_weights, TOP_K)  # [T, k]
    if NORM_TOPK:
        topv = topv / (topv.sum(axis=-1, keepdims=True) + 1e-06)
    topv = topv * SCALE
    topv = topv.astype(x.dtype)
    # scatter per-token routing weights into dense [T, E] combine matrix
    combine = jnp.zeros((T, E), dtype=x.dtype)
    combine = combine.at[jnp.arange(T)[:, None], selected].add(topv)
    # expert computation (dense loop over experts; math-equivalent to masked dispatch)
    final = jnp.zeros((T, h), dtype=x.dtype)
    for e in range(E):
        he = jax.nn.silu(x @ w1[e].T) * (x @ w3[e].T)
        ye = he @ w2[e].T
        final = final + combine[:, e:e + 1] * ye
    final = final.reshape(b, s, h)
    return final, router_logits

if __name__ == "__main__":
    import jax
    _d = setup_inputs()
    print(jax.jit(kernel)(*tuple(_d.values())))

</pallas_src>

<mosaic_0001>
#map = affine_map<(d0, d1) -> (0, 0)>
#map1 = affine_map<(d0, d1) -> (0)>
module attributes {stable_mosaic.version = 14 : i64} {
  func.func @_combine_kernel(%arg0: i32, %arg1: i32, %arg2: memref<5888x1024xf32, #tpu.memory_space<hbm>>, %arg3: memref<2048xi32, #tpu.memory_space<hbm>>, %arg4: memref<2048xi32, #tpu.memory_space<hbm>>, %arg5: memref<2048x1024xf32, #tpu.memory_space<hbm>>, %arg6: memref<64xi32, #tpu.memory_space<vmem>>, %arg7: memref<64xi32, #tpu.memory_space<vmem>>, %arg8: memref<16x1024xf32, #tpu.memory_space<vmem>>, %arg9: memref<16x1024xf32, #tpu.memory_space<vmem>>, %arg10: memref<16x1024xf32, #tpu.memory_space<vmem>>, %arg11: memref<16x1024xf32, #tpu.memory_space<vmem>>, %arg12: memref<16x1024xf32, #tpu.memory_space<vmem>>, %arg13: memref<16x1024xf32, #tpu.memory_space<vmem>>, %arg14: memref<!tpu.dma_semaphore, #tpu.memory_space<semaphore_mem>>, %arg15: memref<!tpu.dma_semaphore, #tpu.memory_space<semaphore_mem>>) attributes {dimension_semantics = [#tpu.dimension_semantics<core_parallel>, #tpu.dimension_semantics<subcore_parallel>], iteration_bounds = array<i64: 2, 16>, scalar_prefetch = 0 : i64, scratch_operands = 10 : i64, tpu.core_type = #tpu.core_type<sc_vector_subcore>, window_params = [{transform_indices = #map}, {transform_indices = #map1}, {transform_indices = #map1}, {transform_indices = #map}]} {
    %mul3A = arith.constant 2 : i32
    %mul3A_0 = arith.muli %arg1, %mul3A : i32
    %add3A = arith.addi %mul3A_0, %arg0 : i32
    %mul3A_1 = arith.constant 64 : i32
    %mul3A_2 = arith.muli %add3A, %mul3A_1 : i32
    "tpu.region"() ({
      %run_scoped3A = tpu.sem_alloc : memref<!tpu.dma_semaphore, #tpu.memory_space<semaphore_mem>>
      %dma_start3A_148 = tpu.memref_slice %arg3[%mul3A_2] : memref<2048xi32, #tpu.memory_space<hbm>> -> memref<64xi32, #tpu.memory_space<hbm>>
      %dma_start3A_149 = tpu.memref_slice %arg3[%mul3A_2] : memref<2048xi32, #tpu.memory_space<hbm>> -> memref<64xi32, #tpu.memory_space<hbm>>
      tpu.enqueue_dma source(%dma_start3A_149 : memref<64xi32, #tpu.memory_space<hbm>>) target(%arg6 : memref<64xi32, #tpu.memory_space<vmem>>) target_semaphore(%run_scoped3A : memref<!tpu.dma_semaphore, #tpu.memory_space<semaphore_mem>>)
      %dma_wait3A_150 = tpu.memref_slice %arg3[%mul3A_2] : memref<2048xi32, #tpu.memory_space<hbm>> -> memref<64xi32, #tpu.memory_space<hbm>>
      %dma_wait3A_151 = tpu.memref_slice %arg3[%mul3A_2] : memref<2048xi32, #tpu.memory_space<hbm>> -> memref<64xi32, #tpu.memory_space<hbm>>
      tpu.wait_dma2 semaphore(%run_scoped3A : memref<!tpu.dma_semaphore, #tpu.memory_space<semaphore_mem>>) src(%dma_wait3A_151 : memref<64xi32, #tpu.memory_space<hbm>>) dst(%arg6 : memref<64xi32, #tpu.memory_space<vmem>>)
      tpu.yield
    }) : () -> ()
    "tpu.region"() ({
      %run_scoped3A = tpu.sem_alloc : memref<!tpu.dma_semaphore, #tpu.memory_space<semaphore_mem>>
      %dma_start3A_148 = tpu.memref_slice %arg4[%mul3A_2] : memref<2048xi32, #tpu.memory_space<hbm>> -> memref<64xi32, #tpu.memory_space<hbm>>
      %dma_start3A_149 = tpu.memref_slice %arg4[%mul3A_2] : memref<2048xi32, #tpu.memory_space<hbm>> -> memref<64xi32, #tpu.memory_space<hbm>>
      tpu.enqueue_dma source(%dma_start3A_149 : memref<64xi32, #tpu.memory_space<hbm>>) target(%arg7 : memref<64xi32, #tpu.memory_space<vmem>>) target_semaphore(%run_scoped3A : memref<!tpu.dma_semaphore, #tpu.memory_space<semaphore_mem>>)
      %dma_wait3A_150 = tpu.memref_slice %arg4[%mul3A_2] : memref<2048xi32, #tpu.memory_space<hbm>> -> memref<64xi32, #tpu.memory_space<hbm>>
      %dma_wait3A_151 = tpu.memref_slice %arg4[%mul3A_2] : memref<2048xi32, #tpu.memory_space<hbm>> -> memref<64xi32, #tpu.memory_space<hbm>>
      tpu.wait_dma2 semaphore(%run_scoped3A : memref<!tpu.dma_semaphore, #tpu.memory_space<semaphore_mem>>) src(%dma_wait3A_151 : memref<64xi32, #tpu.memory_space<hbm>>) dst(%arg7 : memref<64xi32, #tpu.memory_space<vmem>>)
      tpu.yield
    }) : () -> ()
    %dma_start3A = arith.constant 0 : i32
    %dma_start3A_3 = tpu.memref_slice %arg6[%dma_start3A] : memref<64xi32, #tpu.memory_space<vmem>> -> memref<16xi32, #tpu.memory_space<vmem>>
    %dma_start3A_4 = arith.constant 0 : i32
    %dma_start3A_5 = arith.constant 0 : i32
    %dma_start3A_6 = tpu.memref_slice %arg2[%dma_start3A_4, %dma_start3A_5] : memref<5888x1024xf32, #tpu.memory_space<hbm>> -> memref<5888x1024xf32, #tpu.memory_space<hbm>>
    tpu.enqueue_indirect_dma source(%dma_start3A_6 : memref<5888x1024xf32, #tpu.memory_space<hbm>>) target(%arg8 : memref<16x1024xf32, #tpu.memory_space<vmem>>) offsets(%dma_start3A_3 : memref<16xi32, #tpu.memory_space<vmem>>) semaphore(%arg14 : memref<!tpu.dma_semaphore, #tpu.memory_space<semaphore_mem>>)
    %dma_start3A_7 = arith.constant 0 : i32
    %dma_start3A_8 = tpu.memref_slice %arg7[%dma_start3A_7] : memref<64xi32, #tpu.memory_space<vmem>> -> memref<16xi32, #tpu.memory_space<vmem>>
    %dma_start3A_9 = arith.constant 0 : i32
    %dma_start3A_10 = arith.constant 0 : i32
    %dma_start3A_11 = tpu.memref_slice %arg2[%dma_start3A_9, %dma_start3A_10] : memref<5888x1024xf32, #tpu.memory_space<hbm>> -> memref<5888x1024xf32, #tpu.memory_space<hbm>>
    tpu.enqueue_indirect_dma source(%dma_start3A_11 : memref<5888x1024xf32, #tpu.memory_space<hbm>>) target(%arg9 : memref<16x1024xf32, #tpu.memory_space<vmem>>) offsets(%dma_start3A_8 : memref<16xi32, #tpu.memory_space<vmem>>) semaphore(%arg14 : memref<!tpu.dma_semaphore, #tpu.memory_space<semaphore_mem>>)
    %dma_start3A_12 = arith.constant 16 : i32
    %dma_start3A_13 = tpu.memref_slice %arg6[%dma_start3A_12] : memref<64xi32, #tpu.memory_space<vmem>> -> memref<16xi32, #tpu.memory_space<vmem>>
    %dma_start3A_14 = arith.constant 0 : i32
    %dma_start3A_15 = arith.constant 0 : i32
    %dma_start3A_16 = tpu.memref_slice %arg2[%dma_start3A_14, %dma_start3A_15] : memref<5888x1024xf32, #tpu.memory_space<hbm>> -> memref<5888x1024xf32, #tpu.memory_space<hbm>>
    tpu.enqueue_indirect_dma source(%dma_start3A_16 : memref<5888x1024xf32, #tpu.memory_space<hbm>>) target(%arg10 : memref<16x1024xf32, #tpu.memory_space<vmem>>) offsets(%dma_start3A_13 : memref<16xi32, #tpu.memory_space<vmem>>) semaphore(%arg14 : memref<!tpu.dma_semaphore, #tpu.memory_space<semaphore_mem>>)
    %dma_start3A_17 = arith.constant 16 : i32
    %dma_start3A_18 = tpu.memref_slice %arg7[%dma_start3A_17] : memref<64xi32, #tpu.memory_space<vmem>> -> memref<16xi32, #tpu.memory_space<vmem>>
    %dma_start3A_19 = arith.constant 0 : i32
    %dma_start3A_20 = arith.constant 0 : i32
    %dma_start3A_21 = tpu.memref_slice %arg2[%dma_start3A_19, %dma_start3A_20] : memref<5888x1024xf32, #tpu.memory_space<hbm>> -> memref<5888x1024xf32, #tpu.memory_space<hbm>>
    tpu.enqueue_indirect_dma source(%dma_start3A_21 : memref<5888x1024xf32, #tpu.memory_space<hbm>>) target(%arg11 : memref<16x1024xf32, #tpu.memory_space<vmem>>) offsets(%dma_start3A_18 : memref<16xi32, #tpu.memory_space<vmem>>) semaphore(%arg14 : memref<!tpu.dma_semaphore, #tpu.memory_space<semaphore_mem>>)
    %dma_wait3A = arith.constant 0 : i32
    %dma_wait3A_22 = tpu.memref_slice %arg6[%dma_wait3A] : memref<64xi32, #tpu.memory_space<vmem>> -> memref<16xi32, #tpu.memory_space<vmem>>
    %dma_wait3A_23 = arith.constant 0 : i32
    %dma_wait3A_24 = arith.constant 0 : i32
    %dma_wait3A_25 = tpu.memref_slice %arg2[%dma_wait3A_23, %dma_wait3A_24] : memref<5888x1024xf32, #tpu.memory_space<hbm>> -> memref<5888x1024xf32, #tpu.memory_space<hbm>>
    tpu.wait_indirect_dma semaphore(%arg14 : memref<!tpu.dma_semaphore, #tpu.memory_space<semaphore_mem>>) src(%dma_wait3A_25 : memref<5888x1024xf32, #tpu.memory_space<hbm>>) dst(%arg8 : memref<16x1024xf32, #tpu.memory_space<vmem>>)
    %dma_wait3A_26 = arith.constant 0 : i32
    %dma_wait3A_27 = tpu.memref_slice %arg7[%dma_wait3A_26] : memref<64xi32, #tpu.memory_space<vmem>> -> memref<16xi32, #tpu.memory_space<vmem>>
    %dma_wait3A_28 = arith.constant 0 : i32
    %dma_wait3A_29 = arith.constant 0 : i32
    %dma_wait3A_30 = tpu.memref_slice %arg2[%dma_wait3A_28, %dma_wait3A_29] : memref<5888x1024xf32, #tpu.memory_space<hbm>> -> memref<5888x1024xf32, #tpu.memory_space<hbm>>
    tpu.wait_indirect_dma semaphore(%arg14 : memref<!tpu.dma_semaphore, #tpu.memory_space<semaphore_mem>>) src(%dma_wait3A_30 : memref<5888x1024xf32, #tpu.memory_space<hbm>>) dst(%arg9 : memref<16x1024xf32, #tpu.memory_space<vmem>>)
    %scan3A = arith.constant 0 : i32
    %scan3A_31 = arith.constant 0 : i32
    %scan3A_32 = arith.constant 64 : i32
    %scan3A_33 = arith.addi %scan3A_31, %scan3A_32 : i32
    %scan3A_34 = arith.constant 1 : i32
    %scan3A_35 = scf.for %scan3A_148 = %scan3A_31 to %scan3A_33 step %scan3A_34 iter_args(%scan3A_149 = %scan3A) -> (i32)  : i32 {
      %mul3A_150 = arith.constant 16 : i32
      %mul3A_151 = arith.muli %scan3A_148, %mul3A_150 : i32
      %get3A = arith.constant 0 : i32
      %get3A_152 = arith.index_cast %get3A : i32 to index
      %get3A_153 = arith.index_cast %mul3A_151 : i32 to index
      %get3A_154 = tpu.vector_load %arg8[%get3A_152, %get3A_153] {strides = array<i32>} : memref<16x1024xf32, #tpu.memory_space<vmem>>, vector<1x16xf32>,
      %get3A_155 = vector.shape_cast %get3A_154 : vector<1x16xf32> to vector<16xf32>
      %get3A_156 = arith.constant 0 : i32
      %get3A_157 = arith.index_cast %get3A_156 : i32 to index
      %get3A_158 = arith.index_cast %mul3A_151 : i32 to index
      %get3A_159 = tpu.vector_load %arg9[%get3A_157, %get3A_158] {strides = array<i32>} : memref<16x1024xf32, #tpu.memory_space<vmem>>, vector<1x16xf32>,
      %get3A_160 = vector.shape_cast %get3A_159 : vector<1x16xf32> to vector<16xf32>
      %add3A_161 = arith.addf %get3A_155, %get3A_160 : vector<16xf32>
      %swap3A = arith.constant 0 : i32
      %swap3A_162 = arith.index_cast %swap3A : i32 to index
      %swap3A_163 = arith.index_cast %mul3A_151 : i32 to index
      %swap3A_164 = tpu.vector_load %arg12[%swap3A_162, %swap3A_163] {strides = array<i32>} : memref<16x1024xf32, #tpu.memory_space<vmem>>, vector<1x16xf32>,
      %swap3A_165 = vector.shape_cast %swap3A_164 : vector<1x16xf32> to vector<16xf32>
      %swap3A_166 = vector.shape_cast %add3A_161 : vector<16xf32> to vector<1x16xf32>
      tpu.vector_store %arg12[%swap3A_162, %swap3A_163], %swap3A_166 {strides = array<i32>} : memref<16x1024xf32, #tpu.memory_space<vmem>>, vector<1x16xf32>,
      %get3A_167 = arith.constant 1 : i32
      %get3A_168 = arith.index_cast %get3A_167 : i32 to index
      %get3A_169 = arith.index_cast %mul3A_151 : i32 to index
      %get3A_170 = tpu.vector_load %arg8[%get3A_168, %get3A_169] {strides = array<i32>} : memref<16x1024xf32, #tpu.memory_space<vmem>>, vector<1x16xf32>,
      %get3A_171 = vector.shape_cast %get3A_170 : vector<1x16xf32> to vector<16xf32>
      %get3A_172 = arith.constant 1 : i32
      %get3A_173 = arith.index_cast %get3A_172 : i32 to index
      %get3A_174 = arith.index_cast %mul3A_151 : i32 to index
      %get3A_175 = tpu.vector_load %arg9[%get3A_173, %get3A_174] {strides = array<i32>} : memref<16x1024xf32, #tpu.memory_space<vmem>>, vector<1x16xf32>,
      %get3A_176 = vector.shape_cast %get3A_175 : vector<1x16xf32> to vector<16xf32>
      %add3A_177 = arith.addf %get3A_171, %get3A_176 : vector<16xf32>
      %swap3A_178 = arith.constant 1 : i32
      %swap3A_179 = arith.index_cast %swap3A_178 : i32 to index
      %swap3A_180 = arith.index_cast %mul3A_151 : i32 to index
      %swap3A_181 = tpu.vector_load %arg12[%swap3A_179, %swap3A_180] {strides = array<i32>} : memref<16x1024xf32, #tpu.memory_space<vmem>>, vector<1x16xf32>,
      %swap3A_182 = vector.shape_cast %swap3A_181 : vector<1x16xf32> to vector<16xf32>
      %swap3A_183 = vector.shape_cast %add3A_177 : vector<16xf32> to vector<1x16xf32>
      tpu.vector_store %arg12[%swap3A_179, %swap3A_180], %swap3A_183 {strides = array<i32>} : memref<16x1024xf32, #tpu.memory_space<vmem>>, vector<1x16xf32>,
      %get3A_184 = arith.constant 2 : i32
      %get3A_185 = arith.index_cast %get3A_184 : i32 to index
      %get3A_186 = arith.index_cast %mul3A_151 : i32 to index
      %get3A_187 = tpu.vector_load %arg8[%get3A_185, %get3A_186] {strides = array<i32>} : memref<16x1024xf32, #tpu.memory_space<vmem>>, vector<1x16xf32>,
      %get3A_188 = vector.shape_cast %get3A_187 : vector<1x16xf32> to vector<16xf32>
      %get3A_189 = arith.constant 2 : i32
      %get3A_190 = arith.index_cast %get3A_189 : i32 to index
      %get3A_191 = arith.index_cast %mul3A_151 : i32 to index
      %get3A_192 = tpu.vector_load %arg9[%get3A_190, %get3A_191] {strides = array<i32>} : memref<16x1024xf32, #tpu.memory_space<vmem>>, vector<1x16xf32>,
      %get3A_193 = vector.shape_cast %get3A_192 : vector<1x16xf32> to vector<16xf32>
      %add3A_194 = arith.addf %get3A_188, %get3A_193 : vector<16xf32>
      %swap3A_195 = arith.constant 2 : i32
      %swap3A_196 = arith.index_cast %swap3A_195 : i32 to index
      %swap3A_197 = arith.index_cast %mul3A_151 : i32 to index
      %swap3A_198 = tpu.vector_load %arg12[%swap3A_196, %swap3A_197] {strides = array<i32>} : memref<16x1024xf32, #tpu.memory_space<vmem>>, vector<1x16xf32>,
      %swap3A_199 = vector.shape_cast %swap3A_198 : vector<1x16xf32> to vector<16xf32>
      %swap3A_200 = vector.shape_cast %add3A_194 : vector<16xf32> to vector<1x16xf32>
      tpu.vector_store %arg12[%swap3A_196, %swap3A_197], %swap3A_200 {strides = array<i32>} : memref<16x1024xf32, #tpu.memory_space<vmem>>, vector<1x16xf32>,
      %get3A_201 = arith.constant 3 : i32
      %get3A_202 = arith.index_cast %get3A_201 : i32 to index
      %get3A_203 = arith.index_cast %mul3A_151 : i32 to index
      %get3A_204 = tpu.vector_load %arg8[%get3A_202, %get3A_203] {strides = array<i32>} : memref<16x1024xf32, #tpu.memory_space<vmem>>, vector<1x16xf32>,
      %get3A_205 = vector.shape_cast %get3A_204 : vector<1x16xf32> to vector<16xf32>
      %get3A_206 = arith.constant 3 : i32
      %get3A_207 = arith.index_cast %get3A_206 : i32 to index
      %get3A_208 = arith.index_cast %mul3A_151 : i32 to index
      %get3A_209 = tpu.vector_load %arg9[%get3A_207, %get3A_208] {strides = array<i32>} : memref<16x1024xf32, #tpu.memory_space<vmem>>, vector<1x16xf32>,
      %get3A_210 = vector.shape_cast %get3A_209 : vector<1x16xf32> to vector<16xf32>
      %add3A_211 = arith.addf %get3A_205, %get3A_210 : vector<16xf32>
      %swap3A_212 = arith.constant 3 : i32
      %swap3A_213 = arith.index_cast %swap3A_212 : i32 to index
      %swap3A_214 = arith.index_cast %mul3A_151 : i32 to index
      %swap3A_215 = tpu.vector_load %arg12[%swap3A_213, %swap3A_214] {strides = array<i32>} : memref<16x1024xf32, #tpu.memory_space<vmem>>, vector<1x16xf32>,
      %swap3A_216 = vector.shape_cast %swap3A_215 : vector<1x16xf32> to vector<16xf32>
      %swap3A_217 = vector.shape_cast %add3A_211 : vector<16xf32> to vector<1x16xf32>
      tpu.vector_store %arg12[%swap3A_213, %swap3A_214], %swap3A_217 {strides = array<i32>} : memref<16x1024xf32, #tpu.memory_space<vmem>>, vector<1x16xf32>,
      %get3A_218 = arith.constant 4 : i32
      %get3A_219 = arith.index_cast %get3A_218 : i32 to index
      %get3A_220 = arith.index_cast %mul3A_151 : i32 to index
      %get3A_221 = tpu.vector_load %arg8[%get3A_219, %get3A_220] {strides = array<i32>} : memref<16x1024xf32, #tpu.memory_space<vmem>>, vector<1x16xf32>,
      %get3A_222 = vector.shape_cast %get3A_221 : vector<1x16xf32> to vector<16xf32>
      %get3A_223 = arith.constant 4 : i32
      %get3A_224 = arith.index_cast %get3A_223 : i32 to index
      %get3A_225 = arith.index_cast %mul3A_151 : i32 to index
      %get3A_226 = tpu.vector_load %arg9[%get3A_224, %get3A_225] {strides = array<i32>} : memref<16x1024xf32, #tpu.memory_space<vmem>>, vector<1x16xf32>,
      %get3A_227 = vector.shape_cast %get3A_226 : vector<1x16xf32> to vector<16xf32>
      %add3A_228 = arith.addf %get3A_222, %get3A_227 : vector<16xf32>
      %swap3A_229 = arith.constant 4 : i32
      %swap3A_230 = arith.index_cast %swap3A_229 : i32 to index
      %swap3A_231 = arith.index_cast %mul3A_151 : i32 to index
      %swap3A_232 = tpu.vector_load %arg12[%swap3A_230, %swap3A_231] {strides = array<i32>} : memref<16x1024xf32, #tpu.memory_space<vmem>>, vector<1x16xf32>,
      %swap3A_233 = vector.shape_cast %swap3A_232 : vector<1x16xf32> to vector<16xf32>
      %swap3A_234 = vector.shape_cast %add3A_228 : vector<16xf32> to vector<1x16xf32>
      tpu.vector_store %arg12[%swap3A_230, %swap3A_231], %swap3A_234 {strides = array<i32>} : memref<16x1024xf32, #tpu.memory_space<vmem>>, vector<1x16xf32>,
      %get3A_235 = arith.constant 5 : i32
      %get3A_236 = arith.index_cast %get3A_235 : i32 to index
      %get3A_237 = arith.index_cast %mul3A_151 : i32 to index
      %get3A_238 = tpu.vector_load %arg8[%get3A_236, %get3A_237] {strides = array<i32>} : memref<16x1024xf32, #tpu.memory_space<vmem>>, vector<1x16xf32>,
      %get3A_239 = vector.shape_cast %get3A_238 : vector<1x16xf32> to vector<16xf32>
      %get3A_240 = arith.constant 5 : i32
      %get3A_241 = arith.index_cast %get3A_240 : i32 to index
      %get3A_242 = arith.index_cast %mul3A_151 : i32 to index
      %get3A_243 = tpu.vector_load %arg9[%get3A_241, %get3A_242] {strides = array<i32>} : memref<16x1024xf32, #tpu.memory_space<vmem>>, vector<1x16xf32>,
      %get3A_244 = vector.shape_cast %get3A_243 : vector<1x16xf32> to vector<16xf32>
      %add3A_245 = arith.addf %get3A_239, %get3A_244 : vector<16xf32>
      %swap3A_246 = arith.constant 5 : i32
      %swap3A_247 = arith.index_cast %swap3A_246 : i32 to index
      %swap3A_248 = arith.index_cast %mul3A_151 : i32 to index
      %swap3A_249 = tpu.vector_load %arg12[%swap3A_247, %swap3A_248] {strides = array<i32>} : memref<16x1024xf32, #tpu.memory_space<vmem>>, vector<1x16xf32>,
      %swap3A_250 = vector.shape_cast %swap3A_249 : vector<1x16xf32> to vector<16xf32>
      %swap3A_251 = vector.shape_cast %add3A_245 : vector<16xf32> to vector<1x16xf32>
      tpu.vector_store %arg12[%swap3A_247, %swap3A_248], %swap3A_251 {strides = array<i32>} : memref<16x1024xf32, #tpu.memory_space<vmem>>, vector<1x16xf32>,
      %get3A_252 = arith.constant 6 : i32
      %get3A_253 = arith.index_cast %get3A_252 : i32 to index
      %get3A_254 = arith.index_cast %mul3A_151 : i32 to index
      %get3A_255 = tpu.vector_load %arg8[%get3A_253, %get3A_254] {strides = array<i32>} : memref<16x1024xf32, #tpu.memory_space<vmem>>, vector<1x16xf32>,
      %get3A_256 = vector.shape_cast %get3A_255 : vector<1x16xf32> to vector<16xf32>
      %get3A_257 = arith.constant 6 : i32
      %get3A_258 = arith.index_cast %get3A_257 : i32 to index
      %get3A_259 = arith.index_cast %mul3A_151 : i32 to index
      %get3A_260 = tpu.vector_load %arg9[%get3A_258, %get3A_259] {strides = array<i32>} : memref<16x1024xf32, #tpu.memory_space<vmem>>, vector<1x16xf32>,
      %get3A_261 = vector.shape_cast %get3A_260 : vector<1x16xf32> to vector<16xf32>
      %add3A_262 = arith.addf %get3A_256, %get3A_261 : vector<16xf32>
      %swap3A_263 = arith.constant 6 : i32
      %swap3A_264 = arith.index_cast %swap3A_263 : i32 to index
      %swap3A_265 = arith.index_cast %mul3A_151 : i32 to index
      %swap3A_266 = tpu.vector_load %arg12[%swap3A_264, %swap3A_265] {strides = array<i32>} : memref<16x1024xf32, #tpu.memory_space<vmem>>, vector<1x16xf32>,
      %swap3A_267 = vector.shape_cast %swap3A_266 : vector<1x16xf32> to vector<16xf32>
      %swap3A_268 = vector.shape_cast %add3A_262 : vector<16xf32> to vector<1x16xf32>
      tpu.vector_store %arg12[%swap3A_264, %swap3A_265], %swap3A_268 {strides = array<i32>} : memref<16x1024xf32, #tpu.memory_space<vmem>>, vector<1x16xf32>,
      %get3A_269 = arith.constant 7 : i32
      %get3A_270 = arith.index_cast %get3A_269 : i32 to index
      %get3A_271 = arith.index_cast %mul3A_151 : i32 to index
      %get3A_272 = tpu.vector_load %arg8[%get3A_270, %get3A_271] {strides = array<i32>} : memref<16x1024xf32, #tpu.memory_space<vmem>>, vector<1x16xf32>,
      %get3A_273 = vector.shape_cast %get3A_272 : vector<1x16xf32> to vector<16xf32>
      %get3A_274 = arith.constant 7 : i32
      %get3A_275 = arith.index_cast %get3A_274 : i32 to index
      %get3A_276 = arith.index_cast %mul3A_151 : i32 to index
      %get3A_277 = tpu.vector_load %arg9[%get3A_275, %get3A_276] {strides = array<i32>} : memref<16x1024xf32, #tpu.memory_space<vmem>>, vector<1x16xf32>,
      %get3A_278 = vector.shape_cast %get3A_277 : vector<1x16xf32> to vector<16xf32>
      %add3A_279 = arith.addf %get3A_273, %get3A_278 : vector<16xf32>
      %swap3A_280 = arith.constant 7 : i32
      %swap3A_281 = arith.index_cast %swap3A_280 : i32 to index
      %swap3A_282 = arith.index_cast %mul3A_151 : i32 to index
      %swap3A_283 = tpu.vector_load %arg12[%swap3A_281, %swap3A_282] {strides = array<i32>} : memref<16x1024xf32, #tpu.memory_space<vmem>>, vector<1x16xf32>,
      %swap3A_284 = vector.shape_cast %swap3A_283 : vector<1x16xf32> to vector<16xf32>
      %swap3A_285 = vector.shape_cast %add3A_279 : vector<16xf32> to vector<1x16xf32>
      tpu.vector_store %arg12[%swap3A_281, %swap3A_282], %swap3A_285 {strides = array<i32>} : memref<16x1024xf32, #tpu.memory_space<vmem>>, vector<1x16xf32>,
      %get3A_286 = arith.constant 8 : i32
      %get3A_287 = arith.index_cast %get3A_286 : i32 to index
      %get3A_288 = arith.index_cast %mul3A_151 : i32 to index
      %get3A_289 = tpu.vector_load %arg8[%get3A_287, %get3A_288] {strides = array<i32>} : memref<16x1024xf32, #tpu.memory_space<vmem>>, vector<1x16xf32>,
      %get3A_290 = vector.shape_cast %get3A_289 : vector<1x16xf32> to vector<16xf32>
      %get3A_291 = arith.constant 8 : i32
      %get3A_292 = arith.index_cast %get3A_291 : i32 to index
      %get3A_293 = arith.index_cast %mul3A_151 : i32 to index
      %get3A_294 = tpu.vector_load %arg9[%get3A_292, %get3A_293] {strides = array<i32>} : memref<16x1024xf32, #tpu.memory_space<vmem>>, vector<1x16xf32>,
      %get3A_295 = vector.shape_cast %get3A_294 : vector<1x16xf32> to vector<16xf32>
      %add3A_296 = arith.addf %get3A_290, %get3A_295 : vector<16xf32>
      %swap3A_297 = arith.constant 8 : i32
      %swap3A_298 = arith.index_cast %swap3A_297 : i32 to index
      %swap3A_299 = arith.index_cast %mul3A_151 : i32 to index
      %swap3A_300 = tpu.vector_load %arg12[%swap3A_298, %swap3A_299] {strides = array<i32>} : memref<16x1024xf32, #tpu.memory_space<vmem>>, vector<1x16xf32>,
      %swap3A_301 = vector.shape_cast %swap3A_300 : vector<1x16xf32> to vector<16xf32>
      %swap3A_302 = vector.shape_cast %add3A_296 : vector<16xf32> to vector<1x16xf32>
      tpu.vector_store %arg12[%swap3A_298, %swap3A_299], %swap3A_302 {strides = array<i32>} : memref<16x1024xf32, #tpu.memory_space<vmem>>, vector<1x16xf32>,
      %get3A_303 = arith.constant 9 : i32
      %get3A_304 = arith.index_cast %get3A_303 : i32 to index
      %get3A_305 = arith.index_cast %mul3A_151 : i32 to index
      %get3A_306 = tpu.vector_load %arg8[%get3A_304, %get3A_305] {strides = array<i32>} : memref<16x1024xf32, #tpu.memory_space<vmem>>, vector<1x16xf32>,
      %get3A_307 = vector.shape_cast %get3A_306 : vector<1x16xf32> to vector<16xf32>
      %get3A_308 = arith.constant 9 : i32
      %get3A_309 = arith.index_cast %get3A_308 : i32 to index
      %get3A_310 = arith.index_cast %mul3A_151 : i32 to index
      %get3A_311 = tpu.vector_load %arg9[%get3A_309, %get3A_310] {strides = array<i32>} : memref<16x1024xf32, #tpu.memory_space<vmem>>, vector<1x16xf32>,
      %get3A_312 = vector.shape_cast %get3A_311 : vector<1x16xf32> to vector<16xf32>
      %add3A_313 = arith.addf %get3A_307, %get3A_312 : vector<16xf32>
      %swap3A_314 = arith.constant 9 : i32
      %swap3A_315 = arith.index_cast %swap3A_314 : i32 to index
      %swap3A_316 = arith.index_cast %mul3A_151 : i32 to index
      %swap3A_317 = tpu.vector_load %arg12[%swap3A_315, %swap3A_316] {strides = array<i32>} : memref<16x1024xf32, #tpu.memory_space<vmem>>, vector<1x16xf32>,
      %swap3A_318 = vector.shape_cast %swap3A_317 : vector<1x16xf32> to vector<16xf32>
      %swap3A_319 = vector.shape_cast %add3A_313 : vector<16xf32> to vector<1x16xf32>
      tpu.vector_store %arg12[%swap3A_315, %swap3A_316], %swap3A_319 {strides = array<i32>} : memref<16x1024xf32, #tpu.memory_space<vmem>>, vector<1x16xf32>,
      %get3A_320 = arith.constant 10 : i32
      %get3A_321 = arith.index_cast %get3A_320 : i32 to index
      %get3A_322 = arith.index_cast %mul3A_151 : i32 to index
      %get3A_323 = tpu.vector_load %arg8[%get3A_321, %get3A_322] {strides = array<i32>} : memref<16x1024xf32, #tpu.memory_space<vmem>>, vector<1x16xf32>,
      %get3A_324 = vector.shape_cast %get3A_323 : vector<1x16xf32> to vector<16xf32>
      %get3A_325 = arith.constant 10 : i32
      %get3A_326 = arith.index_cast %get3A_325 : i32 to index
      %get3A_327 = arith.index_cast %mul3A_151 : i32 to index
      %get3A_328 = tpu.vector_load %arg9[%get3A_326, %get3A_327] {strides = array<i32>} : memref<16x1024xf32, #tpu.memory_space<vmem>>, vector<1x16xf32>,
      %get3A_329 = vector.shape_cast %get3A_328 : vector<1x16xf32> to vector<16xf32>
      %add3A_330 = arith.addf %get3A_324, %get3A_329 : vector<16xf32>
      %swap3A_331 = arith.constant 10 : i32
      %swap3A_332 = arith.index_cast %swap3A_331 : i32 to index
      %swap3A_333 = arith.index_cast %mul3A_151 : i32 to index
      %swap3A_334 = tpu.vector_load %arg12[%swap3A_332, %swap3A_333] {strides = array<i32>} : memref<16x1024xf32, #tpu.memory_space<vmem>>, vector<1x16xf32>,
      %swap3A_335 = vector.shape_cast %swap3A_334 : vector<1x16xf32> to vector<16xf32>
      %swap3A_336 = vector.shape_cast %add3A_330 : vector<16xf32> to vector<1x16xf32>
      tpu.vector_store %arg12[%swap3A_332, %swap3A_333], %swap3A_336 {strides = array<i32>} : memref<16x1024xf32, #tpu.memory_space<vmem>>, vector<1x16xf32>,
      %get3A_337 = arith.constant 11 : i32
      %get3A_338 = arith.index_cast %get3A_337 : i32 to index
      %get3A_339 = arith.index_cast %mul3A_151 : i32 to index
      %get3A_340 = tpu.vector_load %arg8[%get3A_338, %get3A_339] {strides = array<i32>} : memref<16x1024xf32, #tpu.memory_space<vmem>>, vector<1x16xf32>,
      %get3A_341 = vector.shape_cast %get3A_340 : vector<1x16xf32> to vector<16xf32>
      %get3A_342 = arith.constant 11 : i32
      %get3A_343 = arith.index_cast %get3A_342 : i32 to index
      %get3A_344 = arith.index_cast %mul3A_151 : i32 to index
      %get3A_345 = tpu.vector_load %arg9[%get3A_343, %get3A_344] {strides = array<i32>} : memref<16x1024xf32, #tpu.memory_space<vmem>>, vector<1x16xf32>,
      %get3A_346 = vector.shape_cast %get3A_345 : vector<1x16xf32> to vector<16xf32>
      %add3A_347 = arith.addf %get3A_341, %get3A_346 : vector<16xf32>
      %swap3A_348 = arith.constant 11 : i32
      %swap3A_349 = arith.index_cast %swap3A_348 : i32 to index
      %swap3A_350 = arith.index_cast %mul3A_151 : i32 to index
      %swap3A_351 = tpu.vector_load %arg12[%swap3A_349, %swap3A_350] {strides = array<i32>} : memref<16x1024xf32, #tpu.memory_space<vmem>>, vector<1x16xf32>,
      %swap3A_352 = vector.shape_cast %swap3A_351 : vector<1x16xf32> to vector<16xf32>
      %swap3A_353 = vector.shape_cast %add3A_347 : vector<16xf32> to vector<1x16xf32>
      tpu.vector_store %arg12[%swap3A_349, %swap3A_350], %swap3A_353 {strides = array<i32>} : memref<16x1024xf32, #tpu.memory_space<vmem>>, vector<1x16xf32>,
      %get3A_354 = arith.constant 12 : i32
      %get3A_355 = arith.index_cast %get3A_354 : i32 to index
      %get3A_356 = arith.index_cast %mul3A_151 : i32 to index
      %get3A_357 = tpu.vector_load %arg8[%get3A_355, %get3A_356] {strides = array<i32>} : memref<16x1024xf32, #tpu.memory_space<vmem>>, vector<1x16xf32>,
      %get3A_358 = vector.shape_cast %get3A_357 : vector<1x16xf32> to vector<16xf32>
      %get3A_359 = arith.constant 12 : i32
      %get3A_360 = arith.index_cast %get3A_359 : i32 to index
      %get3A_361 = arith.index_cast %mul3A_151 : i32 to index
      %get3A_362 = tpu.vector_load %arg9[%get3A_360, %get3A_361] {strides = array<i32>} : memref<16x1024xf32, #tpu.memory_space<vmem>>, vector<1x16xf32>,
      %get3A_363 = vector.shape_cast %get3A_362 : vector<1x16xf32> to vector<16xf32>
      %add3A_364 = arith.addf %get3A_358, %get3A_363 : vector<16xf32>
      %swap3A_365 = arith.constant 12 : i32
      %swap3A_366 = arith.index_cast %swap3A_365 : i32 to index
      %swap3A_367 = arith.index_cast %mul3A_151 : i32 to index
      %swap3A_368 = tpu.vector_load %arg12[%swap3A_366, %swap3A_367] {strides = array<i32>} : memref<16x1024xf32, #tpu.memory_space<vmem>>, vector<1x16xf32>,
      %swap3A_369 = vector.shape_cast %swap3A_368 : vector<1x16xf32> to vector<16xf32>
      %swap3A_370 = vector.shape_cast %add3A_364 : vector<16xf32> to vector<1x16xf32>
      tpu.vector_store %arg12[%swap3A_366, %swap3A_367], %swap3A_370 {strides = array<i32>} : memref<16x1024xf32, #tpu.memory_space<vmem>>, vector<1x16xf32>,
      %get3A_371 = arith.constant 13 : i32
      %get3A_372 = arith.index_cast %get3A_371 : i32 to index
      %get3A_373 = arith.index_cast %mul3A_151 : i32 to index
      %get3A_374 = tpu.vector_load %arg8[%get3A_372, %get3A_373] {strides = array<i32>} : memref<16x1024xf32, #tpu.memory_space<vmem>>, vector<1x16xf32>,
      %get3A_375 = vector.shape_cast %get3A_374 : vector<1x16xf32> to vector<16xf32>
      %get3A_376 = arith.constant 13 : i32
      %get3A_377 = arith.index_cast %get3A_376 : i32 to index
      %get3A_378 = arith.index_cast %mul3A_151 : i32 to index
      %get3A_379 = tpu.vector_load %arg9[%get3A_377, %get3A_378] {strides = array<i32>} : memref<16x1024xf32, #tpu.memory_space<vmem>>, vector<1x16xf32>,
      %get3A_380 = vector.shape_cast %get3A_379 : vector<1x16xf32> to vector<16xf32>
      %add3A_381 = arith.addf %get3A_375, %get3A_380 : vector<16xf32>
      %swap3A_382 = arith.constant 13 : i32
      %swap3A_383 = arith.index_cast %swap3A_382 : i32 to index
      %swap3A_384 = arith.index_cast %mul3A_151 : i32 to index
      %swap3A_385 = tpu.vector_load %arg12[%swap3A_383, %swap3A_384] {strides = array<i32>} : memref<16x1024xf32, #tpu.memory_space<vmem>>, vector<1x16xf32>,
      %swap3A_386 = vector.shape_cast %swap3A_385 : vector<1x16xf32> to vector<16xf32>
      %swap3A_387 = vector.shape_cast %add3A_381 : vector<16xf32> to vector<1x16xf32>
      tpu.vector_store %arg12[%swap3A_383, %swap3A_384], %swap3A_387 {strides = array<i32>} : memref<16x1024xf32, #tpu.memory_space<vmem>>, vector<1x16xf32>,
      %get3A_388 = arith.constant 14 : i32
      %get3A_389 = arith.index_cast %get3A_388 : i32 to index
      %get3A_390 = arith.index_cast %mul3A_151 : i32 to index
      %get3A_391 = tpu.vector_load %arg8[%get3A_389, %get3A_390] {strides = array<i32>} : memref<16x1024xf32, #tpu.memory_space<vmem>>, vector<1x16xf32>,
      %get3A_392 = vector.shape_cast %get3A_391 : vector<1x16xf32> to vector<16xf32>
      %get3A_393 = arith.constant 14 : i32
      %get3A_394 = arith.index_cast %get3A_393 : i32 to index
      %get3A_395 = arith.index_cast %mul3A_151 : i32 to index
      %get3A_396 = tpu.vector_load %arg9[%get3A_394, %get3A_395] {strides = array<i32>} : memref<16x1024xf32, #tpu.memory_space<vmem>>, vector<1x16xf32>,
      %get3A_397 = vector.shape_cast %get3A_396 : vector<1x16xf32> to vector<16xf32>
      %add3A_398 = arith.addf %get3A_392, %get3A_397 : vector<16xf32>
      %swap3A_399 = arith.constant 14 : i32
      %swap3A_400 = arith.index_cast %swap3A_399 : i32 to index
      %swap3A_401 = arith.index_cast %mul3A_151 : i32 to index
      %swap3A_402 = tpu.vector_load %arg12[%swap3A_400, %swap3A_401] {strides = array<i32>} : memref<16x1024xf32, #tpu.memory_space<vmem>>, vector<1x16xf32>,
      %swap3A_403 = vector.shape_cast %swap3A_402 : vector<1x16xf32> to vector<16xf32>
      %swap3A_404 = vector.shape_cast %add3A_398 : vector<16xf32> to vector<1x16xf32>
      tpu.vector_store %arg12[%swap3A_400, %swap3A_401], %swap3A_404 {strides = array<i32>} : memref<16x1024xf32, #tpu.memory_space<vmem>>, vector<1x16xf32>,
      %get3A_405 = arith.constant 15 : i32
      %get3A_406 = arith.index_cast %get3A_405 : i32 to index
      %get3A_407 = arith.index_cast %mul3A_151 : i32 to index
      %get3A_408 = tpu.vector_load %arg8[%get3A_406, %get3A_407] {strides = array<i32>} : memref<16x1024xf32, #tpu.memory_space<vmem>>, vector<1x16xf32>,
      %get3A_409 = vector.shape_cast %get3A_408 : vector<1x16xf32> to vector<16xf32>
      %get3A_410 = arith.constant 15 : i32
      %get3A_411 = arith.index_cast %get3A_410 : i32 to index
      %get3A_412 = arith.index_cast %mul3A_151 : i32 to index
      %get3A_413 = tpu.vector_load %arg9[%get3A_411, %get3A_412] {strides = array<i32>} : memref<16x1024xf32, #tpu.memory_space<vmem>>, vector<1x16xf32>,
      %get3A_414 = vector.shape_cast %get3A_413 : vector<1x16xf32> to vector<16xf32>
      %add3A_415 = arith.addf %get3A_409, %get3A_414 : vector<16xf32>
      %swap3A_416 = arith.constant 15 : i32
      %swap3A_417 = arith.index_cast %swap3A_416 : i32 to index
      %swap3A_418 = arith.index_cast %mul3A_151 : i32 to index
      %swap3A_419 = tpu.vector_load %arg12[%swap3A_417, %swap3A_418] {strides = array<i32>} : memref<16x1024xf32, #tpu.memory_space<vmem>>, vector<1x16xf32>,
      %swap3A_420 = vector.shape_cast %swap3A_419 : vector<1x16xf32> to vector<16xf32>
      %swap3A_421 = vector.shape_cast %add3A_415 : vector<16xf32> to vector<1x16xf32>
      tpu.vector_store %arg12[%swap3A_417, %swap3A_418], %swap3A_421 {strides = array<i32>} : memref<16x1024xf32, #tpu.memory_space<vmem>>, vector<1x16xf32>,
      %scan3A_422 = arith.constant 0 : i32
      scf.yield %scan3A_422 : i32
    }
    %scan3A_36 = arith.constant 64 : i32
    %add3A_37 = arith.constant 0 : i32
    %add3A_38 = arith.addi %mul3A_2, %add3A_37 : i32
    %dma_start3A_39 = arith.constant 0 : i32
    %dma_start3A_40 = tpu.memref_slice %arg5[%add3A_38, %dma_start3A_39] : memref<2048x1024xf32, #tpu.memory_space<hbm>> -> memref<16x1024xf32, #tpu.memory_space<hbm>>
    %dma_start3A_41 = arith.constant 0 : i32
    %dma_start3A_42 = tpu.memref_slice %arg5[%add3A_38, %dma_start3A_41] : memref<2048x1024xf32, #tpu.memory_space<hbm>> -> memref<16x1024xf32, #tpu.memory_space<hbm>>
    tpu.enqueue_dma source(%arg12 : memref<16x1024xf32, #tpu.memory_space<vmem>>) target(%dma_start3A_42 : memref<16x1024xf32, #tpu.memory_space<hbm>>) target_semaphore(%arg15 : memref<!tpu.dma_semaphore, #tpu.memory_space<semaphore_mem>>)
    %dma_start3A_43 = arith.constant 32 : i32
    %dma_start3A_44 = tpu.memref_slice %arg6[%dma_start3A_43] : memref<64xi32, #tpu.memory_space<vmem>> -> memref<16xi32, #tpu.memory_space<vmem>>
    %dma_start3A_45 = arith.constant 0 : i32
    %dma_start3A_46 = arith.constant 0 : i32
    %dma_start3A_47 = tpu.memref_slice %arg2[%dma_start3A_45, %dma_start3A_46] : memref<5888x1024xf32, #tpu.memory_space<hbm>> -> memref<5888x1024xf32, #tpu.memory_space<hbm>>
    tpu.enqueue_indirect_dma source(%dma_start3A_47 : memref<5888x1024xf32, #tpu.memory_space<hbm>>) target(%arg8 : memref<16x1024xf32, #tpu.memory_space<vmem>>) offsets(%dma_start3A_44 : memref<16xi32, #tpu.memory_space<vmem>>) semaphore(%arg14 : memref<!tpu.dma_semaphore, #tpu.memory_space<semaphore_mem>>)
    %dma_start3A_48 = arith.constant 32 : i32
    %dma_start3A_49 = tpu.memref_slice %arg7[%dma_start3A_48] : memref<64xi32, #tpu.memory_space<vmem>> -> memref<16xi32, #tpu.memory_space<vmem>>
    %dma_start3A_50 = arith.constant 0 : i32
    %dma_start3A_51 = arith.constant 0 : i32
    %dma_start3A_52 = tpu.memref_slice %arg2[%dma_start3A_50, %dma_start3A_51] : memref<5888x1024xf32, #tpu.memory_space<hbm>> -> memref<5888x1024xf32, #tpu.memory_space<hbm>>
    tpu.enqueue_indirect_dma source(%dma_start3A_52 : memref<5888x1024xf32, #tpu.memory_space<hbm>>) target(%arg9 : memref<16x1024xf32, #tpu.memory_space<vmem>>) offsets(%dma_start3A_49 : memref<16xi32, #tpu.memory_space<vmem>>) semaphore(%arg14 : memref<!tpu.dma_semaphore, #tpu.memory_space<semaphore_mem>>)
    %dma_wait3A_53 = arith.constant 16 : i32
    %dma_wait3A_54 = tpu.memref_slice %arg6[%dma_wait3A_53] : memref<64xi32, #tpu.memory_space<vmem>> -> memref<16xi32, #tpu.memory_space<vmem>>
    %dma_wait3A_55 = arith.constant 0 : i32
    %dma_wait3A_56 = arith.constant 0 : i32
    %dma_wait3A_57 = tpu.memref_slice %arg2[%dma_wait3A_55, %dma_wait3A_56] : memref<5888x1024xf32, #tpu.memory_space<hbm>> -> memref<5888x1024xf32, #tpu.memory_space<hbm>>
    tpu.wait_indirect_dma semaphore(%arg14 : memref<!tpu.dma_semaphore, #tpu.memory_space<semaphore_mem>>) src(%dma_wait3A_57 : memref<5888x1024xf32, #tpu.memory_space<hbm>>) dst(%arg10 : memref<16x1024xf32, #tpu.memory_space<vmem>>)
    %dma_wait3A_58 = arith.constant 16 : i32
    %dma_wait3A_59 = tpu.memref_slice %arg7[%dma_wait3A_58] : memref<64xi32, #tpu.memory_space<vmem>> -> memref<16xi32, #tpu.memory_space<vmem>>
    %dma_wait3A_60 = arith.constant 0 : i32
    %dma_wait3A_61 = arith.constant 0 : i32
    %dma_wait3A_62 = tpu.memref_slice %arg2[%dma_wait3A_60, %dma_wait3A_61] : memref<5888x1024xf32, #tpu.memory_space<hbm>> -> memref<5888x1024xf32, #tpu.memory_space<hbm>>
    tpu.wait_indirect_dma semaphore(%arg14 : memref<!tpu.dma_semaphore, #tpu.memory_space<semaphore_mem>>) src(%dma_wait3A_62 : memref<5888x1024xf32, #tpu.memory_space<hbm>>) dst(%arg11 : memref<16x1024xf32, #tpu.memory_space<vmem>>)
    %scan3A_63 = arith.constant 0 : i32
    %scan3A_64 = arith.constant 0 : i32
    %scan3A_65 = arith.constant 64 : i32
    %scan3A_66 = arith.addi %scan3A_64, %scan3A_65 : i32
    %scan3A_67 = arith.constant 1 : i32
    %scan3A_68 = scf.for %scan3A_148 = %scan3A_64 to %scan3A_66 step %scan3A_67 iter_args(%scan3A_149 = %scan3A_63) -> (i32)  : i32 {
      %mul3A_150 = arith.constant 16 : i32
      %mul3A_151 = arith.muli %scan3A_148, %mul3A_150 : i32
      %get3A = arith.constant 0 : i32
      %get3A_152 = arith.index_cast %get3A : i32 to index
      %get3A_153 = arith.index_cast %mul3A_151 : i32 to index
      %get3A_154 = tpu.vector_load %arg10[%get3A_152, %get3A_153] {strides = array<i32>} : memref<16x1024xf32, #tpu.memory_space<vmem>>, vector<1x16xf32>,
      %get3A_155 = vector.shape_cast %get3A_154 : vector<1x16xf32> to vector<16xf32>
      %get3A_156 = arith.constant 0 : i32
      %get3A_157 = arith.index_cast %get3A_156 : i32 to index
      %get3A_158 = arith.index_cast %mul3A_151 : i32 to index
      %get3A_159 = tpu.vector_load %arg11[%get3A_157, %get3A_158] {strides = array<i32>} : memref<16x1024xf32, #tpu.memory_space<vmem>>, vector<1x16xf32>,
      %get3A_160 = vector.shape_cast %get3A_159 : vector<1x16xf32> to vector<16xf32>
      %add3A_161 = arith.addf %get3A_155, %get3A_160 : vector<16xf32>
      %swap3A = arith.constant 0 : i32
      %swap3A_162 = arith.index_cast %swap3A : i32 to index
      %swap3A_163 = arith.index_cast %mul3A_151 : i32 to index
      %swap3A_164 = tpu.vector_load %arg13[%swap3A_162, %swap3A_163] {strides = array<i32>} : memref<16x1024xf32, #tpu.memory_space<vmem>>, vector<1x16xf32>,
      %swap3A_165 = vector.shape_cast %swap3A_164 : vector<1x16xf32> to vector<16xf32>
      %swap3A_166 = vector.shape_cast %add3A_161 : vector<16xf32> to vector<1x16xf32>
      tpu.vector_store %arg13[%swap3A_162, %swap3A_163], %swap3A_166 {strides = array<i32>} : memref<16x1024xf32, #tpu.memory_space<vmem>>, vector<1x16xf32>,
      %get3A_167 = arith.constant 1 : i32
      %get3A_168 = arith.index_cast %get3A_167 : i32 to index
      %get3A_169 = arith.index_cast %mul3A_151 : i32 to index
      %get3A_170 = tpu.vector_load %arg10[%get3A_168, %get3A_169] {strides = array<i32>} : memref<16x1024xf32, #tpu.memory_space<vmem>>, vector<1x16xf32>,
      %get3A_171 = vector.shape_cast %get3A_170 : vector<1x16xf32> to vector<16xf32>
      %get3A_172 = arith.constant 1 : i32
      %get3A_173 = arith.index_cast %get3A_172 : i32 to index
      %get3A_174 = arith.index_cast %mul3A_151 : i32 to index
      %get3A_175 = tpu.vector_load %arg11[%get3A_173, %get3A_174] {strides = array<i32>} : memref<16x1024xf32, #tpu.memory_space<vmem>>, vector<1x16xf32>,
      %get3A_176 = vector.shape_cast %get3A_175 : vector<1x16xf32> to vector<16xf32>
      %add3A_177 = arith.addf %get3A_171, %get3A_176 : vector<16xf32>
      %swap3A_178 = arith.constant 1 : i32
      %swap3A_179 = arith.index_cast %swap3A_178 : i32 to index
      %swap3A_180 = arith.index_cast %mul3A_151 : i32 to index
      %swap3A_181 = tpu.vector_load %arg13[%swap3A_179, %swap3A_180] {strides = array<i32>} : memref<16x1024xf32, #tpu.memory_space<vmem>>, vector<1x16xf32>,
      %swap3A_182 = vector.shape_cast %swap3A_181 : vector<1x16xf32> to vector<16xf32>
      %swap3A_183 = vector.shape_cast %add3A_177 : vector<16xf32> to vector<1x16xf32>
      tpu.vector_store %arg13[%swap3A_179, %swap3A_180], %swap3A_183 {strides = array<i32>} : memref<16x1024xf32, #tpu.memory_space<vmem>>, vector<1x16xf32>,
      %get3A_184 = arith.constant 2 : i32
      %get3A_185 = arith.index_cast %get3A_184 : i32 to index
      %get3A_186 = arith.index_cast %mul3A_151 : i32 to index
      %get3A_187 = tpu.vector_load %arg10[%get3A_185, %get3A_186] {strides = array<i32>} : memref<16x1024xf32, #tpu.memory_space<vmem>>, vector<1x16xf32>,
      %get3A_188 = vector.shape_cast %get3A_187 : vector<1x16xf32> to vector<16xf32>
      %get3A_189 = arith.constant 2 : i32
      %get3A_190 = arith.index_cast %get3A_189 : i32 to index
      %get3A_191 = arith.index_cast %mul3A_151 : i32 to index
      %get3A_192 = tpu.vector_load %arg11[%get3A_190, %get3A_191] {strides = array<i32>} : memref<16x1024xf32, #tpu.memory_space<vmem>>, vector<1x16xf32>,
      %get3A_193 = vector.shape_cast %get3A_192 : vector<1x16xf32> to vector<16xf32>
      %add3A_194 = arith.addf %get3A_188, %get3A_193 : vector<16xf32>
      %swap3A_195 = arith.constant 2 : i32
      %swap3A_196 = arith.index_cast %swap3A_195 : i32 to index
      %swap3A_197 = arith.index_cast %mul3A_151 : i32 to index
      %swap3A_198 = tpu.vector_load %arg13[%swap3A_196, %swap3A_197] {strides = array<i32>} : memref<16x1024xf32, #tpu.memory_space<vmem>>, vector<1x16xf32>,
      %swap3A_199 = vector.shape_cast %swap3A_198 : vector<1x16xf32> to vector<16xf32>
      %swap3A_200 = vector.shape_cast %add3A_194 : vector<16xf32> to vector<1x16xf32>
      tpu.vector_store %arg13[%swap3A_196, %swap3A_197], %swap3A_200 {strides = array<i32>} : memref<16x1024xf32, #tpu.memory_space<vmem>>, vector<1x16xf32>,
      %get3A_201 = arith.constant 3 : i32
      %get3A_202 = arith.index_cast %get3A_201 : i32 to index
      %get3A_203 = arith.index_cast %mul3A_151 : i32 to index
      %get3A_204 = tpu.vector_load %arg10[%get3A_202, %get3A_203] {strides = array<i32>} : memref<16x1024xf32, #tpu.memory_space<vmem>>, vector<1x16xf32>,
      %get3A_205 = vector.shape_cast %get3A_204 : vector<1x16xf32> to vector<16xf32>
      %get3A_206 = arith.constant 3 : i32
      %get3A_207 = arith.index_cast %get3A_206 : i32 to index
      %get3A_208 = arith.index_cast %mul3A_151 : i32 to index
      %get3A_209 = tpu.vector_load %arg11[%get3A_207, %get3A_208] {strides = array<i32>} : memref<16x1024xf32, #tpu.memory_space<vmem>>, vector<1x16xf32>,
      %get3A_210 = vector.shape_cast %get3A_209 : vector<1x16xf32> to vector<16xf32>
      %add3A_211 = arith.addf %get3A_205, %get3A_210 : vector<16xf32>
      %swap3A_212 = arith.constant 3 : i32
      %swap3A_213 = arith.index_cast %swap3A_212 : i32 to index
      %swap3A_214 = arith.index_cast %mul3A_151 : i32 to index
      %swap3A_215 = tpu.vector_load %arg13[%swap3A_213, %swap3A_214] {strides = array<i32>} : memref<16x1024xf32, #tpu.memory_space<vmem>>, vector<1x16xf32>,
      %swap3A_216 = vector.shape_cast %swap3A_215 : vector<1x16xf32> to vector<16xf32>
      %swap3A_217 = vector.shape_cast %add3A_211 : vector<16xf32> to vector<1x16xf32>
      tpu.vector_store %arg13[%swap3A_213, %swap3A_214], %swap3A_217 {strides = array<i32>} : memref<16x1024xf32, #tpu.memory_space<vmem>>, vector<1x16xf32>,
      %get3A_218 = arith.constant 4 : i32
      %get3A_219 = arith.index_cast %get3A_218 : i32 to index
      %get3A_220 = arith.index_cast %mul3A_151 : i32 to index
      %get3A_221 = tpu.vector_load %arg10[%get3A_219, %get3A_220] {strides = array<i32>} : memref<16x1024xf32, #tpu.memory_space<vmem>>, vector<1x16xf32>,
      %get3A_222 = vector.shape_cast %get3A_221 : vector<1x16xf32> to vector<16xf32>
      %get3A_223 = arith.constant 4 : i32
      %get3A_224 = arith.index_cast %get3A_223 : i32 to index
      %get3A_225 = arith.index_cast %mul3A_151 : i32 to index
      %get3A_226 = tpu.vector_load %arg11[%get3A_224, %get3A_225] {strides = array<i32>} : memref<16x1024xf32, #tpu.memory_space<vmem>>, vector<1x16xf32>,
      %get3A_227 = vector.shape_cast %get3A_226 : vector<1x16xf32> to vector<16xf32>
      %add3A_228 = arith.addf %get3A_222, %get3A_227 : vector<16xf32>
      %swap3A_229 = arith.constant 4 : i32
      %swap3A_230 = arith.index_cast %swap3A_229 : i32 to index
      %swap3A_231 = arith.index_cast %mul3A_151 : i32 to index
      %swap3A_232 = tpu.vector_load %arg13[%swap3A_230, %swap3A_231] {strides = array<i32>} : memref<16x1024xf32, #tpu.memory_space<vmem>>, vector<1x16xf32>,
      %swap3A_233 = vector.shape_cast %swap3A_232 : vector<1x16xf32> to vector<16xf32>
      %swap3A_234 = vector.shape_cast %add3A_228 : vector<16xf32> to vector<1x16xf32>
      tpu.vector_store %arg13[%swap3A_230, %swap3A_231], %swap3A_234 {strides = array<i32>} : memref<16x1024xf32, #tpu.memory_space<vmem>>, vector<1x16xf32>,
      %get3A_235 = arith.constant 5 : i32
      %get3A_236 = arith.index_cast %get3A_235 : i32 to index
      %get3A_237 = arith.index_cast %mul3A_151 : i32 to index
      %get3A_238 = tpu.vector_load %arg10[%get3A_236, %get3A_237] {strides = array<i32>} : memref<16x1024xf32, #tpu.memory_space<vmem>>, vector<1x16xf32>,
      %get3A_239 = vector.shape_cast %get3A_238 : vector<1x16xf32> to vector<16xf32>
      %get3A_240 = arith.constant 5 : i32
      %get3A_241 = arith.index_cast %get3A_240 : i32 to index
      %get3A_242 = arith.index_cast %mul3A_151 : i32 to index
      %get3A_243 = tpu.vector_load %arg11[%get3A_241, %get3A_242] {strides = array<i32>} : memref<16x1024xf32, #tpu.memory_space<vmem>>, vector<1x16xf32>,
      %get3A_244 = vector.shape_cast %get3A_243 : vector<1x16xf32> to vector<16xf32>
      %add3A_245 = arith.addf %get3A_239, %get3A_244 : vector<16xf32>
      %swap3A_246 = arith.constant 5 : i32
      %swap3A_247 = arith.index_cast %swap3A_246 : i32 to index
      %swap3A_248 = arith.index_cast %mul3A_151 : i32 to index
      %swap3A_249 = tpu.vector_load %arg13[%swap3A_247, %swap3A_248] {strides = array<i32>} : memref<16x1024xf32, #tpu.memory_space<vmem>>, vector<1x16xf32>,
      %swap3A_250 = vector.shape_cast %swap3A_249 : vector<1x16xf32> to vector<16xf32>
      %swap3A_251 = vector.shape_cast %add3A_245 : vector<16xf32> to vector<1x16xf32>
      tpu.vector_store %arg13[%swap3A_247, %swap3A_248], %swap3A_251 {strides = array<i32>} : memref<16x1024xf32, #tpu.memory_space<vmem>>, vector<1x16xf32>,
      %get3A_252 = arith.constant 6 : i32
      %get3A_253 = arith.index_cast %get3A_252 : i32 to index
      %get3A_254 = arith.index_cast %mul3A_151 : i32 to index
      %get3A_255 = tpu.vector_load %arg10[%get3A_253, %get3A_254] {strides = array<i32>} : memref<16x1024xf32, #tpu.memory_space<vmem>>, vector<1x16xf32>,
      %get3A_256 = vector.shape_cast %get3A_255 : vector<1x16xf32> to vector<16xf32>
      %get3A_257 = arith.constant 6 : i32
      %get3A_258 = arith.index_cast %get3A_257 : i32 to index
      %get3A_259 = arith.index_cast %mul3A_151 : i32 to index
      %get3A_260 = tpu.vector_load %arg11[%get3A_258, %get3A_259] {strides = array<i32>} : memref<16x1024xf32, #tpu.memory_space<vmem>>, vector<1x16xf32>,
      %get3A_261 = vector.shape_cast %get3A_260 : vector<1x16xf32> to vector<16xf32>
      %add3A_262 = arith.addf %get3A_256, %get3A_261 : vector<16xf32>
      %swap3A_263 = arith.constant 6 : i32
      %swap3A_264 = arith.index_cast %swap3A_263 : i32 to index
      %swap3A_265 = arith.index_cast %mul3A_151 : i32 to index
      %swap3A_266 = tpu.vector_load %arg13[%swap3A_264, %swap3A_265] {strides = array<i32>} : memref<16x1024xf32, #tpu.memory_space<vmem>>, vector<1x16xf32>,
      %swap3A_267 = vector.shape_cast %swap3A_266 : vector<1x16xf32> to vector<16xf32>
      %swap3A_268 = vector.shape_cast %add3A_262 : vector<16xf32> to vector<1x16xf32>
      tpu.vector_store %arg13[%swap3A_264, %swap3A_265], %swap3A_268 {strides = array<i32>} : memref<16x1024xf32, #tpu.memory_space<vmem>>, vector<1x16xf32>,
      %get3A_269 = arith.constant 7 : i32
      %get3A_270 = arith.index_cast %get3A_269 : i32 to index
      %get3A_271 = arith.index_cast %mul3A_151 : i32 to index
      %get3A_272 = tpu.vector_load %arg10[%get3A_270, %get3A_271] {strides = array<i32>} : memref<16x1024xf32, #tpu.memory_space<vmem>>, vector<1x16xf32>,
      %get3A_273 = vector.shape_cast %get3A_272 : vector<1x16xf32> to vector<16xf32>
      %get3A_274 = arith.constant 7 : i32
      %get3A_275 = arith.index_cast %get3A_274 : i32 to index
      %get3A_276 = arith.index_cast %mul3A_151 : i32 to index
      %get3A_277 = tpu.vector_load %arg11[%get3A_275, %get3A_276] {strides = array<i32>} : memref<16x1024xf32, #tpu.memory_space<vmem>>, vector<1x16xf32>,
      %get3A_278 = vector.shape_cast %get3A_277 : vector<1x16xf32> to vector<16xf32>
      %add3A_279 = arith.addf %get3A_273, %get3A_278 : vector<16xf32>
      %swap3A_280 = arith.constant 7 : i32
      %swap3A_281 = arith.index_cast %swap3A_280 : i32 to index
      %swap3A_282 = arith.index_cast %mul3A_151 : i32 to index
      %swap3A_283 = tpu.vector_load %arg13[%swap3A_281, %swap3A_282] {strides = array<i32>} : memref<16x1024xf32, #tpu.memory_space<vmem>>, vector<1x16xf32>,
      %swap3A_284 = vector.shape_cast %swap3A_283 : vector<1x16xf32> to vector<16xf32>
      %swap3A_285 = vector.shape_cast %add3A_279 : vector<16xf32> to vector<1x16xf32>
      tpu.vector_store %arg13[%swap3A_281, %swap3A_282], %swap3A_285 {strides = array<i32>} : memref<16x1024xf32, #tpu.memory_space<vmem>>, vector<1x16xf32>,
      %get3A_286 = arith.constant 8 : i32
      %get3A_287 = arith.index_cast %get3A_286 : i32 to index
      %get3A_288 = arith.index_cast %mul3A_151 : i32 to index
      %get3A_289 = tpu.vector_load %arg10[%get3A_287, %get3A_288] {strides = array<i32>} : memref<16x1024xf32, #tpu.memory_space<vmem>>, vector<1x16xf32>,
      %get3A_290 = vector.shape_cast %get3A_289 : vector<1x16xf32> to vector<16xf32>
      %get3A_291 = arith.constant 8 : i32
      %get3A_292 = arith.index_cast %get3A_291 : i32 to index
      %get3A_293 = arith.index_cast %mul3A_151 : i32 to index
      %get3A_294 = tpu.vector_load %arg11[%get3A_292, %get3A_293] {strides = array<i32>} : memref<16x1024xf32, #tpu.memory_space<vmem>>, vector<1x16xf32>,
      %get3A_295 = vector.shape_cast %get3A_294 : vector<1x16xf32> to vector<16xf32>
      %add3A_296 = arith.addf %get3A_290, %get3A_295 : vector<16xf32>
      %swap3A_297 = arith.constant 8 : i32
      %swap3A_298 = arith.index_cast %swap3A_297 : i32 to index
      %swap3A_299 = arith.index_cast %mul3A_151 : i32 to index
      %swap3A_300 = tpu.vector_load %arg13[%swap3A_298, %swap3A_299] {strides = array<i32>} : memref<16x1024xf32, #tpu.memory_space<vmem>>, vector<1x16xf32>,
      %swap3A_301 = vector.shape_cast %swap3A_300 : vector<1x16xf32> to vector<16xf32>
      %swap3A_302 = vector.shape_cast %add3A_296 : vector<16xf32> to vector<1x16xf32>
      tpu.vector_store %arg13[%swap3A_298, %swap3A_299], %swap3A_302 {strides = array<i32>} : memref<16x1024xf32, #tpu.memory_space<vmem>>, vector<1x16xf32>,
      %get3A_303 = arith.constant 9 : i32
      %get3A_304 = arith.index_cast %get3A_303 : i32 to index
      %get3A_305 = arith.index_cast %mul3A_151 : i32 to index
      %get3A_306 = tpu.vector_load %arg10[%get3A_304, %get3A_305] {strides = array<i32>} : memref<16x1024xf32, #tpu.memory_space<vmem>>, vector<1x16xf32>,
      %get3A_307 = vector.shape_cast %get3A_306 : vector<1x16xf32> to vector<16xf32>
      %get3A_308 = arith.constant 9 : i32
      %get3A_309 = arith.index_cast %get3A_308 : i32 to index
      %get3A_310 = arith.index_cast %mul3A_151 : i32 to index
      %get3A_311 = tpu.vector_load %arg11[%get3A_309, %get3A_310] {strides = array<i32>} : memref<16x1024xf32, #tpu.memory_space<vmem>>, vector<1x16xf32>,
      %get3A_312 = vector.shape_cast %get3A_311 : vector<1x16xf32> to vector<16xf32>
      %add3A_313 = arith.addf %get3A_307, %get3A_312 : vector<16xf32>
      %swap3A_314 = arith.constant 9 : i32
      %swap3A_315 = arith.index_cast %swap3A_314 : i32 to index
      %swap3A_316 = arith.index_cast %mul3A_151 : i32 to index
      %swap3A_317 = tpu.vector_load %arg13[%swap3A_315, %swap3A_316] {strides = array<i32>} : memref<16x1024xf32, #tpu.memory_space<vmem>>, vector<1x16xf32>,
      %swap3A_318 = vector.shape_cast %swap3A_317 : vector<1x16xf32> to vector<16xf32>
      %swap3A_319 = vector.shape_cast %add3A_313 : vector<16xf32> to vector<1x16xf32>
      tpu.vector_store %arg13[%swap3A_315, %swap3A_316], %swap3A_319 {strides = array<i32>} : memref<16x1024xf32, #tpu.memory_space<vmem>>, vector<1x16xf32>,
      %get3A_320 = arith.constant 10 : i32
      %get3A_321 = arith.index_cast %get3A_320 : i32 to index
      %get3A_322 = arith.index_cast %mul3A_151 : i32 to index
      %get3A_323 = tpu.vector_load %arg10[%get3A_321, %get3A_322] {strides = array<i32>} : memref<16x1024xf32, #tpu.memory_space<vmem>>, vector<1x16xf32>,
      %get3A_324 = vector.shape_cast %get3A_323 : vector<1x16xf32> to vector<16xf32>
      %get3A_325 = arith.constant 10 : i32
      %get3A_326 = arith.index_cast %get3A_325 : i32 to index
      %get3A_327 = arith.index_cast %mul3A_151 : i32 to index
      %get3A_328 = tpu.vector_load %arg11[%get3A_326, %get3A_327] {strides = array<i32>} : memref<16x1024xf32, #tpu.memory_space<vmem>>, vector<1x16xf32>,
      %get3A_329 = vector.shape_cast %get3A_328 : vector<1x16xf32> to vector<16xf32>
      %add3A_330 = arith.addf %get3A_324, %get3A_329 : vector<16xf32>
      %swap3A_331 = arith.constant 10 : i32
      %swap3A_332 = arith.index_cast %swap3A_331 : i32 to index
      %swap3A_333 = arith.index_cast %mul3A_151 : i32 to index
      %swap3A_334 = tpu.vector_load %arg13[%swap3A_332, %swap3A_333] {strides = array<i32>} : memref<16x1024xf32, #tpu.memory_space<vmem>>, vector<1x16xf32>,
      %swap3A_335 = vector.shape_cast %swap3A_334 : vector<1x16xf32> to vector<16xf32>
      %swap3A_336 = vector.shape_cast %add3A_330 : vector<16xf32> to vector<1x16xf32>
      tpu.vector_store %arg13[%swap3A_332, %swap3A_333], %swap3A_336 {strides = array<i32>} : memref<16x1024xf32, #tpu.memory_space<vmem>>, vector<1x16xf32>,
      %get3A_337 = arith.constant 11 : i32
      %get3A_338 = arith.index_cast %get3A_337 : i32 to index
      %get3A_339 = arith.index_cast %mul3A_151 : i32 to index
      %get3A_340 = tpu.vector_load %arg10[%get3A_338, %get3A_339] {strides = array<i32>} : memref<16x1024xf32, #tpu.memory_space<vmem>>, vector<1x16xf32>,
      %get3A_341 = vector.shape_cast %get3A_340 : vector<1x16xf32> to vector<16xf32>
      %get3A_342 = arith.constant 11 : i32
      %get3A_343 = arith.index_cast %get3A_342 : i32 to index
      %get3A_344 = arith.index_cast %mul3A_151 : i32 to index
      %get3A_345 = tpu.vector_load %arg11[%get3A_343, %get3A_344] {strides = array<i32>} : memref<16x1024xf32, #tpu.memory_space<vmem>>, vector<1x16xf32>,
      %get3A_346 = vector.shape_cast %get3A_345 : vector<1x16xf32> to vector<16xf32>
      %add3A_347 = arith.addf %get3A_341, %get3A_346 : vector<16xf32>
      %swap3A_348 = arith.constant 11 : i32
      %swap3A_349 = arith.index_cast %swap3A_348 : i32 to index
      %swap3A_350 = arith.index_cast %mul3A_151 : i32 to index
      %swap3A_351 = tpu.vector_load %arg13[%swap3A_349, %swap3A_350] {strides = array<i32>} : memref<16x1024xf32, #tpu.memory_space<vmem>>, vector<1x16xf32>,
      %swap3A_352 = vector.shape_cast %swap3A_351 : vector<1x16xf32> to vector<16xf32>
      %swap3A_353 = vector.shape_cast %add3A_347 : vector<16xf32> to vector<1x16xf32>
      tpu.vector_store %arg13[%swap3A_349, %swap3A_350], %swap3A_353 {strides = array<i32>} : memref<16x1024xf32, #tpu.memory_space<vmem>>, vector<1x16xf32>,
      %get3A_354 = arith.constant 12 : i32
      %get3A_355 = arith.index_cast %get3A_354 : i32 to index
      %get3A_356 = arith.index_cast %mul3A_151 : i32 to index
      %get3A_357 = tpu.vector_load %arg10[%get3A_355, %get3A_356] {strides = array<i32>} : memref<16x1024xf32, #tpu.memory_space<vmem>>, vector<1x16xf32>,
      %get3A_358 = vector.shape_cast %get3A_357 : vector<1x16xf32> to vector<16xf32>
      %get3A_359 = arith.constant 12 : i32
      %get3A_360 = arith.index_cast %get3A_359 : i32 to index
      %get3A_361 = arith.index_cast %mul3A_151 : i32 to index
      %get3A_362 = tpu.vector_load %arg11[%get3A_360, %get3A_361] {strides = array<i32>} : memref<16x1024xf32, #tpu.memory_space<vmem>>, vector<1x16xf32>,
      %get3A_363 = vector.shape_cast %get3A_362 : vector<1x16xf32> to vector<16xf32>
      %add3A_364 = arith.addf %get3A_358, %get3A_363 : vector<16xf32>
      %swap3A_365 = arith.constant 12 : i32
      %swap3A_366 = arith.index_cast %swap3A_365 : i32 to index
      %swap3A_367 = arith.index_cast %mul3A_151 : i32 to index
      %swap3A_368 = tpu.vector_load %arg13[%swap3A_366, %swap3A_367] {strides = array<i32>} : memref<16x1024xf32, #tpu.memory_space<vmem>>, vector<1x16xf32>,
      %swap3A_369 = vector.shape_cast %swap3A_368 : vector<1x16xf32> to vector<16xf32>
      %swap3A_370 = vector.shape_cast %add3A_364 : vector<16xf32> to vector<1x16xf32>
      tpu.vector_store %arg13[%swap3A_366, %swap3A_367], %swap3A_370 {strides = array<i32>} : memref<16x1024xf32, #tpu.memory_space<vmem>>, vector<1x16xf32>,
      %get3A_371 = arith.constant 13 : i32
      %get3A_372 = arith.index_cast %get3A_371 : i32 to index
      %get3A_373 = arith.index_cast %mul3A_151 : i32 to index
      %get3A_374 = tpu.vector_load %arg10[%get3A_372, %get3A_373] {strides = array<i32>} : memref<16x1024xf32, #tpu.memory_space<vmem>>, vector<1x16xf32>,
      %get3A_375 = vector.shape_cast %get3A_374 : vector<1x16xf32> to vector<16xf32>
      %get3A_376 = arith.constant 13 : i32
      %get3A_377 = arith.index_cast %get3A_376 : i32 to index
      %get3A_378 = arith.index_cast %mul3A_151 : i32 to index
      %get3A_379 = tpu.vector_load %arg11[%get3A_377, %get3A_378] {strides = array<i32>} : memref<16x1024xf32, #tpu.memory_space<vmem>>, vector<1x16xf32>,
      %get3A_380 = vector.shape_cast %get3A_379 : vector<1x16xf32> to vector<16xf32>
      %add3A_381 = arith.addf %get3A_375, %get3A_380 : vector<16xf32>
      %swap3A_382 = arith.constant 13 : i32
      %swap3A_383 = arith.index_cast %swap3A_382 : i32 to index
      %swap3A_384 = arith.index_cast %mul3A_151 : i32 to index
      %swap3A_385 = tpu.vector_load %arg13[%swap3A_383, %swap3A_384] {strides = array<i32>} : memref<16x1024xf32, #tpu.memory_space<vmem>>, vector<1x16xf32>,
      %swap3A_386 = vector.shape_cast %swap3A_385 : vector<1x16xf32> to vector<16xf32>
      %swap3A_387 = vector.shape_cast %add3A_381 : vector<16xf32> to vector<1x16xf32>
      tpu.vector_store %arg13[%swap3A_383, %swap3A_384], %swap3A_387 {strides = array<i32>} : memref<16x1024xf32, #tpu.memory_space<vmem>>, vector<1x16xf32>,
      %get3A_388 = arith.constant 14 : i32
      %get3A_389 = arith.index_cast %get3A_388 : i32 to index
      %get3A_390 = arith.index_cast %mul3A_151 : i32 to index
      %get3A_391 = tpu.vector_load %arg10[%get3A_389, %get3A_390] {strides = array<i32>} : memref<16x1024xf32, #tpu.memory_space<vmem>>, vector<1x16xf32>,
      %get3A_392 = vector.shape_cast %get3A_391 : vector<1x16xf32> to vector<16xf32>
      %get3A_393 = arith.constant 14 : i32
      %get3A_394 = arith.index_cast %get3A_393 : i32 to index
      %get3A_395 = arith.index_cast %mul3A_151 : i32 to index
      %get3A_396 = tpu.vector_load %arg11[%get3A_394, %get3A_395] {strides = array<i32>} : memref<16x1024xf32, #tpu.memory_space<vmem>>, vector<1x16xf32>,
      %get3A_397 = vector.shape_cast %get3A_396 : vector<1x16xf32> to vector<16xf32>
      %add3A_398 = arith.addf %get3A_392, %get3A_397 : vector<16xf32>
      %swap3A_399 = arith.constant 14 : i32
      %swap3A_400 = arith.index_cast %swap3A_399 : i32 to index
      %swap3A_401 = arith.index_cast %mul3A_151 : i32 to index
      %swap3A_402 = tpu.vector_load %arg13[%swap3A_400, %swap3A_401] {strides = array<i32>} : memref<16x1024xf32, #tpu.memory_space<vmem>>, vector<1x16xf32>,
      %swap3A_403 = vector.shape_cast %swap3A_402 : vector<1x16xf32> to vector<16xf32>
      %swap3A_404 = vector.shape_cast %add3A_398 : vector<16xf32> to vector<1x16xf32>
      tpu.vector_store %arg13[%swap3A_400, %swap3A_401], %swap3A_404 {strides = array<i32>} : memref<16x1024xf32, #tpu.memory_space<vmem>>, vector<1x16xf32>,
      %get3A_405 = arith.constant 15 : i32
      %get3A_406 = arith.index_cast %get3A_405 : i32 to index
      %get3A_407 = arith.index_cast %mul3A_151 : i32 to index
      %get3A_408 = tpu.vector_load %arg10[%get3A_406, %get3A_407] {strides = array<i32>} : memref<16x1024xf32, #tpu.memory_space<vmem>>, vector<1x16xf32>,
      %get3A_409 = vector.shape_cast %get3A_408 : vector<1x16xf32> to vector<16xf32>
      %get3A_410 = arith.constant 15 : i32
      %get3A_411 = arith.index_cast %get3A_410 : i32 to index
      %get3A_412 = arith.index_cast %mul3A_151 : i32 to index
      %get3A_413 = tpu.vector_load %arg11[%get3A_411, %get3A_412] {strides = array<i32>} : memref<16x1024xf32, #tpu.memory_space<vmem>>, vector<1x16xf32>,
      %get3A_414 = vector.shape_cast %get3A_413 : vector<1x16xf32> to vector<16xf32>
      %add3A_415 = arith.addf %get3A_409, %get3A_414 : vector<16xf32>
      %swap3A_416 = arith.constant 15 : i32
      %swap3A_417 = arith.index_cast %swap3A_416 : i32 to index
      %swap3A_418 = arith.index_cast %mul3A_151 : i32 to index
      %swap3A_419 = tpu.vector_load %arg13[%swap3A_417, %swap3A_418] {strides = array<i32>} : memref<16x1024xf32, #tpu.memory_space<vmem>>, vector<1x16xf32>,
      %swap3A_420 = vector.shape_cast %swap3A_419 : vector<1x16xf32> to vector<16xf32>
      %swap3A_421 = vector.shape_cast %add3A_415 : vector<16xf32> to vector<1x16xf32>
      tpu.vector_store %arg13[%swap3A_417, %swap3A_418], %swap3A_421 {strides = array<i32>} : memref<16x1024xf32, #tpu.memory_space<vmem>>, vector<1x16xf32>,
      %scan3A_422 = arith.constant 0 : i32
      scf.yield %scan3A_422 : i32
    }
    %scan3A_69 = arith.constant 64 : i32
    %add3A_70 = arith.constant 16 : i32
    %add3A_71 = arith.addi %mul3A_2, %add3A_70 : i32
    %dma_start3A_72 = arith.constant 0 : i32
    %dma_start3A_73 = tpu.memref_slice %arg5[%add3A_71, %dma_start3A_72] : memref<2048x1024xf32, #tpu.memory_space<hbm>> -> memref<16x1024xf32, #tpu.memory_space<hbm>>
    %dma_start3A_74 = arith.constant 0 : i32
    %dma_start3A_75 = tpu.memref_slice %arg5[%add3A_71, %dma_start3A_74] : memref<2048x1024xf32, #tpu.memory_space<hbm>> -> memref<16x1024xf32, #tpu.memory_space<hbm>>
    tpu.enqueue_dma source(%arg13 : memref<16x1024xf32, #tpu.memory_space<vmem>>) target(%dma_start3A_75 : memref<16x1024xf32, #tpu.memory_space<hbm>>) target_semaphore(%arg15 : memref<!tpu.dma_semaphore, #tpu.memory_space<semaphore_mem>>)
    %dma_start3A_76 = arith.constant 48 : i32
    %dma_start3A_77 = tpu.memref_slice %arg6[%dma_start3A_76] : memref<64xi32, #tpu.memory_space<vmem>> -> memref<16xi32, #tpu.memory_space<vmem>>
    %dma_start3A_78 = arith.constant 0 : i32
    %dma_start3A_79 = arith.constant 0 : i32
    %dma_start3A_80 = tpu.memref_slice %arg2[%dma_start3A_78, %dma_start3A_79] : memref<5888x1024xf32, #tpu.memory_space<hbm>> -> memref<5888x1024xf32, #tpu.memory_space<hbm>>
    tpu.enqueue_indirect_dma source(%dma_start3A_80 : memref<5888x1024xf32, #tpu.memory_space<hbm>>) target(%arg10 : memref<16x1024xf32, #tpu.memory_space<vmem>>) offsets(%dma_start3A_77 : memref<16xi32, #tpu.memory_space<vmem>>) semaphore(%arg14 : memref<!tpu.dma_semaphore, #tpu.memory_space<semaphore_mem>>)
    %dma_start3A_81 = arith.constant 48 : i32
    %dma_start3A_82 = tpu.memref_slice %arg7[%dma_start3A_81] : memref<64xi32, #tpu.memory_space<vmem>> -> memref<16xi32, #tpu.memory_space<vmem>>
    %dma_start3A_83 = arith.constant 0 : i32
    %dma_start3A_84 = arith.constant 0 : i32
    %dma_start3A_85 = tpu.memref_slice %arg2[%dma_start3A_83, %dma_start3A_84] : memref<5888x1024xf32, #tpu.memory_space<hbm>> -> memref<5888x1024xf32, #tpu.memory_space<hbm>>
    tpu.enqueue_indirect_dma source(%dma_start3A_85 : memref<5888x1024xf32, #tpu.memory_space<hbm>>) target(%arg11 : memref<16x1024xf32, #tpu.memory_space<vmem>>) offsets(%dma_start3A_82 : memref<16xi32, #tpu.memory_space<vmem>>) semaphore(%arg14 : memref<!tpu.dma_semaphore, #tpu.memory_space<semaphore_mem>>)
    %dma_wait3A_86 = arith.constant 32 : i32
    %dma_wait3A_87 = tpu.memref_slice %arg6[%dma_wait3A_86] : memref<64xi32, #tpu.memory_space<vmem>> -> memref<16xi32, #tpu.memory_space<vmem>>
    %dma_wait3A_88 = arith.constant 0 : i32
    %dma_wait3A_89 = arith.constant 0 : i32
    %dma_wait3A_90 = tpu.memref_slice %arg2[%dma_wait3A_88, %dma_wait3A_89] : memref<5888x1024xf32, #tpu.memory_space<hbm>> -> memref<5888x1024xf32, #tpu.memory_space<hbm>>
    tpu.wait_indirect_dma semaphore(%arg14 : memref<!tpu.dma_semaphore, #tpu.memory_space<semaphore_mem>>) src(%dma_wait3A_90 : memref<5888x1024xf32, #tpu.memory_space<hbm>>) dst(%arg8 : memref<16x1024xf32, #tpu.memory_space<vmem>>)
    %dma_wait3A_91 = arith.constant 32 : i32
    %dma_wait3A_92 = tpu.memref_slice %arg7[%dma_wait3A_91] : memref<64xi32, #tpu.memory_space<vmem>> -> memref<16xi32, #tpu.memory_space<vmem>>
    %dma_wait3A_93 = arith.constant 0 : i32
    %dma_wait3A_94 = arith.constant 0 : i32
    %dma_wait3A_95 = tpu.memref_slice %arg2[%dma_wait3A_93, %dma_wait3A_94] : memref<5888x1024xf32, #tpu.memory_space<hbm>> -> memref<5888x1024xf32, #tpu.memory_space<hbm>>
    tpu.wait_indirect_dma semaphore(%arg14 : memref<!tpu.dma_semaphore, #tpu.memory_space<semaphore_mem>>) src(%dma_wait3A_95 : memref<5888x1024xf32, #tpu.memory_space<hbm>>) dst(%arg9 : memref<16x1024xf32, #tpu.memory_space<vmem>>)
    %dma_wait3A_96 = arith.constant 0 : i32
    %dma_wait3A_97 = tpu.memref_slice %arg5[%add3A_38, %dma_wait3A_96] : memref<2048x1024xf32, #tpu.memory_space<hbm>> -> memref<16x1024xf32, #tpu.memory_space<hbm>>
    %dma_wait3A_98 = arith.constant 0 : i32
    %dma_wait3A_99 = tpu.memref_slice %arg5[%add3A_38, %dma_wait3A_98] : memref<2048x1024xf32, #tpu.memory_space<hbm>> -> memref<16x1024xf32, #tpu.memory_space<hbm>>
    tpu.wait_dma2 semaphore(%arg15 : memref<!tpu.dma_semaphore, #tpu.memory_space<semaphore_mem>>) src(%arg12 : memref<16x1024xf32, #tpu.memory_space<vmem>>) dst(%dma_wait3A_99 : memref<16x1024xf32, #tpu.memory_space<hbm>>)
    %scan3A_100 = arith.constant 0 : i32
    %scan3A_101 = arith.constant 0 : i32
    %scan3A_102 = arith.constant 64 : i32
    %scan3A_103 = arith.addi %scan3A_101, %scan3A_102 : i32
    %scan3A_104 = arith.constant 1 : i32
    %scan3A_105 = scf.for %scan3A_148 = %scan3A_101 to %scan3A_103 step %scan3A_104 iter_args(%scan3A_149 = %scan3A_100) -> (i32)  : i32 {
      %mul3A_150 = arith.constant 16 : i32
      %mul3A_151 = arith.muli %scan3A_148, %mul3A_150 : i32
      %get3A = arith.constant 0 : i32
      %get3A_152 = arith.index_cast %get3A : i32 to index
      %get3A_153 = arith.index_cast %mul3A_151 : i32 to index
      %get3A_154 = tpu.vector_load %arg8[%get3A_152, %get3A_153] {strides = array<i32>} : memref<16x1024xf32, #tpu.memory_space<vmem>>, vector<1x16xf32>,
      %get3A_155 = vector.shape_cast %get3A_154 : vector<1x16xf32> to vector<16xf32>
      %get3A_156 = arith.constant 0 : i32
      %get3A_157 = arith.index_cast %get3A_156 : i32 to index
      %get3A_158 = arith.index_cast %mul3A_151 : i32 to index
      %get3A_159 = tpu.vector_load %arg9[%get3A_157, %get3A_158] {strides = array<i32>} : memref<16x1024xf32, #tpu.memory_space<vmem>>, vector<1x16xf32>,
      %get3A_160 = vector.shape_cast %get3A_159 : vector<1x16xf32> to vector<16xf32>
      %add3A_161 = arith.addf %get3A_155, %get3A_160 : vector<16xf32>
      %swap3A = arith.constant 0 : i32
      %swap3A_162 = arith.index_cast %swap3A : i32 to index
      %swap3A_163 = arith.index_cast %mul3A_151 : i32 to index
      %swap3A_164 = tpu.vector_load %arg12[%swap3A_162, %swap3A_163] {strides = array<i32>} : memref<16x1024xf32, #tpu.memory_space<vmem>>, vector<1x16xf32>,
      %swap3A_165 = vector.shape_cast %swap3A_164 : vector<1x16xf32> to vector<16xf32>
      %swap3A_166 = vector.shape_cast %add3A_161 : vector<16xf32> to vector<1x16xf32>
      tpu.vector_store %arg12[%swap3A_162, %swap3A_163], %swap3A_166 {strides = array<i32>} : memref<16x1024xf32, #tpu.memory_space<vmem>>, vector<1x16xf32>,
      %get3A_167 = arith.constant 1 : i32
      %get3A_168 = arith.index_cast %get3A_167 : i32 to index
      %get3A_169 = arith.index_cast %mul3A_151 : i32 to index
      %get3A_170 = tpu.vector_load %arg8[%get3A_168, %get3A_169] {strides = array<i32>} : memref<16x1024xf32, #tpu.memory_space<vmem>>, vector<1x16xf32>,
      %get3A_171 = vector.shape_cast %get3A_170 : vector<1x16xf32> to vector<16xf32>
      %get3A_172 = arith.constant 1 : i32
      %get3A_173 = arith.index_cast %get3A_172 : i32 to index
      %get3A_174 = arith.index_cast %mul3A_151 : i32 to index
      %get3A_175 = tpu.vector_load %arg9[%get3A_173, %get3A_174] {strides = array<i32>} : memref<16x1024xf32, #tpu.memory_space<vmem>>, vector<1x16xf32>,
      %get3A_176 = vector.shape_cast %get3A_175 : vector<1x16xf32> to vector<16xf32>
      %add3A_177 = arith.addf %get3A_171, %get3A_176 : vector<16xf32>
      %swap3A_178 = arith.constant 1 : i32
      %swap3A_179 = arith.index_cast %swap3A_178 : i32 to index
      %swap3A_180 = arith.index_cast %mul3A_151 : i32 to index
      %swap3A_181 = tpu.vector_load %arg12[%swap3A_179, %swap3A_180] {strides = array<i32>} : memref<16x1024xf32, #tpu.memory_space<vmem>>, vector<1x16xf32>,
      %swap3A_182 = vector.shape_cast %swap3A_181 : vector<1x16xf32> to vector<16xf32>
      %swap3A_183 = vector.shape_cast %add3A_177 : vector<16xf32> to vector<1x16xf32>
      tpu.vector_store %arg12[%swap3A_179, %swap3A_180], %swap3A_183 {strides = array<i32>} : memref<16x1024xf32, #tpu.memory_space<vmem>>, vector<1x16xf32>,
      %get3A_184 = arith.constant 2 : i32
      %get3A_185 = arith.index_cast %get3A_184 : i32 to index
      %get3A_186 = arith.index_cast %mul3A_151 : i32 to index
      %get3A_187 = tpu.vector_load %arg8[%get3A_185, %get3A_186] {strides = array<i32>} : memref<16x1024xf32, #tpu.memory_space<vmem>>, vector<1x16xf32>,
      %get3A_188 = vector.shape_cast %get3A_187 : vector<1x16xf32> to vector<16xf32>
      %get3A_189 = arith.constant 2 : i32
      %get3A_190 = arith.index_cast %get3A_189 : i32 to index
      %get3A_191 = arith.index_cast %mul3A_151 : i32 to index
      %get3A_192 = tpu.vector_load %arg9[%get3A_190, %get3A_191] {strides = array<i32>} : memref<16x1024xf32, #tpu.memory_space<vmem>>, vector<1x16xf32>,
      %get3A_193 = vector.shape_cast %get3A_192 : vector<1x16xf32> to vector<16xf32>
      %add3A_194 = arith.addf %get3A_188, %get3A_193 : vector<16xf32>
      %swap3A_195 = arith.constant 2 : i32
      %swap3A_196 = arith.index_cast %swap3A_195 : i32 to index
      %swap3A_197 = arith.index_cast %mul3A_151 : i32 to index
      %swap3A_198 = tpu.vector_load %arg12[%swap3A_196, %swap3A_197] {strides = array<i32>} : memref<16x1024xf32, #tpu.memory_space<vmem>>, vector<1x16xf32>,
      %swap3A_199 = vector.shape_cast %swap3A_198 : vector<1x16xf32> to vector<16xf32>
      %swap3A_200 = vector.shape_cast %add3A_194 : vector<16xf32> to vector<1x16xf32>
      tpu.vector_store %arg12[%swap3A_196, %swap3A_197], %swap3A_200 {strides = array<i32>} : memref<16x1024xf32, #tpu.memory_space<vmem>>, vector<1x16xf32>,
      %get3A_201 = arith.constant 3 : i32
      %get3A_202 = arith.index_cast %get3A_201 : i32 to index
      %get3A_203 = arith.index_cast %mul3A_151 : i32 to index
      %get3A_204 = tpu.vector_load %arg8[%get3A_202, %get3A_203] {strides = array<i32>} : memref<16x1024xf32, #tpu.memory_space<vmem>>, vector<1x16xf32>,
      %get3A_205 = vector.shape_cast %get3A_204 : vector<1x16xf32> to vector<16xf32>
      %get3A_206 = arith.constant 3 : i32
      %get3A_207 = arith.index_cast %get3A_206 : i32 to index
      %get3A_208 = arith.index_cast %mul3A_151 : i32 to index
      %get3A_209 = tpu.vector_load %arg9[%get3A_207, %get3A_208] {strides = array<i32>} : memref<16x1024xf32, #tpu.memory_space<vmem>>, vector<1x16xf32>,
      %get3A_210 = vector.shape_cast %get3A_209 : vector<1x16xf32> to vector<16xf32>
      %add3A_211 = arith.addf %get3A_205, %get3A_210 : vector<16xf32>
      %swap3A_212 = arith.constant 3 : i32
      %swap3A_213 = arith.index_cast %swap3A_212 : i32 to index
      %swap3A_214 = arith.index_cast %mul3A_151 : i32 to index
      %swap3A_215 = tpu.vector_load %arg12[%swap3A_213, %swap3A_214] {strides = array<i32>} : memref<16x1024xf32, #tpu.memory_space<vmem>>, vector<1x16xf32>,
      %swap3A_216 = vector.shape_cast %swap3A_215 : vector<1x16xf32> to vector<16xf32>
      %swap3A_217 = vector.shape_cast %add3A_211 : vector<16xf32> to vector<1x16xf32>
      tpu.vector_store %arg12[%swap3A_213, %swap3A_214], %swap3A_217 {strides = array<i32>} : memref<16x1024xf32, #tpu.memory_space<vmem>>, vector<1x16xf32>,
      %get3A_218 = arith.constant 4 : i32
      %get3A_219 = arith.index_cast %get3A_218 : i32 to index
      %get3A_220 = arith.index_cast %mul3A_151 : i32 to index
      %get3A_221 = tpu.vector_load %arg8[%get3A_219, %get3A_220] {strides = array<i32>} : memref<16x1024xf32, #tpu.memory_space<vmem>>, vector<1x16xf32>,
      %get3A_222 = vector.shape_cast %get3A_221 : vector<1x16xf32> to vector<16xf32>
      %get3A_223 = arith.constant 4 : i32
      %get3A_224 = arith.index_cast %get3A_223 : i32 to index
      %get3A_225 = arith.index_cast %mul3A_151 : i32 to index
      %get3A_226 = tpu.vector_load %arg9[%get3A_224, %get3A_225] {strides = array<i32>} : memref<16x1024xf32, #tpu.memory_space<vmem>>, vector<1x16xf32>,
      %get3A_227 = vector.shape_cast %get3A_226 : vector<1x16xf32> to vector<16xf32>
      %add3A_228 = arith.addf %get3A_222, %get3A_227 : vector<16xf32>
      %swap3A_229 = arith.constant 4 : i32
      %swap3A_230 = arith.index_cast %swap3A_229 : i32 to index
      %swap3A_231 = arith.index_cast %mul3A_151 : i32 to index
      %swap3A_232 = tpu.vector_load %arg12[%swap3A_230, %swap3A_231] {strides = array<i32>} : memref<16x1024xf32, #tpu.memory_space<vmem>>, vector<1x16xf32>,
      %swap3A_233 = vector.shape_cast %swap3A_232 : vector<1x16xf32> to vector<16xf32>
      %swap3A_234 = vector.shape_cast %add3A_228 : vector<16xf32> to vector<1x16xf32>
      tpu.vector_store %arg12[%swap3A_230, %swap3A_231], %swap3A_234 {strides = array<i32>} : memref<16x1024xf32, #tpu.memory_space<vmem>>, vector<1x16xf32>,
      %get3A_235 = arith.constant 5 : i32
      %get3A_236 = arith.index_cast %get3A_235 : i32 to index
      %get3A_237 = arith.index_cast %mul3A_151 : i32 to index
      %get3A_238 = tpu.vector_load %arg8[%get3A_236, %get3A_237] {strides = array<i32>} : memref<16x1024xf32, #tpu.memory_space<vmem>>, vector<1x16xf32>,
      %get3A_239 = vector.shape_cast %get3A_238 : vector<1x16xf32> to vector<16xf32>
      %get3A_240 = arith.constant 5 : i32
      %get3A_241 = arith.index_cast %get3A_240 : i32 to index
      %get3A_242 = arith.index_cast %mul3A_151 : i32 to index
      %get3A_243 = tpu.vector_load %arg9[%get3A_241, %get3A_242] {strides = array<i32>} : memref<16x1024xf32, #tpu.memory_space<vmem>>, vector<1x16xf32>,
      %get3A_244 = vector.shape_cast %get3A_243 : vector<1x16xf32> to vector<16xf32>
      %add3A_245 = arith.addf %get3A_239, %get3A_244 : vector<16xf32>
      %swap3A_246 = arith.constant 5 : i32
      %swap3A_247 = arith.index_cast %swap3A_246 : i32 to index
      %swap3A_248 = arith.index_cast %mul3A_151 : i32 to index
      %swap3A_249 = tpu.vector_load %arg12[%swap3A_247, %swap3A_248] {strides = array<i32>} : memref<16x1024xf32, #tpu.memory_space<vmem>>, vector<1x16xf32>,
      %swap3A_250 = vector.shape_cast %swap3A_249 : vector<1x16xf32> to vector<16xf32>
      %swap3A_251 = vector.shape_cast %add3A_245 : vector<16xf32> to vector<1x16xf32>
      tpu.vector_store %arg12[%swap3A_247, %swap3A_248], %swap3A_251 {strides = array<i32>} : memref<16x1024xf32, #tpu.memory_space<vmem>>, vector<1x16xf32>,
      %get3A_252 = arith.constant 6 : i32
      %get3A_253 = arith.index_cast %get3A_252 : i32 to index
      %get3A_254 = arith.index_cast %mul3A_151 : i32 to index
      %get3A_255 = tpu.vector_load %arg8[%get3A_253, %get3A_254] {strides = array<i32>} : memref<16x1024xf32, #tpu.memory_space<vmem>>, vector<1x16xf32>,
      %get3A_256 = vector.shape_cast %get3A_255 : vector<1x16xf32> to vector<16xf32>
      %get3A_257 = arith.constant 6 : i32
      %get3A_258 = arith.index_cast %get3A_257 : i32 to index
      %get3A_259 = arith.index_cast %mul3A_151 : i32 to index
      %get3A_260 = tpu.vector_load %arg9[%get3A_258, %get3A_259] {strides = array<i32>} : memref<16x1024xf32, #tpu.memory_space<vmem>>, vector<1x16xf32>,
      %get3A_261 = vector.shape_cast %get3A_260 : vector<1x16xf32> to vector<16xf32>
      %add3A_262 = arith.addf %get3A_256, %get3A_261 : vector<16xf32>
      %swap3A_263 = arith.constant 6 : i32
      %swap3A_264 = arith.index_cast %swap3A_263 : i32 to index
      %swap3A_265 = arith.index_cast %mul3A_151 : i32 to index
      %swap3A_266 = tpu.vector_load %arg12[%swap3A_264, %swap3A_265] {strides = array<i32>} : memref<16x1024xf32, #tpu.memory_space<vmem>>, vector<1x16xf32>,
      %swap3A_267 = vector.shape_cast %swap3A_266 : vector<1x16xf32> to vector<16xf32>
      %swap3A_268 = vector.shape_cast %add3A_262 : vector<16xf32> to vector<1x16xf32>
      tpu.vector_store %arg12[%swap3A_264, %swap3A_265], %swap3A_268 {strides = array<i32>} : memref<16x1024xf32, #tpu.memory_space<vmem>>, vector<1x16xf32>,
      %get3A_269 = arith.constant 7 : i32
      %get3A_270 = arith.index_cast %get3A_269 : i32 to index
      %get3A_271 = arith.index_cast %mul3A_151 : i32 to index
      %get3A_272 = tpu.vector_load %arg8[%get3A_270, %get3A_271] {strides = array<i32>} : memref<16x1024xf32, #tpu.memory_space<vmem>>, vector<1x16xf32>,
      %get3A_273 = vector.shape_cast %get3A_272 : vector<1x16xf32> to vector<16xf32>
      %get3A_274 = arith.constant 7 : i32
      %get3A_275 = arith.index_cast %get3A_274 : i32 to index
      %get3A_276 = arith.index_cast %mul3A_151 : i32 to index
      %get3A_277 = tpu.vector_load %arg9[%get3A_275, %get3A_276] {strides = array<i32>} : memref<16x1024xf32, #tpu.memory_space<vmem>>, vector<1x16xf32>,
      %get3A_278 = vector.shape_cast %get3A_277 : vector<1x16xf32> to vector<16xf32>
      %add3A_279 = arith.addf %get3A_273, %get3A_278 : vector<16xf32>
      %swap3A_280 = arith.constant 7 : i32
      %swap3A_281 = arith.index_cast %swap3A_280 : i32 to index
      %swap3A_282 = arith.index_cast %mul3A_151 : i32 to index
      %swap3A_283 = tpu.vector_load %arg12[%swap3A_281, %swap3A_282] {strides = array<i32>} : memref<16x1024xf32, #tpu.memory_space<vmem>>, vector<1x16xf32>,
      %swap3A_284 = vector.shape_cast %swap3A_283 : vector<1x16xf32> to vector<16xf32>
      %swap3A_285 = vector.shape_cast %add3A_279 : vector<16xf32> to vector<1x16xf32>
      tpu.vector_store %arg12[%swap3A_281, %swap3A_282], %swap3A_285 {strides = array<i32>} : memref<16x1024xf32, #tpu.memory_space<vmem>>, vector<1x16xf32>,
      %get3A_286 = arith.constant 8 : i32
      %get3A_287 = arith.index_cast %get3A_286 : i32 to index
      %get3A_288 = arith.index_cast %mul3A_151 : i32 to index
      %get3A_289 = tpu.vector_load %arg8[%get3A_287, %get3A_288] {strides = array<i32>} : memref<16x1024xf32, #tpu.memory_space<vmem>>, vector<1x16xf32>,
      %get3A_290 = vector.shape_cast %get3A_289 : vector<1x16xf32> to vector<16xf32>
      %get3A_291 = arith.constant 8 : i32
      %get3A_292 = arith.index_cast %get3A_291 : i32 to index
      %get3A_293 = arith.index_cast %mul3A_151 : i32 to index
      %get3A_294 = tpu.vector_load %arg9[%get3A_292, %get3A_293] {strides = array<i32>} : memref<16x1024xf32, #tpu.memory_space<vmem>>, vector<1x16xf32>,
      %get3A_295 = vector.shape_cast %get3A_294 : vector<1x16xf32> to vector<16xf32>
      %add3A_296 = arith.addf %get3A_290, %get3A_295 : vector<16xf32>
      %swap3A_297 = arith.constant 8 : i32
      %swap3A_298 = arith.index_cast %swap3A_297 : i32 to index
      %swap3A_299 = arith.index_cast %mul3A_151 : i32 to index
      %swap3A_300 = tpu.vector_load %arg12[%swap3A_298, %swap3A_299] {strides = array<i32>} : memref<16x1024xf32, #tpu.memory_space<vmem>>, vector<1x16xf32>,
      %swap3A_301 = vector.shape_cast %swap3A_300 : vector<1x16xf32> to vector<16xf32>
      %swap3A_302 = vector.shape_cast %add3A_296 : vector<16xf32> to vector<1x16xf32>
      tpu.vector_store %arg12[%swap3A_298, %swap3A_299], %swap3A_302 {strides = array<i32>} : memref<16x1024xf32, #tpu.memory_space<vmem>>, vector<1x16xf32>,
      %get3A_303 = arith.constant 9 : i32
      %get3A_304 = arith.index_cast %get3A_303 : i32 to index
      %get3A_305 = arith.index_cast %mul3A_151 : i32 to index
      %get3A_306 = tpu.vector_load %arg8[%get3A_304, %get3A_305] {strides = array<i32>} : memref<16x1024xf32, #tpu.memory_space<vmem>>, vector<1x16xf32>,
      %get3A_307 = vector.shape_cast %get3A_306 : vector<1x16xf32> to vector<16xf32>
      %get3A_308 = arith.constant 9 : i32
      %get3A_309 = arith.index_cast %get3A_308 : i32 to index
      %get3A_310 = arith.index_cast %mul3A_151 : i32 to index
      %get3A_311 = tpu.vector_load %arg9[%get3A_309, %get3A_310] {strides = array<i32>} : memref<16x1024xf32, #tpu.memory_space<vmem>>, vector<1x16xf32>,
      %get3A_312 = vector.shape_cast %get3A_311 : vector<1x16xf32> to vector<16xf32>
      %add3A_313 = arith.addf %get3A_307, %get3A_312 : vector<16xf32>
      %swap3A_314 = arith.constant 9 : i32
      %swap3A_315 = arith.index_cast %swap3A_314 : i32 to index
      %swap3A_316 = arith.index_cast %mul3A_151 : i32 to index
      %swap3A_317 = tpu.vector_load %arg12[%swap3A_315, %swap3A_316] {strides = array<i32>} : memref<16x1024xf32, #tpu.memory_space<vmem>>, vector<1x16xf32>,
      %swap3A_318 = vector.shape_cast %swap3A_317 : vector<1x16xf32> to vector<16xf32>
      %swap3A_319 = vector.shape_cast %add3A_313 : vector<16xf32> to vector<1x16xf32>
      tpu.vector_store %arg12[%swap3A_315, %swap3A_316], %swap3A_319 {strides = array<i32>} : memref<16x1024xf32, #tpu.memory_space<vmem>>, vector<1x16xf32>,
      %get3A_320 = arith.constant 10 : i32
      %get3A_321 = arith.index_cast %get3A_320 : i32 to index
      %get3A_322 = arith.index_cast %mul3A_151 : i32 to index
      %get3A_323 = tpu.vector_load %arg8[%get3A_321, %get3A_322] {strides = array<i32>} : memref<16x1024xf32, #tpu.memory_space<vmem>>, vector<1x16xf32>,
      %get3A_324 = vector.shape_cast %get3A_323 : vector<1x16xf32> to vector<16xf32>
      %get3A_325 = arith.constant 10 : i32
      %get3A_326 = arith.index_cast %get3A_325 : i32 to index
      %get3A_327 = arith.index_cast %mul3A_151 : i32 to index
      %get3A_328 = tpu.vector_load %arg9[%get3A_326, %get3A_327] {strides = array<i32>} : memref<16x1024xf32, #tpu.memory_space<vmem>>, vector<1x16xf32>,
      %get3A_329 = vector.shape_cast %get3A_328 : vector<1x16xf32> to vector<16xf32>
      %add3A_330 = arith.addf %get3A_324, %get3A_329 : vector<16xf32>
      %swap3A_331 = arith.constant 10 : i32
      %swap3A_332 = arith.index_cast %swap3A_331 : i32 to index
      %swap3A_333 = arith.index_cast %mul3A_151 : i32 to index
      %swap3A_334 = tpu.vector_load %arg12[%swap3A_332, %swap3A_333] {strides = array<i32>} : memref<16x1024xf32, #tpu.memory_space<vmem>>, vector<1x16xf32>,
      %swap3A_335 = vector.shape_cast %swap3A_334 : vector<1x16xf32> to vector<16xf32>
      %swap3A_336 = vector.shape_cast %add3A_330 : vector<16xf32> to vector<1x16xf32>
      tpu.vector_store %arg12[%swap3A_332, %swap3A_333], %swap3A_336 {strides = array<i32>} : memref<16x1024xf32, #tpu.memory_space<vmem>>, vector<1x16xf32>,
      %get3A_337 = arith.constant 11 : i32
      %get3A_338 = arith.index_cast %get3A_337 : i32 to index
      %get3A_339 = arith.index_cast %mul3A_151 : i32 to index
      %get3A_340 = tpu.vector_load %arg8[%get3A_338, %get3A_339] {strides = array<i32>} : memref<16x1024xf32, #tpu.memory_space<vmem>>, vector<1x16xf32>,
      %get3A_341 = vector.shape_cast %get3A_340 : vector<1x16xf32> to vector<16xf32>
      %get3A_342 = arith.constant 11 : i32
      %get3A_343 = arith.index_cast %get3A_342 : i32 to index
      %get3A_344 = arith.index_cast %mul3A_151 : i32 to index
      %get3A_345 = tpu.vector_load %arg9[%get3A_343, %get3A_344] {strides = array<i32>} : memref<16x1024xf32, #tpu.memory_space<vmem>>, vector<1x16xf32>,
      %get3A_346 = vector.shape_cast %get3A_345 : vector<1x16xf32> to vector<16xf32>
      %add3A_347 = arith.addf %get3A_341, %get3A_346 : vector<16xf32>
      %swap3A_348 = arith.constant 11 : i32
      %swap3A_349 = arith.index_cast %swap3A_348 : i32 to index
      %swap3A_350 = arith.index_cast %mul3A_151 : i32 to index
      %swap3A_351 = tpu.vector_load %arg12[%swap3A_349, %swap3A_350] {strides = array<i32>} : memref<16x1024xf32, #tpu.memory_space<vmem>>, vector<1x16xf32>,
      %swap3A_352 = vector.shape_cast %swap3A_351 : vector<1x16xf32> to vector<16xf32>
      %swap3A_353 = vector.shape_cast %add3A_347 : vector<16xf32> to vector<1x16xf32>
      tpu.vector_store %arg12[%swap3A_349, %swap3A_350], %swap3A_353 {strides = array<i32>} : memref<16x1024xf32, #tpu.memory_space<vmem>>, vector<1x16xf32>,
      %get3A_354 = arith.constant 12 : i32
      %get3A_355 = arith.index_cast %get3A_354 : i32 to index
      %get3A_356 = arith.index_cast %mul3A_151 : i32 to index
      %get3A_357 = tpu.vector_load %arg8[%get3A_355, %get3A_356] {strides = array<i32>} : memref<16x1024xf32, #tpu.memory_space<vmem>>, vector<1x16xf32>,
      %get3A_358 = vector.shape_cast %get3A_357 : vector<1x16xf32> to vector<16xf32>
      %get3A_359 = arith.constant 12 : i32
      %get3A_360 = arith.index_cast %get3A_359 : i32 to index
      %get3A_361 = arith.index_cast %mul3A_151 : i32 to index
      %get3A_362 = tpu.vector_load %arg9[%get3A_360, %get3A_361] {strides = array<i32>} : memref<16x1024xf32, #tpu.memory_space<vmem>>, vector<1x16xf32>,
      %get3A_363 = vector.shape_cast %get3A_362 : vector<1x16xf32> to vector<16xf32>
      %add3A_364 = arith.addf %get3A_358, %get3A_363 : vector<16xf32>
      %swap3A_365 = arith.constant 12 : i32
      %swap3A_366 = arith.index_cast %swap3A_365 : i32 to index
      %swap3A_367 = arith.index_cast %mul3A_151 : i32 to index
      %swap3A_368 = tpu.vector_load %arg12[%swap3A_366, %swap3A_367] {strides = array<i32>} : memref<16x1024xf32, #tpu.memory_space<vmem>>, vector<1x16xf32>,
      %swap3A_369 = vector.shape_cast %swap3A_368 : vector<1x16xf32> to vector<16xf32>
      %swap3A_370 = vector.shape_cast %add3A_364 : vector<16xf32> to vector<1x16xf32>
      tpu.vector_store %arg12[%swap3A_366, %swap3A_367], %swap3A_370 {strides = array<i32>} : memref<16x1024xf32, #tpu.memory_space<vmem>>, vector<1x16xf32>,
      %get3A_371 = arith.constant 13 : i32
      %get3A_372 = arith.index_cast %get3A_371 : i32 to index
      %get3A_373 = arith.index_cast %mul3A_151 : i32 to index
      %get3A_374 = tpu.vector_load %arg8[%get3A_372, %get3A_373] {strides = array<i32>} : memref<16x1024xf32, #tpu.memory_space<vmem>>, vector<1x16xf32>,
      %get3A_375 = vector.shape_cast %get3A_374 : vector<1x16xf32> to vector<16xf32>
      %get3A_376 = arith.constant 13 : i32
      %get3A_377 = arith.index_cast %get3A_376 : i32 to index
      %get3A_378 = arith.index_cast %mul3A_151 : i32 to index
      %get3A_379 = tpu.vector_load %arg9[%get3A_377, %get3A_378] {strides = array<i32>} : memref<16x1024xf32, #tpu.memory_space<vmem>>, vector<1x16xf32>,
      %get3A_380 = vector.shape_cast %get3A_379 : vector<1x16xf32> to vector<16xf32>
      %add3A_381 = arith.addf %get3A_375, %get3A_380 : vector<16xf32>
      %swap3A_382 = arith.constant 13 : i32
      %swap3A_383 = arith.index_cast %swap3A_382 : i32 to index
      %swap3A_384 = arith.index_cast %mul3A_151 : i32 to index
      %swap3A_385 = tpu.vector_load %arg12[%swap3A_383, %swap3A_384] {strides = array<i32>} : memref<16x1024xf32, #tpu.memory_space<vmem>>, vector<1x16xf32>,
      %swap3A_386 = vector.shape_cast %swap3A_385 : vector<1x16xf32> to vector<16xf32>
      %swap3A_387 = vector.shape_cast %add3A_381 : vector<16xf32> to vector<1x16xf32>
      tpu.vector_store %arg12[%swap3A_383, %swap3A_384], %swap3A_387 {strides = array<i32>} : memref<16x1024xf32, #tpu.memory_space<vmem>>, vector<1x16xf32>,
      %get3A_388 = arith.constant 14 : i32
      %get3A_389 = arith.index_cast %get3A_388 : i32 to index
      %get3A_390 = arith.index_cast %mul3A_151 : i32 to index
      %get3A_391 = tpu.vector_load %arg8[%get3A_389, %get3A_390] {strides = array<i32>} : memref<16x1024xf32, #tpu.memory_space<vmem>>, vector<1x16xf32>,
      %get3A_392 = vector.shape_cast %get3A_391 : vector<1x16xf32> to vector<16xf32>
      %get3A_393 = arith.constant 14 : i32
      %get3A_394 = arith.index_cast %get3A_393 : i32 to index
      %get3A_395 = arith.index_cast %mul3A_151 : i32 to index
      %get3A_396 = tpu.vector_load %arg9[%get3A_394, %get3A_395] {strides = array<i32>} : memref<16x1024xf32, #tpu.memory_space<vmem>>, vector<1x16xf32>,
      %get3A_397 = vector.shape_cast %get3A_396 : vector<1x16xf32> to vector<16xf32>
      %add3A_398 = arith.addf %get3A_392, %get3A_397 : vector<16xf32>
      %swap3A_399 = arith.constant 14 : i32
      %swap3A_400 = arith.index_cast %swap3A_399 : i32 to index
      %swap3A_401 = arith.index_cast %mul3A_151 : i32 to index
      %swap3A_402 = tpu.vector_load %arg12[%swap3A_400, %swap3A_401] {strides = array<i32>} : memref<16x1024xf32, #tpu.memory_space<vmem>>, vector<1x16xf32>,
      %swap3A_403 = vector.shape_cast %swap3A_402 : vector<1x16xf32> to vector<16xf32>
      %swap3A_404 = vector.shape_cast %add3A_398 : vector<16xf32> to vector<1x16xf32>
      tpu.vector_store %arg12[%swap3A_400, %swap3A_401], %swap3A_404 {strides = array<i32>} : memref<16x1024xf32, #tpu.memory_space<vmem>>, vector<1x16xf32>,
      %get3A_405 = arith.constant 15 : i32
      %get3A_406 = arith.index_cast %get3A_405 : i32 to index
      %get3A_407 = arith.index_cast %mul3A_151 : i32 to index
      %get3A_408 = tpu.vector_load %arg8[%get3A_406, %get3A_407] {strides = array<i32>} : memref<16x1024xf32, #tpu.memory_space<vmem>>, vector<1x16xf32>,
      %get3A_409 = vector.shape_cast %get3A_408 : vector<1x16xf32> to vector<16xf32>
      %get3A_410 = arith.constant 15 : i32
      %get3A_411 = arith.index_cast %get3A_410 : i32 to index
      %get3A_412 = arith.index_cast %mul3A_151 : i32 to index
      %get3A_413 = tpu.vector_load %arg9[%get3A_411, %get3A_412] {strides = array<i32>} : memref<16x1024xf32, #tpu.memory_space<vmem>>, vector<1x16xf32>,
      %get3A_414 = vector.shape_cast %get3A_413 : vector<1x16xf32> to vector<16xf32>
      %add3A_415 = arith.addf %get3A_409, %get3A_414 : vector<16xf32>
      %swap3A_416 = arith.constant 15 : i32
      %swap3A_417 = arith.index_cast %swap3A_416 : i32 to index
      %swap3A_418 = arith.index_cast %mul3A_151 : i32 to index
      %swap3A_419 = tpu.vector_load %arg12[%swap3A_417, %swap3A_418] {strides = array<i32>} : memref<16x1024xf32, #tpu.memory_space<vmem>>, vector<1x16xf32>,
      %swap3A_420 = vector.shape_cast %swap3A_419 : vector<1x16xf32> to vector<16xf32>
      %swap3A_421 = vector.shape_cast %add3A_415 : vector<16xf32> to vector<1x16xf32>
      tpu.vector_store %arg12[%swap3A_417, %swap3A_418], %swap3A_421 {strides = array<i32>} : memref<16x1024xf32, #tpu.memory_space<vmem>>, vector<1x16xf32>,
      %scan3A_422 = arith.constant 0 : i32
      scf.yield %scan3A_422 : i32
    }
    %scan3A_106 = arith.constant 64 : i32
    %add3A_107 = arith.constant 32 : i32
    %add3A_108 = arith.addi %mul3A_2, %add3A_107 : i32
    %dma_start3A_109 = arith.constant 0 : i32
    %dma_start3A_110 = tpu.memref_slice %arg5[%add3A_108, %dma_start3A_109] : memref<2048x1024xf32, #tpu.memory_space<hbm>> -> memref<16x1024xf32, #tpu.memory_space<hbm>>
    %dma_start3A_111 = arith.constant 0 : i32
    %dma_start3A_112 = tpu.memref_slice %arg5[%add3A_108, %dma_start3A_111] : memref<2048x1024xf32, #tpu.memory_space<hbm>> -> memref<16x1024xf32, #tpu.memory_space<hbm>>
    tpu.enqueue_dma source(%arg12 : memref<16x1024xf32, #tpu.memory_space<vmem>>) target(%dma_start3A_112 : memref<16x1024xf32, #tpu.memory_space<hbm>>) target_semaphore(%arg15 : memref<!tpu.dma_semaphore, #tpu.memory_space<semaphore_mem>>)
    %dma_wait3A_113 = arith.constant 48 : i32
    %dma_wait3A_114 = tpu.memref_slice %arg6[%dma_wait3A_113] : memref<64xi32, #tpu.memory_space<vmem>> -> memref<16xi32, #tpu.memory_space<vmem>>
    %dma_wait3A_115 = arith.constant 0 : i32
    %dma_wait3A_116 = arith.constant 0 : i32
    %dma_wait3A_117 = tpu.memref_slice %arg2[%dma_wait3A_115, %dma_wait3A_116] : memref<5888x1024xf32, #tpu.memory_space<hbm>> -> memref<5888x1024xf32, #tpu.memory_space<hbm>>
    tpu.wait_indirect_dma semaphore(%arg14 : memref<!tpu.dma_semaphore, #tpu.memory_space<semaphore_mem>>) src(%dma_wait3A_117 : memref<5888x1024xf32, #tpu.memory_space<hbm>>) dst(%arg10 : memref<16x1024xf32, #tpu.memory_space<vmem>>)
    %dma_wait3A_118 = arith.constant 48 : i32
    %dma_wait3A_119 = tpu.memref_slice %arg7[%dma_wait3A_118] : memref<64xi32, #tpu.memory_space<vmem>> -> memref<16xi32, #tpu.memory_space<vmem>>
    %dma_wait3A_120 = arith.constant 0 : i32
    %dma_wait3A_121 = arith.constant 0 : i32
    %dma_wait3A_122 = tpu.memref_slice %arg2[%dma_wait3A_120, %dma_wait3A_121] : memref<5888x1024xf32, #tpu.memory_space<hbm>> -> memref<5888x1024xf32, #tpu.memory_space<hbm>>
    tpu.wait_indirect_dma semaphore(%arg14 : memref<!tpu.dma_semaphore, #tpu.memory_space<semaphore_mem>>) src(%dma_wait3A_122 : memref<5888x1024xf32, #tpu.memory_space<hbm>>) dst(%arg11 : memref<16x1024xf32, #tpu.memory_space<vmem>>)
    %dma_wait3A_123 = arith.constant 0 : i32
    %dma_wait3A_124 = tpu.memref_slice %arg5[%add3A_71, %dma_wait3A_123] : memref<2048x1024xf32, #tpu.memory_space<hbm>> -> memref<16x1024xf32, #tpu.memory_space<hbm>>
    %dma_wait3A_125 = arith.constant 0 : i32
    %dma_wait3A_126 = tpu.memref_slice %arg5[%add3A_71, %dma_wait3A_125] : memref<2048x1024xf32, #tpu.memory_space<hbm>> -> memref<16x1024xf32, #tpu.memory_space<hbm>>
    tpu.wait_dma2 semaphore(%arg15 : memref<!tpu.dma_semaphore, #tpu.memory_space<semaphore_mem>>) src(%arg13 : memref<16x1024xf32, #tpu.memory_space<vmem>>) dst(%dma_wait3A_126 : memref<16x1024xf32, #tpu.memory_space<hbm>>)
    %scan3A_127 = arith.constant 0 : i32
    %scan3A_128 = arith.constant 0 : i32
    %scan3A_129 = arith.constant 64 : i32
    %scan3A_130 = arith.addi %scan3A_128, %scan3A_129 : i32
    %scan3A_131 = arith.constant 1 : i32
    %scan3A_132 = scf.for %scan3A_148 = %scan3A_128 to %scan3A_130 step %scan3A_131 iter_args(%scan3A_149 = %scan3A_127) -> (i32)  : i32 {
      %mul3A_150 = arith.constant 16 : i32
      %mul3A_151 = arith.muli %scan3A_148, %mul3A_150 : i32
      %get3A = arith.constant 0 : i32
      %get3A_152 = arith.index_cast %get3A : i32 to index
      %get3A_153 = arith.index_cast %mul3A_151 : i32 to index
      %get3A_154 = tpu.vector_load %arg10[%get3A_152, %get3A_153] {strides = array<i32>} : memref<16x1024xf32, #tpu.memory_space<vmem>>, vector<1x16xf32>,
      %get3A_155 = vector.shape_cast %get3A_154 : vector<1x16xf32> to vector<16xf32>
      %get3A_156 = arith.constant 0 : i32
      %get3A_157 = arith.index_cast %get3A_156 : i32 to index
      %get3A_158 = arith.index_cast %mul3A_151 : i32 to index
      %get3A_159 = tpu.vector_load %arg11[%get3A_157, %get3A_158] {strides = array<i32>} : memref<16x1024xf32, #tpu.memory_space<vmem>>, vector<1x16xf32>,
      %get3A_160 = vector.shape_cast %get3A_159 : vector<1x16xf32> to vector<16xf32>
      %add3A_161 = arith.addf %get3A_155, %get3A_160 : vector<16xf32>
      %swap3A = arith.constant 0 : i32
      %swap3A_162 = arith.index_cast %swap3A : i32 to index
      %swap3A_163 = arith.index_cast %mul3A_151 : i32 to index
      %swap3A_164 = tpu.vector_load %arg13[%swap3A_162, %swap3A_163] {strides = array<i32>} : memref<16x1024xf32, #tpu.memory_space<vmem>>, vector<1x16xf32>,
      %swap3A_165 = vector.shape_cast %swap3A_164 : vector<1x16xf32> to vector<16xf32>
      %swap3A_166 = vector.shape_cast %add3A_161 : vector<16xf32> to vector<1x16xf32>
      tpu.vector_store %arg13[%swap3A_162, %swap3A_163], %swap3A_166 {strides = array<i32>} : memref<16x1024xf32, #tpu.memory_space<vmem>>, vector<1x16xf32>,
      %get3A_167 = arith.constant 1 : i32
      %get3A_168 = arith.index_cast %get3A_167 : i32 to index
      %get3A_169 = arith.index_cast %mul3A_151 : i32 to index
      %get3A_170 = tpu.vector_load %arg10[%get3A_168, %get3A_169] {strides = array<i32>} : memref<16x1024xf32, #tpu.memory_space<vmem>>, vector<1x16xf32>,
      %get3A_171 = vector.shape_cast %get3A_170 : vector<1x16xf32> to vector<16xf32>
      %get3A_172 = arith.constant 1 : i32
      %get3A_173 = arith.index_cast %get3A_172 : i32 to index
      %get3A_174 = arith.index_cast %mul3A_151 : i32 to index
      %get3A_175 = tpu.vector_load %arg11[%get3A_173, %get3A_174] {strides = array<i32>} : memref<16x1024xf32, #tpu.memory_space<vmem>>, vector<1x16xf32>,
      %get3A_176 = vector.shape_cast %get3A_175 : vector<1x16xf32> to vector<16xf32>
      %add3A_177 = arith.addf %get3A_171, %get3A_176 : vector<16xf32>
      %swap3A_178 = arith.constant 1 : i32
      %swap3A_179 = arith.index_cast %swap3A_178 : i32 to index
      %swap3A_180 = arith.index_cast %mul3A_151 : i32 to index
      %swap3A_181 = tpu.vector_load %arg13[%swap3A_179, %swap3A_180] {strides = array<i32>} : memref<16x1024xf32, #tpu.memory_space<vmem>>, vector<1x16xf32>,
      %swap3A_182 = vector.shape_cast %swap3A_181 : vector<1x16xf32> to vector<16xf32>
      %swap3A_183 = vector.shape_cast %add3A_177 : vector<16xf32> to vector<1x16xf32>
      tpu.vector_store %arg13[%swap3A_179, %swap3A_180], %swap3A_183 {strides = array<i32>} : memref<16x1024xf32, #tpu.memory_space<vmem>>, vector<1x16xf32>,
      %get3A_184 = arith.constant 2 : i32
      %get3A_185 = arith.index_cast %get3A_184 : i32 to index
      %get3A_186 = arith.index_cast %mul3A_151 : i32 to index
      %get3A_187 = tpu.vector_load %arg10[%get3A_185, %get3A_186] {strides = array<i32>} : memref<16x1024xf32, #tpu.memory_space<vmem>>, vector<1x16xf32>,
      %get3A_188 = vector.shape_cast %get3A_187 : vector<1x16xf32> to vector<16xf32>
      %get3A_189 = arith.constant 2 : i32
      %get3A_190 = arith.index_cast %get3A_189 : i32 to index
      %get3A_191 = arith.index_cast %mul3A_151 : i32 to index
      %get3A_192 = tpu.vector_load %arg11[%get3A_190, %get3A_191] {strides = array<i32>} : memref<16x1024xf32, #tpu.memory_space<vmem>>, vector<1x16xf32>,
      %get3A_193 = vector.shape_cast %get3A_192 : vector<1x16xf32> to vector<16xf32>
      %add3A_194 = arith.addf %get3A_188, %get3A_193 : vector<16xf32>
      %swap3A_195 = arith.constant 2 : i32
      %swap3A_196 = arith.index_cast %swap3A_195 : i32 to index
      %swap3A_197 = arith.index_cast %mul3A_151 : i32 to index
      %swap3A_198 = tpu.vector_load %arg13[%swap3A_196, %swap3A_197] {strides = array<i32>} : memref<16x1024xf32, #tpu.memory_space<vmem>>, vector<1x16xf32>,
      %swap3A_199 = vector.shape_cast %swap3A_198 : vector<1x16xf32> to vector<16xf32>
      %swap3A_200 = vector.shape_cast %add3A_194 : vector<16xf32> to vector<1x16xf32>
      tpu.vector_store %arg13[%swap3A_196, %swap3A_197], %swap3A_200 {strides = array<i32>} : memref<16x1024xf32, #tpu.memory_space<vmem>>, vector<1x16xf32>,
      %get3A_201 = arith.constant 3 : i32
      %get3A_202 = arith.index_cast %get3A_201 : i32 to index
      %get3A_203 = arith.index_cast %mul3A_151 : i32 to index
      %get3A_204 = tpu.vector_load %arg10[%get3A_202, %get3A_203] {strides = array<i32>} : memref<16x1024xf32, #tpu.memory_space<vmem>>, vector<1x16xf32>,
      %get3A_205 = vector.shape_cast %get3A_204 : vector<1x16xf32> to vector<16xf32>
      %get3A_206 = arith.constant 3 : i32
      %get3A_207 = arith.index_cast %get3A_206 : i32 to index
      %get3A_208 = arith.index_cast %mul3A_151 : i32 to index
      %get3A_209 = tpu.vector_load %arg11[%get3A_207, %get3A_208] {strides = array<i32>} : memref<16x1024xf32, #tpu.memory_space<vmem>>, vector<1x16xf32>,
      %get3A_210 = vector.shape_cast %get3A_209 : vector<1x16xf32> to vector<16xf32>
      %add3A_211 = arith.addf %get3A_205, %get3A_210 : vector<16xf32>
      %swap3A_212 = arith.constant 3 : i32
      %swap3A_213 = arith.index_cast %swap3A_212 : i32 to index
      %swap3A_214 = arith.index_cast %mul3A_151 : i32 to index
      %swap3A_215 = tpu.vector_load %arg13[%swap3A_213, %swap3A_214] {strides = array<i32>} : memref<16x1024xf32, #tpu.memory_space<vmem>>, vector<1x16xf32>,
      %swap3A_216 = vector.shape_cast %swap3A_215 : vector<1x16xf32> to vector<16xf32>
      %swap3A_217 = vector.shape_cast %add3A_211 : vector<16xf32> to vector<1x16xf32>
      tpu.vector_store %arg13[%swap3A_213, %swap3A_214], %swap3A_217 {strides = array<i32>} : memref<16x1024xf32, #tpu.memory_space<vmem>>, vector<1x16xf32>,
      %get3A_218 = arith.constant 4 : i32
      %get3A_219 = arith.index_cast %get3A_218 : i32 to index
      %get3A_220 = arith.index_cast %mul3A_151 : i32 to index
      %get3A_221 = tpu.vector_load %arg10[%get3A_219, %get3A_220] {strides = array<i32>} : memref<16x1024xf32, #tpu.memory_space<vmem>>, vector<1x16xf32>,
      %get3A_222 = vector.shape_cast %get3A_221 : vector<1x16xf32> to vector<16xf32>
      %get3A_223 = arith.constant 4 : i32
      %get3A_224 = arith.index_cast %get3A_223 : i32 to index
      %get3A_225 = arith.index_cast %mul3A_151 : i32 to index
      %get3A_226 = tpu.vector_load %arg11[%get3A_224, %get3A_225] {strides = array<i32>} : memref<16x1024xf32, #tpu.memory_space<vmem>>, vector<1x16xf32>,
      %get3A_227 = vector.shape_cast %get3A_226 : vector<1x16xf32> to vector<16xf32>
      %add3A_228 = arith.addf %get3A_222, %get3A_227 : vector<16xf32>
      %swap3A_229 = arith.constant 4 : i32
      %swap3A_230 = arith.index_cast %swap3A_229 : i32 to index
      %swap3A_231 = arith.index_cast %mul3A_151 : i32 to index
      %swap3A_232 = tpu.vector_load %arg13[%swap3A_230, %swap3A_231] {strides = array<i32>} : memref<16x1024xf32, #tpu.memory_space<vmem>>, vector<1x16xf32>,
      %swap3A_233 = vector.shape_cast %swap3A_232 : vector<1x16xf32> to vector<16xf32>
      %swap3A_234 = vector.shape_cast %add3A_228 : vector<16xf32> to vector<1x16xf32>
      tpu.vector_store %arg13[%swap3A_230, %swap3A_231], %swap3A_234 {strides = array<i32>} : memref<16x1024xf32, #tpu.memory_space<vmem>>, vector<1x16xf32>,
      %get3A_235 = arith.constant 5 : i32
      %get3A_236 = arith.index_cast %get3A_235 : i32 to index
      %get3A_237 = arith.index_cast %mul3A_151 : i32 to index
      %get3A_238 = tpu.vector_load %arg10[%get3A_236, %get3A_237] {strides = array<i32>} : memref<16x1024xf32, #tpu.memory_space<vmem>>, vector<1x16xf32>,
      %get3A_239 = vector.shape_cast %get3A_238 : vector<1x16xf32> to vector<16xf32>
      %get3A_240 = arith.constant 5 : i32
      %get3A_241 = arith.index_cast %get3A_240 : i32 to index
      %get3A_242 = arith.index_cast %mul3A_151 : i32 to index
      %get3A_243 = tpu.vector_load %arg11[%get3A_241, %get3A_242] {strides = array<i32>} : memref<16x1024xf32, #tpu.memory_space<vmem>>, vector<1x16xf32>,
      %get3A_244 = vector.shape_cast %get3A_243 : vector<1x16xf32> to vector<16xf32>
      %add3A_245 = arith.addf %get3A_239, %get3A_244 : vector<16xf32>
      %swap3A_246 = arith.constant 5 : i32
      %swap3A_247 = arith.index_cast %swap3A_246 : i32 to index
      %swap3A_248 = arith.index_cast %mul3A_151 : i32 to index
      %swap3A_249 = tpu.vector_load %arg13[%swap3A_247, %swap3A_248] {strides = array<i32>} : memref<16x1024xf32, #tpu.memory_space<vmem>>, vector<1x16xf32>,
      %swap3A_250 = vector.shape_cast %swap3A_249 : vector<1x16xf32> to vector<16xf32>
      %swap3A_251 = vector.shape_cast %add3A_245 : vector<16xf32> to vector<1x16xf32>
      tpu.vector_store %arg13[%swap3A_247, %swap3A_248], %swap3A_251 {strides = array<i32>} : memref<16x1024xf32, #tpu.memory_space<vmem>>, vector<1x16xf32>,
      %get3A_252 = arith.constant 6 : i32
      %get3A_253 = arith.index_cast %get3A_252 : i32 to index
      %get3A_254 = arith.index_cast %mul3A_151 : i32 to index
      %get3A_255 = tpu.vector_load %arg10[%get3A_253, %get3A_254] {strides = array<i32>} : memref<16x1024xf32, #tpu.memory_space<vmem>>, vector<1x16xf32>,
      %get3A_256 = vector.shape_cast %get3A_255 : vector<1x16xf32> to vector<16xf32>
      %get3A_257 = arith.constant 6 : i32
      %get3A_258 = arith.index_cast %get3A_257 : i32 to index
      %get3A_259 = arith.index_cast %mul3A_151 : i32 to index
      %get3A_260 = tpu.vector_load %arg11[%get3A_258, %get3A_259] {strides = array<i32>} : memref<16x1024xf32, #tpu.memory_space<vmem>>, vector<1x16xf32>,
      %get3A_261 = vector.shape_cast %get3A_260 : vector<1x16xf32> to vector<16xf32>
      %add3A_262 = arith.addf %get3A_256, %get3A_261 : vector<16xf32>
      %swap3A_263 = arith.constant 6 : i32
      %swap3A_264 = arith.index_cast %swap3A_263 : i32 to index
      %swap3A_265 = arith.index_cast %mul3A_151 : i32 to index
      %swap3A_266 = tpu.vector_load %arg13[%swap3A_264, %swap3A_265] {strides = array<i32>} : memref<16x1024xf32, #tpu.memory_space<vmem>>, vector<1x16xf32>,
      %swap3A_267 = vector.shape_cast %swap3A_266 : vector<1x16xf32> to vector<16xf32>
      %swap3A_268 = vector.shape_cast %add3A_262 : vector<16xf32> to vector<1x16xf32>
      tpu.vector_store %arg13[%swap3A_264, %swap3A_265], %swap3A_268 {strides = array<i32>} : memref<16x1024xf32, #tpu.memory_space<vmem>>, vector<1x16xf32>,
      %get3A_269 = arith.constant 7 : i32
      %get3A_270 = arith.index_cast %get3A_269 : i32 to index
      %get3A_271 = arith.index_cast %mul3A_151 : i32 to index
      %get3A_272 = tpu.vector_load %arg10[%get3A_270, %get3A_271] {strides = array<i32>} : memref<16x1024xf32, #tpu.memory_space<vmem>>, vector<1x16xf32>,
      %get3A_273 = vector.shape_cast %get3A_272 : vector<1x16xf32> to vector<16xf32>
      %get3A_274 = arith.constant 7 : i32
      %get3A_275 = arith.index_cast %get3A_274 : i32 to index
      %get3A_276 = arith.index_cast %mul3A_151 : i32 to index
      %get3A_277 = tpu.vector_load %arg11[%get3A_275, %get3A_276] {strides = array<i32>} : memref<16x1024xf32, #tpu.memory_space<vmem>>, vector<1x16xf32>,
      %get3A_278 = vector.shape_cast %get3A_277 : vector<1x16xf32> to vector<16xf32>
      %add3A_279 = arith.addf %get3A_273, %get3A_278 : vector<16xf32>
      %swap3A_280 = arith.constant 7 : i32
      %swap3A_281 = arith.index_cast %swap3A_280 : i32 to index
      %swap3A_282 = arith.index_cast %mul3A_151 : i32 to index
      %swap3A_283 = tpu.vector_load %arg13[%swap3A_281, %swap3A_282] {strides = array<i32>} : memref<16x1024xf32, #tpu.memory_space<vmem>>, vector<1x16xf32>,
      %swap3A_284 = vector.shape_cast %swap3A_283 : vector<1x16xf32> to vector<16xf32>
      %swap3A_285 = vector.shape_cast %add3A_279 : vector<16xf32> to vector<1x16xf32>
      tpu.vector_store %arg13[%swap3A_281, %swap3A_282], %swap3A_285 {strides = array<i32>} : memref<16x1024xf32, #tpu.memory_space<vmem>>, vector<1x16xf32>,
      %get3A_286 = arith.constant 8 : i32
      %get3A_287 = arith.index_cast %get3A_286 : i32 to index
      %get3A_288 = arith.index_cast %mul3A_151 : i32 to index
      %get3A_289 = tpu.vector_load %arg10[%get3A_287, %get3A_288] {strides = array<i32>} : memref<16x1024xf32, #tpu.memory_space<vmem>>, vector<1x16xf32>,
      %get3A_290 = vector.shape_cast %get3A_289 : vector<1x16xf32> to vector<16xf32>
      %get3A_291 = arith.constant 8 : i32
      %get3A_292 = arith.index_cast %get3A_291 : i32 to index
      %get3A_293 = arith.index_cast %mul3A_151 : i32 to index
      %get3A_294 = tpu.vector_load %arg11[%get3A_292, %get3A_293] {strides = array<i32>} : memref<16x1024xf32, #tpu.memory_space<vmem>>, vector<1x16xf32>,
      %get3A_295 = vector.shape_cast %get3A_294 : vector<1x16xf32> to vector<16xf32>
      %add3A_296 = arith.addf %get3A_290, %get3A_295 : vector<16xf32>
      %swap3A_297 = arith.constant 8 : i32
      %swap3A_298 = arith.index_cast %swap3A_297 : i32 to index
      %swap3A_299 = arith.index_cast %mul3A_151 : i32 to index
      %swap3A_300 = tpu.vector_load %arg13[%swap3A_298, %swap3A_299] {strides = array<i32>} : memref<16x1024xf32, #tpu.memory_space<vmem>>, vector<1x16xf32>,
      %swap3A_301 = vector.shape_cast %swap3A_300 : vector<1x16xf32> to vector<16xf32>
      %swap3A_302 = vector.shape_cast %add3A_296 : vector<16xf32> to vector<1x16xf32>
      tpu.vector_store %arg13[%swap3A_298, %swap3A_299], %swap3A_302 {strides = array<i32>} : memref<16x1024xf32, #tpu.memory_space<vmem>>, vector<1x16xf32>,
      %get3A_303 = arith.constant 9 : i32
      %get3A_304 = arith.index_cast %get3A_303 : i32 to index
      %get3A_305 = arith.index_cast %mul3A_151 : i32 to index
      %get3A_306 = tpu.vector_load %arg10[%get3A_304, %get3A_305] {strides = array<i32>} : memref<16x1024xf32, #tpu.memory_space<vmem>>, vector<1x16xf32>,
      %get3A_307 = vector.shape_cast %get3A_306 : vector<1x16xf32> to vector<16xf32>
      %get3A_308 = arith.constant 9 : i32
      %get3A_309 = arith.index_cast %get3A_308 : i32 to index
      %get3A_310 = arith.index_cast %mul3A_151 : i32 to index
      %get3A_311 = tpu.vector_load %arg11[%get3A_309, %get3A_310] {strides = array<i32>} : memref<16x1024xf32, #tpu.memory_space<vmem>>, vector<1x16xf32>,
      %get3A_312 = vector.shape_cast %get3A_311 : vector<1x16xf32> to vector<16xf32>
      %add3A_313 = arith.addf %get3A_307, %get3A_312 : vector<16xf32>
      %swap3A_314 = arith.constant 9 : i32
      %swap3A_315 = arith.index_cast %swap3A_314 : i32 to index
      %swap3A_316 = arith.index_cast %mul3A_151 : i32 to index
      %swap3A_317 = tpu.vector_load %arg13[%swap3A_315, %swap3A_316] {strides = array<i32>} : memref<16x1024xf32, #tpu.memory_space<vmem>>, vector<1x16xf32>,
      %swap3A_318 = vector.shape_cast %swap3A_317 : vector<1x16xf32> to vector<16xf32>
      %swap3A_319 = vector.shape_cast %add3A_313 : vector<16xf32> to vector<1x16xf32>
      tpu.vector_store %arg13[%swap3A_315, %swap3A_316], %swap3A_319 {strides = array<i32>} : memref<16x1024xf32, #tpu.memory_space<vmem>>, vector<1x16xf32>,
      %get3A_320 = arith.constant 10 : i32
      %get3A_321 = arith.index_cast %get3A_320 : i32 to index
      %get3A_322 = arith.index_cast %mul3A_151 : i32 to index
      %get3A_323 = tpu.vector_load %arg10[%get3A_321, %get3A_322] {strides = array<i32>} : memref<16x1024xf32, #tpu.memory_space<vmem>>, vector<1x16xf32>,
      %get3A_324 = vector.shape_cast %get3A_323 : vector<1x16xf32> to vector<16xf32>
      %get3A_325 = arith.constant 10 : i32
      %get3A_326 = arith.index_cast %get3A_325 : i32 to index
      %get3A_327 = arith.index_cast %mul3A_151 : i32 to index
      %get3A_328 = tpu.vector_load %arg11[%get3A_326, %get3A_327] {strides = array<i32>} : memref<16x1024xf32, #tpu.memory_space<vmem>>, vector<1x16xf32>,
      %get3A_329 = vector.shape_cast %get3A_328 : vector<1x16xf32> to vector<16xf32>
      %add3A_330 = arith.addf %get3A_324, %get3A_329 : vector<16xf32>
      %swap3A_331 = arith.constant 10 : i32
      %swap3A_332 = arith.index_cast %swap3A_331 : i32 to index
      %swap3A_333 = arith.index_cast %mul3A_151 : i32 to index
      %swap3A_334 = tpu.vector_load %arg13[%swap3A_332, %swap3A_333] {strides = array<i32>} : memref<16x1024xf32, #tpu.memory_space<vmem>>, vector<1x16xf32>,
      %swap3A_335 = vector.shape_cast %swap3A_334 : vector<1x16xf32> to vector<16xf32>
      %swap3A_336 = vector.shape_cast %add3A_330 : vector<16xf32> to vector<1x16xf32>
      tpu.vector_store %arg13[%swap3A_332, %swap3A_333], %swap3A_336 {strides = array<i32>} : memref<16x1024xf32, #tpu.memory_space<vmem>>, vector<1x16xf32>,
      %get3A_337 = arith.constant 11 : i32
      %get3A_338 = arith.index_cast %get3A_337 : i32 to index
      %get3A_339 = arith.index_cast %mul3A_151 : i32 to index
      %get3A_340 = tpu.vector_load %arg10[%get3A_338, %get3A_339] {strides = array<i32>} : memref<16x1024xf32, #tpu.memory_space<vmem>>, vector<1x16xf32>,
      %get3A_341 = vector.shape_cast %get3A_340 : vector<1x16xf32> to vector<16xf32>
      %get3A_342 = arith.constant 11 : i32
      %get3A_343 = arith.index_cast %get3A_342 : i32 to index
      %get3A_344 = arith.index_cast %mul3A_151 : i32 to index
      %get3A_345 = tpu.vector_load %arg11[%get3A_343, %get3A_344] {strides = array<i32>} : memref<16x1024xf32, #tpu.memory_space<vmem>>, vector<1x16xf32>,
      %get3A_346 = vector.shape_cast %get3A_345 : vector<1x16xf32> to vector<16xf32>
      %add3A_347 = arith.addf %get3A_341, %get3A_346 : vector<16xf32>
      %swap3A_348 = arith.constant 11 : i32
      %swap3A_349 = arith.index_cast %swap3A_348 : i32 to index
      %swap3A_350 = arith.index_cast %mul3A_151 : i32 to index
      %swap3A_351 = tpu.vector_load %arg13[%swap3A_349, %swap3A_350] {strides = array<i32>} : memref<16x1024xf32, #tpu.memory_space<vmem>>, vector<1x16xf32>,
      %swap3A_352 = vector.shape_cast %swap3A_351 : vector<1x16xf32> to vector<16xf32>
      %swap3A_353 = vector.shape_cast %add3A_347 : vector<16xf32> to vector<1x16xf32>
      tpu.vector_store %arg13[%swap3A_349, %swap3A_350], %swap3A_353 {strides = array<i32>} : memref<16x1024xf32, #tpu.memory_space<vmem>>, vector<1x16xf32>,
      %get3A_354 = arith.constant 12 : i32
      %get3A_355 = arith.index_cast %get3A_354 : i32 to index
      %get3A_356 = arith.index_cast %mul3A_151 : i32 to index
      %get3A_357 = tpu.vector_load %arg10[%get3A_355, %get3A_356] {strides = array<i32>} : memref<16x1024xf32, #tpu.memory_space<vmem>>, vector<1x16xf32>,
      %get3A_358 = vector.shape_cast %get3A_357 : vector<1x16xf32> to vector<16xf32>
      %get3A_359 = arith.constant 12 : i32
      %get3A_360 = arith.index_cast %get3A_359 : i32 to index
      %get3A_361 = arith.index_cast %mul3A_151 : i32 to index
      %get3A_362 = tpu.vector_load %arg11[%get3A_360, %get3A_361] {strides = array<i32>} : memref<16x1024xf32, #tpu.memory_space<vmem>>, vector<1x16xf32>,
      %get3A_363 = vector.shape_cast %get3A_362 : vector<1x16xf32> to vector<16xf32>
      %add3A_364 = arith.addf %get3A_358, %get3A_363 : vector<16xf32>
      %swap3A_365 = arith.constant 12 : i32
      %swap3A_366 = arith.index_cast %swap3A_365 : i32 to index
      %swap3A_367 = arith.index_cast %mul3A_151 : i32 to index
      %swap3A_368 = tpu.vector_load %arg13[%swap3A_366, %swap3A_367] {strides = array<i32>} : memref<16x1024xf32, #tpu.memory_space<vmem>>, vector<1x16xf32>,
      %swap3A_369 = vector.shape_cast %swap3A_368 : vector<1x16xf32> to vector<16xf32>
      %swap3A_370 = vector.shape_cast %add3A_364 : vector<16xf32> to vector<1x16xf32>
      tpu.vector_store %arg13[%swap3A_366, %swap3A_367], %swap3A_370 {strides = array<i32>} : memref<16x1024xf32, #tpu.memory_space<vmem>>, vector<1x16xf32>,
      %get3A_371 = arith.constant 13 : i32
      %get3A_372 = arith.index_cast %get3A_371 : i32 to index
      %get3A_373 = arith.index_cast %mul3A_151 : i32 to index
      %get3A_374 = tpu.vector_load %arg10[%get3A_372, %get3A_373] {strides = array<i32>} : memref<16x1024xf32, #tpu.memory_space<vmem>>, vector<1x16xf32>,
      %get3A_375 = vector.shape_cast %get3A_374 : vector<1x16xf32> to vector<16xf32>
      %get3A_376 = arith.constant 13 : i32
      %get3A_377 = arith.index_cast %get3A_376 : i32 to index
      %get3A_378 = arith.index_cast %mul3A_151 : i32 to index
      %get3A_379 = tpu.vector_load %arg11[%get3A_377, %get3A_378] {strides = array<i32>} : memref<16x1024xf32, #tpu.memory_space<vmem>>, vector<1x16xf32>,
      %get3A_380 = vector.shape_cast %get3A_379 : vector<1x16xf32> to vector<16xf32>
      %add3A_381 = arith.addf %get3A_375, %get3A_380 : vector<16xf32>
      %swap3A_382 = arith.constant 13 : i32
      %swap3A_383 = arith.index_cast %swap3A_382 : i32 to index
      %swap3A_384 = arith.index_cast %mul3A_151 : i32 to index
      %swap3A_385 = tpu.vector_load %arg13[%swap3A_383, %swap3A_384] {strides = array<i32>} : memref<16x1024xf32, #tpu.memory_space<vmem>>, vector<1x16xf32>,
      %swap3A_386 = vector.shape_cast %swap3A_385 : vector<1x16xf32> to vector<16xf32>
      %swap3A_387 = vector.shape_cast %add3A_381 : vector<16xf32> to vector<1x16xf32>
      tpu.vector_store %arg13[%swap3A_383, %swap3A_384], %swap3A_387 {strides = array<i32>} : memref<16x1024xf32, #tpu.memory_space<vmem>>, vector<1x16xf32>,
      %get3A_388 = arith.constant 14 : i32
      %get3A_389 = arith.index_cast %get3A_388 : i32 to index
      %get3A_390 = arith.index_cast %mul3A_151 : i32 to index
      %get3A_391 = tpu.vector_load %arg10[%get3A_389, %get3A_390] {strides = array<i32>} : memref<16x1024xf32, #tpu.memory_space<vmem>>, vector<1x16xf32>,
      %get3A_392 = vector.shape_cast %get3A_391 : vector<1x16xf32> to vector<16xf32>
      %get3A_393 = arith.constant 14 : i32
      %get3A_394 = arith.index_cast %get3A_393 : i32 to index
      %get3A_395 = arith.index_cast %mul3A_151 : i32 to index
      %get3A_396 = tpu.vector_load %arg11[%get3A_394, %get3A_395] {strides = array<i32>} : memref<16x1024xf32, #tpu.memory_space<vmem>>, vector<1x16xf32>,
      %get3A_397 = vector.shape_cast %get3A_396 : vector<1x16xf32> to vector<16xf32>
      %add3A_398 = arith.addf %get3A_392, %get3A_397 : vector<16xf32>
      %swap3A_399 = arith.constant 14 : i32
      %swap3A_400 = arith.index_cast %swap3A_399 : i32 to index
      %swap3A_401 = arith.index_cast %mul3A_151 : i32 to index
      %swap3A_402 = tpu.vector_load %arg13[%swap3A_400, %swap3A_401] {strides = array<i32>} : memref<16x1024xf32, #tpu.memory_space<vmem>>, vector<1x16xf32>,
      %swap3A_403 = vector.shape_cast %swap3A_402 : vector<1x16xf32> to vector<16xf32>
      %swap3A_404 = vector.shape_cast %add3A_398 : vector<16xf32> to vector<1x16xf32>
      tpu.vector_store %arg13[%swap3A_400, %swap3A_401], %swap3A_404 {strides = array<i32>} : memref<16x1024xf32, #tpu.memory_space<vmem>>, vector<1x16xf32>,
      %get3A_405 = arith.constant 15 : i32
      %get3A_406 = arith.index_cast %get3A_405 : i32 to index
      %get3A_407 = arith.index_cast %mul3A_151 : i32 to index
      %get3A_408 = tpu.vector_load %arg10[%get3A_406, %get3A_407] {strides = array<i32>} : memref<16x1024xf32, #tpu.memory_space<vmem>>, vector<1x16xf32>,
      %get3A_409 = vector.shape_cast %get3A_408 : vector<1x16xf32> to vector<16xf32>
      %get3A_410 = arith.constant 15 : i32
      %get3A_411 = arith.index_cast %get3A_410 : i32 to index
      %get3A_412 = arith.index_cast %mul3A_151 : i32 to index
      %get3A_413 = tpu.vector_load %arg11[%get3A_411, %get3A_412] {strides = array<i32>} : memref<16x1024xf32, #tpu.memory_space<vmem>>, vector<1x16xf32>,
      %get3A_414 = vector.shape_cast %get3A_413 : vector<1x16xf32> to vector<16xf32>
      %add3A_415 = arith.addf %get3A_409, %get3A_414 : vector<16xf32>
      %swap3A_416 = arith.constant 15 : i32
      %swap3A_417 = arith.index_cast %swap3A_416 : i32 to index
      %swap3A_418 = arith.index_cast %mul3A_151 : i32 to index
      %swap3A_419 = tpu.vector_load %arg13[%swap3A_417, %swap3A_418] {strides = array<i32>} : memref<16x1024xf32, #tpu.memory_space<vmem>>, vector<1x16xf32>,
      %swap3A_420 = vector.shape_cast %swap3A_419 : vector<1x16xf32> to vector<16xf32>
      %swap3A_421 = vector.shape_cast %add3A_415 : vector<16xf32> to vector<1x16xf32>
      tpu.vector_store %arg13[%swap3A_417, %swap3A_418], %swap3A_421 {strides = array<i32>} : memref<16x1024xf32, #tpu.memory_space<vmem>>, vector<1x16xf32>,
      %scan3A_422 = arith.constant 0 : i32
      scf.yield %scan3A_422 : i32
    }
    %scan3A_133 = arith.constant 64 : i32
    %add3A_134 = arith.constant 48 : i32
    %add3A_135 = arith.addi %mul3A_2, %add3A_134 : i32
    %dma_start3A_136 = arith.constant 0 : i32
    %dma_start3A_137 = tpu.memref_slice %arg5[%add3A_135, %dma_start3A_136] : memref<2048x1024xf32, #tpu.memory_space<hbm>> -> memref<16x1024xf32, #tpu.memory_space<hbm>>
    %dma_start3A_138 = arith.constant 0 : i32
    %dma_start3A_139 = tpu.memref_slice %arg5[%add3A_135, %dma_start3A_138] : memref<2048x1024xf32, #tpu.memory_space<hbm>> -> memref<16x1024xf32, #tpu.memory_space<hbm>>
    tpu.enqueue_dma source(%arg13 : memref<16x1024xf32, #tpu.memory_space<vmem>>) target(%dma_start3A_139 : memref<16x1024xf32, #tpu.memory_space<hbm>>) target_semaphore(%arg15 : memref<!tpu.dma_semaphore, #tpu.memory_space<semaphore_mem>>)
    %dma_wait3A_140 = arith.constant 0 : i32
    %dma_wait3A_141 = tpu.memref_slice %arg5[%add3A_108, %dma_wait3A_140] : memref<2048x1024xf32, #tpu.memory_space<hbm>> -> memref<16x1024xf32, #tpu.memory_space<hbm>>
    %dma_wait3A_142 = arith.constant 0 : i32
    %dma_wait3A_143 = tpu.memref_slice %arg5[%add3A_108, %dma_wait3A_142] : memref<2048x1024xf32, #tpu.memory_space<hbm>> -> memref<16x1024xf32, #tpu.memory_space<hbm>>
    tpu.wait_dma2 semaphore(%arg15 : memref<!tpu.dma_semaphore, #tpu.memory_space<semaphore_mem>>) src(%arg12 : memref<16x1024xf32, #tpu.memory_space<vmem>>) dst(%dma_wait3A_143 : memref<16x1024xf32, #tpu.memory_space<hbm>>)
    %dma_wait3A_144 = arith.constant 0 : i32
    %dma_wait3A_145 = tpu.memref_slice %arg5[%add3A_135, %dma_wait3A_144] : memref<2048x1024xf32, #tpu.memory_space<hbm>> -> memref<16x1024xf32, #tpu.memory_space<hbm>>
    %dma_wait3A_146 = arith.constant 0 : i32
    %dma_wait3A_147 = tpu.memref_slice %arg5[%add3A_135, %dma_wait3A_146] : memref<2048x1024xf32, #tpu.memory_space<hbm>> -> memref<16x1024xf32, #tpu.memory_space<hbm>>
    tpu.wait_dma2 semaphore(%arg15 : memref<!tpu.dma_semaphore, #tpu.memory_space<semaphore_mem>>) src(%arg13 : memref<16x1024xf32, #tpu.memory_space<vmem>>) dst(%dma_wait3A_147 : memref<16x1024xf32, #tpu.memory_space<hbm>>)
    return
  }
}

#map = affine_map<(d0, d1) -> (0, 0)>
#map1 = affine_map<(d0, d1) -> (0)>
module attributes {stable_mosaic.version = 14 : i64} {
  func.func @_scatter_kernel(%arg0: i32, %arg1: i32, %arg2: memref<2048x1024xf32, #tpu.memory_space<hbm>>, %arg3: memref<2048xi32, #tpu.memory_space<hbm>>, %arg4: memref<2048xi32, #tpu.memory_space<hbm>>, %arg5: memref<2048x128xf32, #tpu.memory_space<hbm>>, %arg6: memref<2048x128xf32, #tpu.memory_space<hbm>>, %arg7: memref<5888x1024xf32, #tpu.memory_space<hbm>>, %arg8: memref<5888x128xf32, #tpu.memory_space<hbm>>, %arg9: memref<32x1024xf32, #tpu.memory_space<vmem>>, %arg10: memref<32x1024xf32, #tpu.memory_space<vmem>>, %arg11: memref<32xi32, #tpu.memory_space<vmem>>, %arg12: memref<32xi32, #tpu.memory_space<vmem>>, %arg13: memref<32xi32, #tpu.memory_space<vmem>>, %arg14: memref<32xi32, #tpu.memory_space<vmem>>, %arg15: memref<32x128xf32, #tpu.memory_space<vmem>>, %arg16: memref<32x128xf32, #tpu.memory_space<vmem>>, %arg17: memref<32x128xf32, #tpu.memory_space<vmem>>, %arg18: memref<32x128xf32, #tpu.memory_space<vmem>>, %arg19: memref<!tpu.dma_semaphore, #tpu.memory_space<semaphore_mem>>, %arg20: memref<!tpu.dma_semaphore, #tpu.memory_space<semaphore_mem>>) attributes {dimension_semantics = [#tpu.dimension_semantics<core_parallel>, #tpu.dimension_semantics<subcore_parallel>], iteration_bounds = array<i64: 2, 16>, scalar_prefetch = 0 : i64, scratch_operands = 12 : i64, tpu.core_type = #tpu.core_type<sc_vector_subcore>, window_params = [{transform_indices = #map}, {transform_indices = #map1}, {transform_indices = #map1}, {transform_indices = #map}, {transform_indices = #map}, {transform_indices = #map}, {transform_indices = #map}]} {
    %mul3A = arith.constant 2 : i32
    %mul3A_0 = arith.muli %arg1, %mul3A : i32
    %add3A = arith.addi %mul3A_0, %arg0 : i32
    %mul3A_1 = arith.constant 64 : i32
    %mul3A_2 = arith.muli %add3A, %mul3A_1 : i32
    %dma_start3A = arith.constant 0 : i32
    %dma_start3A_3 = tpu.memref_slice %arg2[%mul3A_2, %dma_start3A] : memref<2048x1024xf32, #tpu.memory_space<hbm>> -> memref<32x1024xf32, #tpu.memory_space<hbm>>
    %dma_start3A_4 = arith.constant 0 : i32
    %dma_start3A_5 = tpu.memref_slice %arg2[%mul3A_2, %dma_start3A_4] : memref<2048x1024xf32, #tpu.memory_space<hbm>> -> memref<32x1024xf32, #tpu.memory_space<hbm>>
    tpu.enqueue_dma source(%dma_start3A_5 : memref<32x1024xf32, #tpu.memory_space<hbm>>) target(%arg9 : memref<32x1024xf32, #tpu.memory_space<vmem>>) target_semaphore(%arg19 : memref<!tpu.dma_semaphore, #tpu.memory_space<semaphore_mem>>)
    %add3A_6 = arith.constant 32 : i32
    %add3A_7 = arith.addi %mul3A_2, %add3A_6 : i32
    %dma_start3A_8 = arith.constant 0 : i32
    %dma_start3A_9 = tpu.memref_slice %arg2[%add3A_7, %dma_start3A_8] : memref<2048x1024xf32, #tpu.memory_space<hbm>> -> memref<32x1024xf32, #tpu.memory_space<hbm>>
    %dma_start3A_10 = arith.constant 0 : i32
    %dma_start3A_11 = tpu.memref_slice %arg2[%add3A_7, %dma_start3A_10] : memref<2048x1024xf32, #tpu.memory_space<hbm>> -> memref<32x1024xf32, #tpu.memory_space<hbm>>
    tpu.enqueue_dma source(%dma_start3A_11 : memref<32x1024xf32, #tpu.memory_space<hbm>>) target(%arg10 : memref<32x1024xf32, #tpu.memory_space<vmem>>) target_semaphore(%arg19 : memref<!tpu.dma_semaphore, #tpu.memory_space<semaphore_mem>>)
    "tpu.region"() ({
      %run_scoped3A = tpu.sem_alloc : memref<!tpu.dma_semaphore, #tpu.memory_space<semaphore_mem>>
      %dma_start3A_75 = tpu.memref_slice %arg3[%mul3A_2] : memref<2048xi32, #tpu.memory_space<hbm>> -> memref<32xi32, #tpu.memory_space<hbm>>
      %dma_start3A_76 = tpu.memref_slice %arg3[%mul3A_2] : memref<2048xi32, #tpu.memory_space<hbm>> -> memref<32xi32, #tpu.memory_space<hbm>>
      tpu.enqueue_dma source(%dma_start3A_76 : memref<32xi32, #tpu.memory_space<hbm>>) target(%arg11 : memref<32xi32, #tpu.memory_space<vmem>>) target_semaphore(%run_scoped3A : memref<!tpu.dma_semaphore, #tpu.memory_space<semaphore_mem>>)
      %dma_wait3A_77 = tpu.memref_slice %arg3[%mul3A_2] : memref<2048xi32, #tpu.memory_space<hbm>> -> memref<32xi32, #tpu.memory_space<hbm>>
      %dma_wait3A_78 = tpu.memref_slice %arg3[%mul3A_2] : memref<2048xi32, #tpu.memory_space<hbm>> -> memref<32xi32, #tpu.memory_space<hbm>>
      tpu.wait_dma2 semaphore(%run_scoped3A : memref<!tpu.dma_semaphore, #tpu.memory_space<semaphore_mem>>) src(%dma_wait3A_78 : memref<32xi32, #tpu.memory_space<hbm>>) dst(%arg11 : memref<32xi32, #tpu.memory_space<vmem>>)
      tpu.yield
    }) : () -> ()
    %add3A_12 = arith.constant 32 : i32
    %add3A_13 = arith.addi %mul3A_2, %add3A_12 : i32
    "tpu.region"() ({
      %run_scoped3A = tpu.sem_alloc : memref<!tpu.dma_semaphore, #tpu.memory_space<semaphore_mem>>
      %dma_start3A_75 = tpu.memref_slice %arg3[%add3A_13] : memref<2048xi32, #tpu.memory_space<hbm>> -> memref<32xi32, #tpu.memory_space<hbm>>
      %dma_start3A_76 = tpu.memref_slice %arg3[%add3A_13] : memref<2048xi32, #tpu.memory_space<hbm>> -> memref<32xi32, #tpu.memory_space<hbm>>
      tpu.enqueue_dma source(%dma_start3A_76 : memref<32xi32, #tpu.memory_space<hbm>>) target(%arg12 : memref<32xi32, #tpu.memory_space<vmem>>) target_semaphore(%run_scoped3A : memref<!tpu.dma_semaphore, #tpu.memory_space<semaphore_mem>>)
      %dma_wait3A_77 = tpu.memref_slice %arg3[%add3A_13] : memref<2048xi32, #tpu.memory_space<hbm>> -> memref<32xi32, #tpu.memory_space<hbm>>
      %dma_wait3A_78 = tpu.memref_slice %arg3[%add3A_13] : memref<2048xi32, #tpu.memory_space<hbm>> -> memref<32xi32, #tpu.memory_space<hbm>>
      tpu.wait_dma2 semaphore(%run_scoped3A : memref<!tpu.dma_semaphore, #tpu.memory_space<semaphore_mem>>) src(%dma_wait3A_78 : memref<32xi32, #tpu.memory_space<hbm>>) dst(%arg12 : memref<32xi32, #tpu.memory_space<vmem>>)
      tpu.yield
    }) : () -> ()
    "tpu.region"() ({
      %run_scoped3A = tpu.sem_alloc : memref<!tpu.dma_semaphore, #tpu.memory_space<semaphore_mem>>
      %dma_start3A_75 = tpu.memref_slice %arg4[%mul3A_2] : memref<2048xi32, #tpu.memory_space<hbm>> -> memref<32xi32, #tpu.memory_space<hbm>>
      %dma_start3A_76 = tpu.memref_slice %arg4[%mul3A_2] : memref<2048xi32, #tpu.memory_space<hbm>> -> memref<32xi32, #tpu.memory_space<hbm>>
      tpu.enqueue_dma source(%dma_start3A_76 : memref<32xi32, #tpu.memory_space<hbm>>) target(%arg13 : memref<32xi32, #tpu.memory_space<vmem>>) target_semaphore(%run_scoped3A : memref<!tpu.dma_semaphore, #tpu.memory_space<semaphore_mem>>)
      %dma_wait3A_77 = tpu.memref_slice %arg4[%mul3A_2] : memref<2048xi32, #tpu.memory_space<hbm>> -> memref<32xi32, #tpu.memory_space<hbm>>
      %dma_wait3A_78 = tpu.memref_slice %arg4[%mul3A_2] : memref<2048xi32, #tpu.memory_space<hbm>> -> memref<32xi32, #tpu.memory_space<hbm>>
      tpu.wait_dma2 semaphore(%run_scoped3A : memref<!tpu.dma_semaphore, #tpu.memory_space<semaphore_mem>>) src(%dma_wait3A_78 : memref<32xi32, #tpu.memory_space<hbm>>) dst(%arg13 : memref<32xi32, #tpu.memory_space<vmem>>)
      tpu.yield
    }) : () -> ()
    %add3A_14 = arith.constant 32 : i32
    %add3A_15 = arith.addi %mul3A_2, %add3A_14 : i32
    "tpu.region"() ({
      %run_scoped3A = tpu.sem_alloc : memref<!tpu.dma_semaphore, #tpu.memory_space<semaphore_mem>>
      %dma_start3A_75 = tpu.memref_slice %arg4[%add3A_15] : memref<2048xi32, #tpu.memory_space<hbm>> -> memref<32xi32, #tpu.memory_space<hbm>>
      %dma_start3A_76 = tpu.memref_slice %arg4[%add3A_15] : memref<2048xi32, #tpu.memory_space<hbm>> -> memref<32xi32, #tpu.memory_space<hbm>>
      tpu.enqueue_dma source(%dma_start3A_76 : memref<32xi32, #tpu.memory_space<hbm>>) target(%arg14 : memref<32xi32, #tpu.memory_space<vmem>>) target_semaphore(%run_scoped3A : memref<!tpu.dma_semaphore, #tpu.memory_space<semaphore_mem>>)
      %dma_wait3A_77 = tpu.memref_slice %arg4[%add3A_15] : memref<2048xi32, #tpu.memory_space<hbm>> -> memref<32xi32, #tpu.memory_space<hbm>>
      %dma_wait3A_78 = tpu.memref_slice %arg4[%add3A_15] : memref<2048xi32, #tpu.memory_space<hbm>> -> memref<32xi32, #tpu.memory_space<hbm>>
      tpu.wait_dma2 semaphore(%run_scoped3A : memref<!tpu.dma_semaphore, #tpu.memory_space<semaphore_mem>>) src(%dma_wait3A_78 : memref<32xi32, #tpu.memory_space<hbm>>) dst(%arg14 : memref<32xi32, #tpu.memory_space<vmem>>)
      tpu.yield
    }) : () -> ()
    "tpu.region"() ({
      %run_scoped3A = tpu.sem_alloc : memref<!tpu.dma_semaphore, #tpu.memory_space<semaphore_mem>>
      %dma_start3A_75 = arith.constant 0 : i32
      %dma_start3A_76 = tpu.memref_slice %arg5[%mul3A_2, %dma_start3A_75] : memref<2048x128xf32, #tpu.memory_space<hbm>> -> memref<32x128xf32, #tpu.memory_space<hbm>>
      %dma_start3A_77 = arith.constant 0 : i32
      %dma_start3A_78 = tpu.memref_slice %arg5[%mul3A_2, %dma_start3A_77] : memref<2048x128xf32, #tpu.memory_space<hbm>> -> memref<32x128xf32, #tpu.memory_space<hbm>>
      tpu.enqueue_dma source(%dma_start3A_78 : memref<32x128xf32, #tpu.memory_space<hbm>>) target(%arg15 : memref<32x128xf32, #tpu.memory_space<vmem>>) target_semaphore(%run_scoped3A : memref<!tpu.dma_semaphore, #tpu.memory_space<semaphore_mem>>)
      %dma_wait3A_79 = arith.constant 0 : i32
      %dma_wait3A_80 = tpu.memref_slice %arg5[%mul3A_2, %dma_wait3A_79] : memref<2048x128xf32, #tpu.memory_space<hbm>> -> memref<32x128xf32, #tpu.memory_space<hbm>>
      %dma_wait3A_81 = arith.constant 0 : i32
      %dma_wait3A_82 = tpu.memref_slice %arg5[%mul3A_2, %dma_wait3A_81] : memref<2048x128xf32, #tpu.memory_space<hbm>> -> memref<32x128xf32, #tpu.memory_space<hbm>>
      tpu.wait_dma2 semaphore(%run_scoped3A : memref<!tpu.dma_semaphore, #tpu.memory_space<semaphore_mem>>) src(%dma_wait3A_82 : memref<32x128xf32, #tpu.memory_space<hbm>>) dst(%arg15 : memref<32x128xf32, #tpu.memory_space<vmem>>)
      tpu.yield
    }) : () -> ()
    %add3A_16 = arith.constant 32 : i32
    %add3A_17 = arith.addi %mul3A_2, %add3A_16 : i32
    "tpu.region"() ({
      %run_scoped3A = tpu.sem_alloc : memref<!tpu.dma_semaphore, #tpu.memory_space<semaphore_mem>>
      %dma_start3A_75 = arith.constant 0 : i32
      %dma_start3A_76 = tpu.memref_slice %arg5[%add3A_17, %dma_start3A_75] : memref<2048x128xf32, #tpu.memory_space<hbm>> -> memref<32x128xf32, #tpu.memory_space<hbm>>
      %dma_start3A_77 = arith.constant 0 : i32
      %dma_start3A_78 = tpu.memref_slice %arg5[%add3A_17, %dma_start3A_77] : memref<2048x128xf32, #tpu.memory_space<hbm>> -> memref<32x128xf32, #tpu.memory_space<hbm>>
      tpu.enqueue_dma source(%dma_start3A_78 : memref<32x128xf32, #tpu.memory_space<hbm>>) target(%arg16 : memref<32x128xf32, #tpu.memory_space<vmem>>) target_semaphore(%run_scoped3A : memref<!tpu.dma_semaphore, #tpu.memory_space<semaphore_mem>>)
      %dma_wait3A_79 = arith.constant 0 : i32
      %dma_wait3A_80 = tpu.memref_slice %arg5[%add3A_17, %dma_wait3A_79] : memref<2048x128xf32, #tpu.memory_space<hbm>> -> memref<32x128xf32, #tpu.memory_space<hbm>>
      %dma_wait3A_81 = arith.constant 0 : i32
      %dma_wait3A_82 = tpu.memref_slice %arg5[%add3A_17, %dma_wait3A_81] : memref<2048x128xf32, #tpu.memory_space<hbm>> -> memref<32x128xf32, #tpu.memory_space<hbm>>
      tpu.wait_dma2 semaphore(%run_scoped3A : memref<!tpu.dma_semaphore, #tpu.memory_space<semaphore_mem>>) src(%dma_wait3A_82 : memref<32x128xf32, #tpu.memory_space<hbm>>) dst(%arg16 : memref<32x128xf32, #tpu.memory_space<vmem>>)
      tpu.yield
    }) : () -> ()
    "tpu.region"() ({
      %run_scoped3A = tpu.sem_alloc : memref<!tpu.dma_semaphore, #tpu.memory_space<semaphore_mem>>
      %dma_start3A_75 = arith.constant 0 : i32
      %dma_start3A_76 = tpu.memref_slice %arg6[%mul3A_2, %dma_start3A_75] : memref<2048x128xf32, #tpu.memory_space<hbm>> -> memref<32x128xf32, #tpu.memory_space<hbm>>
      %dma_start3A_77 = arith.constant 0 : i32
      %dma_start3A_78 = tpu.memref_slice %arg6[%mul3A_2, %dma_start3A_77] : memref<2048x128xf32, #tpu.memory_space<hbm>> -> memref<32x128xf32, #tpu.memory_space<hbm>>
      tpu.enqueue_dma source(%dma_start3A_78 : memref<32x128xf32, #tpu.memory_space<hbm>>) target(%arg17 : memref<32x128xf32, #tpu.memory_space<vmem>>) target_semaphore(%run_scoped3A : memref<!tpu.dma_semaphore, #tpu.memory_space<semaphore_mem>>)
      %dma_wait3A_79 = arith.constant 0 : i32
      %dma_wait3A_80 = tpu.memref_slice %arg6[%mul3A_2, %dma_wait3A_79] : memref<2048x128xf32, #tpu.memory_space<hbm>> -> memref<32x128xf32, #tpu.memory_space<hbm>>
      %dma_wait3A_81 = arith.constant 0 : i32
      %dma_wait3A_82 = tpu.memref_slice %arg6[%mul3A_2, %dma_wait3A_81] : memref<2048x128xf32, #tpu.memory_space<hbm>> -> memref<32x128xf32, #tpu.memory_space<hbm>>
      tpu.wait_dma2 semaphore(%run_scoped3A : memref<!tpu.dma_semaphore, #tpu.memory_space<semaphore_mem>>) src(%dma_wait3A_82 : memref<32x128xf32, #tpu.memory_space<hbm>>) dst(%arg17 : memref<32x128xf32, #tpu.memory_space<vmem>>)
      tpu.yield
    }) : () -> ()
    %add3A_18 = arith.constant 32 : i32
    %add3A_19 = arith.addi %mul3A_2, %add3A_18 : i32
    "tpu.region"() ({
      %run_scoped3A = tpu.sem_alloc : memref<!tpu.dma_semaphore, #tpu.memory_space<semaphore_mem>>
      %dma_start3A_75 = arith.constant 0 : i32
      %dma_start3A_76 = tpu.memref_slice %arg6[%add3A_19, %dma_start3A_75] : memref<2048x128xf32, #tpu.memory_space<hbm>> -> memref<32x128xf32, #tpu.memory_space<hbm>>
      %dma_start3A_77 = arith.constant 0 : i32
      %dma_start3A_78 = tpu.memref_slice %arg6[%add3A_19, %dma_start3A_77] : memref<2048x128xf32, #tpu.memory_space<hbm>> -> memref<32x128xf32, #tpu.memory_space<hbm>>
      tpu.enqueue_dma source(%dma_start3A_78 : memref<32x128xf32, #tpu.memory_space<hbm>>) target(%arg18 : memref<32x128xf32, #tpu.memory_space<vmem>>) target_semaphore(%run_scoped3A : memref<!tpu.dma_semaphore, #tpu.memory_space<semaphore_mem>>)
      %dma_wait3A_79 = arith.constant 0 : i32
      %dma_wait3A_80 = tpu.memref_slice %arg6[%add3A_19, %dma_wait3A_79] : memref<2048x128xf32, #tpu.memory_space<hbm>> -> memref<32x128xf32, #tpu.memory_space<hbm>>
      %dma_wait3A_81 = arith.constant 0 : i32
      %dma_wait3A_82 = tpu.memref_slice %arg6[%add3A_19, %dma_wait3A_81] : memref<2048x128xf32, #tpu.memory_space<hbm>> -> memref<32x128xf32, #tpu.memory_space<hbm>>
      tpu.wait_dma2 semaphore(%run_scoped3A : memref<!tpu.dma_semaphore, #tpu.memory_space<semaphore_mem>>) src(%dma_wait3A_82 : memref<32x128xf32, #tpu.memory_space<hbm>>) dst(%arg18 : memref<32x128xf32, #tpu.memory_space<vmem>>)
      tpu.yield
    }) : () -> ()
    %dma_wait3A = arith.constant 0 : i32
    %dma_wait3A_20 = tpu.memref_slice %arg2[%mul3A_2, %dma_wait3A] : memref<2048x1024xf32, #tpu.memory_space<hbm>> -> memref<32x1024xf32, #tpu.memory_space<hbm>>
    %dma_wait3A_21 = arith.constant 0 : i32
    %dma_wait3A_22 = tpu.memref_slice %arg2[%mul3A_2, %dma_wait3A_21] : memref<2048x1024xf32, #tpu.memory_space<hbm>> -> memref<32x1024xf32, #tpu.memory_space<hbm>>
    tpu.wait_dma2 semaphore(%arg19 : memref<!tpu.dma_semaphore, #tpu.memory_space<semaphore_mem>>) src(%dma_wait3A_22 : memref<32x1024xf32, #tpu.memory_space<hbm>>) dst(%arg9 : memref<32x1024xf32, #tpu.memory_space<vmem>>)
    %dma_start3A_23 = arith.constant 0 : i32
    %dma_start3A_24 = arith.constant 0 : i32
    %dma_start3A_25 = tpu.memref_slice %arg7[%dma_start3A_23, %dma_start3A_24] : memref<5888x1024xf32, #tpu.memory_space<hbm>> -> memref<5888x1024xf32, #tpu.memory_space<hbm>>
    tpu.enqueue_indirect_dma source(%arg9 : memref<32x1024xf32, #tpu.memory_space<vmem>>) target(%dma_start3A_25 : memref<5888x1024xf32, #tpu.memory_space<hbm>>) offsets(%arg11 : memref<32xi32, #tpu.memory_space<vmem>>) semaphore(%arg20 : memref<!tpu.dma_semaphore, #tpu.memory_space<semaphore_mem>>)
    %dma_start3A_26 = arith.constant 0 : i32
    %dma_start3A_27 = arith.constant 0 : i32
    %dma_start3A_28 = tpu.memref_slice %arg7[%dma_start3A_26, %dma_start3A_27] : memref<5888x1024xf32, #tpu.memory_space<hbm>> -> memref<5888x1024xf32, #tpu.memory_space<hbm>>
    tpu.enqueue_indirect_dma source(%arg9 : memref<32x1024xf32, #tpu.memory_space<vmem>>) target(%dma_start3A_28 : memref<5888x1024xf32, #tpu.memory_space<hbm>>) offsets(%arg13 : memref<32xi32, #tpu.memory_space<vmem>>) semaphore(%arg20 : memref<!tpu.dma_semaphore, #tpu.memory_space<semaphore_mem>>)
    %dma_wait3A_29 = arith.constant 0 : i32
    %dma_wait3A_30 = tpu.memref_slice %arg2[%add3A_7, %dma_wait3A_29] : memref<2048x1024xf32, #tpu.memory_space<hbm>> -> memref<32x1024xf32, #tpu.memory_space<hbm>>
    %dma_wait3A_31 = arith.constant 0 : i32
    %dma_wait3A_32 = tpu.memref_slice %arg2[%add3A_7, %dma_wait3A_31] : memref<2048x1024xf32, #tpu.memory_space<hbm>> -> memref<32x1024xf32, #tpu.memory_space<hbm>>
    tpu.wait_dma2 semaphore(%arg19 : memref<!tpu.dma_semaphore, #tpu.memory_space<semaphore_mem>>) src(%dma_wait3A_32 : memref<32x1024xf32, #tpu.memory_space<hbm>>) dst(%arg10 : memref<32x1024xf32, #tpu.memory_space<vmem>>)
    %dma_start3A_33 = arith.constant 0 : i32
    %dma_start3A_34 = arith.constant 0 : i32
    %dma_start3A_35 = tpu.memref_slice %arg7[%dma_start3A_33, %dma_start3A_34] : memref<5888x1024xf32, #tpu.memory_space<hbm>> -> memref<5888x1024xf32, #tpu.memory_space<hbm>>
    tpu.enqueue_indirect_dma source(%arg10 : memref<32x1024xf32, #tpu.memory_space<vmem>>) target(%dma_start3A_35 : memref<5888x1024xf32, #tpu.memory_space<hbm>>) offsets(%arg12 : memref<32xi32, #tpu.memory_space<vmem>>) semaphore(%arg20 : memref<!tpu.dma_semaphore, #tpu.memory_space<semaphore_mem>>)
    %dma_start3A_36 = arith.constant 0 : i32
    %dma_start3A_37 = arith.constant 0 : i32
    %dma_start3A_38 = tpu.memref_slice %arg7[%dma_start3A_36, %dma_start3A_37] : memref<5888x1024xf32, #tpu.memory_space<hbm>> -> memref<5888x1024xf32, #tpu.memory_space<hbm>>
    tpu.enqueue_indirect_dma source(%arg10 : memref<32x1024xf32, #tpu.memory_space<vmem>>) target(%dma_start3A_38 : memref<5888x1024xf32, #tpu.memory_space<hbm>>) offsets(%arg14 : memref<32xi32, #tpu.memory_space<vmem>>) semaphore(%arg20 : memref<!tpu.dma_semaphore, #tpu.memory_space<semaphore_mem>>)
    %dma_start3A_39 = arith.constant 0 : i32
    %dma_start3A_40 = arith.constant 0 : i32
    %dma_start3A_41 = tpu.memref_slice %arg8[%dma_start3A_39, %dma_start3A_40] : memref<5888x128xf32, #tpu.memory_space<hbm>> -> memref<5888x128xf32, #tpu.memory_space<hbm>>
    tpu.enqueue_indirect_dma source(%arg15 : memref<32x128xf32, #tpu.memory_space<vmem>>) target(%dma_start3A_41 : memref<5888x128xf32, #tpu.memory_space<hbm>>) offsets(%arg11 : memref<32xi32, #tpu.memory_space<vmem>>) semaphore(%arg20 : memref<!tpu.dma_semaphore, #tpu.memory_space<semaphore_mem>>)
    %dma_start3A_42 = arith.constant 0 : i32
    %dma_start3A_43 = arith.constant 0 : i32
    %dma_start3A_44 = tpu.memref_slice %arg8[%dma_start3A_42, %dma_start3A_43] : memref<5888x128xf32, #tpu.memory_space<hbm>> -> memref<5888x128xf32, #tpu.memory_space<hbm>>
    tpu.enqueue_indirect_dma source(%arg17 : memref<32x128xf32, #tpu.memory_space<vmem>>) target(%dma_start3A_44 : memref<5888x128xf32, #tpu.memory_space<hbm>>) offsets(%arg13 : memref<32xi32, #tpu.memory_space<vmem>>) semaphore(%arg20 : memref<!tpu.dma_semaphore, #tpu.memory_space<semaphore_mem>>)
    %dma_start3A_45 = arith.constant 0 : i32
    %dma_start3A_46 = arith.constant 0 : i32
    %dma_start3A_47 = tpu.memref_slice %arg8[%dma_start3A_45, %dma_start3A_46] : memref<5888x128xf32, #tpu.memory_space<hbm>> -> memref<5888x128xf32, #tpu.memory_space<hbm>>
    tpu.enqueue_indirect_dma source(%arg16 : memref<32x128xf32, #tpu.memory_space<vmem>>) target(%dma_start3A_47 : memref<5888x128xf32, #tpu.memory_space<hbm>>) offsets(%arg12 : memref<32xi32, #tpu.memory_space<vmem>>) semaphore(%arg20 : memref<!tpu.dma_semaphore, #tpu.memory_space<semaphore_mem>>)
    %dma_start3A_48 = arith.constant 0 : i32
    %dma_start3A_49 = arith.constant 0 : i32
    %dma_start3A_50 = tpu.memref_slice %arg8[%dma_start3A_48, %dma_start3A_49] : memref<5888x128xf32, #tpu.memory_space<hbm>> -> memref<5888x128xf32, #tpu.memory_space<hbm>>
    tpu.enqueue_indirect_dma source(%arg18 : memref<32x128xf32, #tpu.memory_space<vmem>>) target(%dma_start3A_50 : memref<5888x128xf32, #tpu.memory_space<hbm>>) offsets(%arg14 : memref<32xi32, #tpu.memory_space<vmem>>) semaphore(%arg20 : memref<!tpu.dma_semaphore, #tpu.memory_space<semaphore_mem>>)
    %dma_wait3A_51 = arith.constant 0 : i32
    %dma_wait3A_52 = arith.constant 0 : i32
    %dma_wait3A_53 = tpu.memref_slice %arg7[%dma_wait3A_51, %dma_wait3A_52] : memref<5888x1024xf32, #tpu.memory_space<hbm>> -> memref<5888x1024xf32, #tpu.memory_space<hbm>>
    tpu.wait_indirect_dma semaphore(%arg20 : memref<!tpu.dma_semaphore, #tpu.memory_space<semaphore_mem>>) src(%arg9 : memref<32x1024xf32, #tpu.memory_space<vmem>>) dst(%dma_wait3A_53 : memref<5888x1024xf32, #tpu.memory_space<hbm>>)
    %dma_wait3A_54 = arith.constant 0 : i32
    %dma_wait3A_55 = arith.constant 0 : i32
    %dma_wait3A_56 = tpu.memref_slice %arg7[%dma_wait3A_54, %dma_wait3A_55] : memref<5888x1024xf32, #tpu.memory_space<hbm>> -> memref<5888x1024xf32, #tpu.memory_space<hbm>>
    tpu.wait_indirect_dma semaphore(%arg20 : memref<!tpu.dma_semaphore, #tpu.memory_space<semaphore_mem>>) src(%arg9 : memref<32x1024xf32, #tpu.memory_space<vmem>>) dst(%dma_wait3A_56 : memref<5888x1024xf32, #tpu.memory_space<hbm>>)
    %dma_wait3A_57 = arith.constant 0 : i32
    %dma_wait3A_58 = arith.constant 0 : i32
    %dma_wait3A_59 = tpu.memref_slice %arg7[%dma_wait3A_57, %dma_wait3A_58] : memref<5888x1024xf32, #tpu.memory_space<hbm>> -> memref<5888x1024xf32, #tpu.memory_space<hbm>>
    tpu.wait_indirect_dma semaphore(%arg20 : memref<!tpu.dma_semaphore, #tpu.memory_space<semaphore_mem>>) src(%arg10 : memref<32x1024xf32, #tpu.memory_space<vmem>>) dst(%dma_wait3A_59 : memref<5888x1024xf32, #tpu.memory_space<hbm>>)
    %dma_wait3A_60 = arith.constant 0 : i32
    %dma_wait3A_61 = arith.constant 0 : i32
    %dma_wait3A_62 = tpu.memref_slice %arg7[%dma_wait3A_60, %dma_wait3A_61] : memref<5888x1024xf32, #tpu.memory_space<hbm>> -> memref<5888x1024xf32, #tpu.memory_space<hbm>>
    tpu.wait_indirect_dma semaphore(%arg20 : memref<!tpu.dma_semaphore, #tpu.memory_space<semaphore_mem>>) src(%arg10 : memref<32x1024xf32, #tpu.memory_space<vmem>>) dst(%dma_wait3A_62 : memref<5888x1024xf32, #tpu.memory_space<hbm>>)
    %dma_wait3A_63 = arith.constant 0 : i32
    %dma_wait3A_64 = arith.constant 0 : i32
    %dma_wait3A_65 = tpu.memref_slice %arg8[%dma_wait3A_63, %dma_wait3A_64] : memref<5888x128xf32, #tpu.memory_space<hbm>> -> memref<5888x128xf32, #tpu.memory_space<hbm>>
    tpu.wait_indirect_dma semaphore(%arg20 : memref<!tpu.dma_semaphore, #tpu.memory_space<semaphore_mem>>) src(%arg15 : memref<32x128xf32, #tpu.memory_space<vmem>>) dst(%dma_wait3A_65 : memref<5888x128xf32, #tpu.memory_space<hbm>>)
    %dma_wait3A_66 = arith.constant 0 : i32
    %dma_wait3A_67 = arith.constant 0 : i32
    %dma_wait3A_68 = tpu.memref_slice %arg8[%dma_wait3A_66, %dma_wait3A_67] : memref<5888x128xf32, #tpu.memory_space<hbm>> -> memref<5888x128xf32, #tpu.memory_space<hbm>>
    tpu.wait_indirect_dma semaphore(%arg20 : memref<!tpu.dma_semaphore, #tpu.memory_space<semaphore_mem>>) src(%arg17 : memref<32x128xf32, #tpu.memory_space<vmem>>) dst(%dma_wait3A_68 : memref<5888x128xf32, #tpu.memory_space<hbm>>)
    %dma_wait3A_69 = arith.constant 0 : i32
    %dma_wait3A_70 = arith.constant 0 : i32
    %dma_wait3A_71 = tpu.memref_slice %arg8[%dma_wait3A_69, %dma_wait3A_70] : memref<5888x128xf32, #tpu.memory_space<hbm>> -> memref<5888x128xf32, #tpu.memory_space<hbm>>
    tpu.wait_indirect_dma semaphore(%arg20 : memref<!tpu.dma_semaphore, #tpu.memory_space<semaphore_mem>>) src(%arg16 : memref<32x128xf32, #tpu.memory_space<vmem>>) dst(%dma_wait3A_71 : memref<5888x128xf32, #tpu.memory_space<hbm>>)
    %dma_wait3A_72 = arith.constant 0 : i32
    %dma_wait3A_73 = arith.constant 0 : i32
    %dma_wait3A_74 = tpu.memref_slice %arg8[%dma_wait3A_72, %dma_wait3A_73] : memref<5888x128xf32, #tpu.memory_space<hbm>> -> memref<5888x128xf32, #tpu.memory_space<hbm>>
    tpu.wait_indirect_dma semaphore(%arg20 : memref<!tpu.dma_semaphore, #tpu.memory_space<semaphore_mem>>) src(%arg18 : memref<32x128xf32, #tpu.memory_space<vmem>>) dst(%dma_wait3A_74 : memref<5888x128xf32, #tpu.memory_space<hbm>>)
    return
  }
}

module attributes {stable_mosaic.version = 14 : i64} {
  func.func @_router_kernel(%arg0: memref<2048x1024xf32, #tpu.memory_space<vmem>>, %arg1: memref<8x1024xf32, #tpu.memory_space<vmem>>, %arg2: memref<2048x8xf32, #tpu.memory_space<vmem>>, %arg3: memref<2048x1xi32, #tpu.memory_space<vmem>>, %arg4: memref<2048x1xi32, #tpu.memory_space<vmem>>, %arg5: memref<2048x128xf32, #tpu.memory_space<vmem>>, %arg6: memref<2048x128xf32, #tpu.memory_space<vmem>>, %arg7: memref<1x23xi32, #tpu.memory_space<vmem>>) attributes {dimension_semantics = [], scalar_prefetch = 0 : i64, scratch_operands = 0 : i64, tpu.core_type = #tpu.core_type<tc>} {
    %get3A = arith.constant 0 : index
    %get3A_0 = arith.constant 0 : index
    %get3A_1 = vector.load %arg0[%get3A, %get3A_0] : memref<2048x1024xf32, #tpu.memory_space<vmem>>, vector<2048x1024xf32>
    %get3A_2 = arith.constant 0 : index
    %get3A_3 = arith.constant 0 : index
    %get3A_4 = vector.load %arg1[%get3A_2, %get3A_3] : memref<8x1024xf32, #tpu.memory_space<vmem>>, vector<8x1024xf32>
    %dot_general3A = arith.constant dense<0.000000e+00> : vector<2048x8xf32>
    %dot_general3A_5 = tpu.matmul %get3A_1, %get3A_4, %dot_general3A {dimension_numbers = #tpu.dot_dimension_numbers<[1], [1], [0], [0], [0, 0, 1, 0], [], []>, transpose_lhs_hint = false} : vector<2048x1024xf32>, vector<8x1024xf32>, vector<2048x8xf32> -> vector<2048x8xf32>
    %swap3A = arith.constant 0 : index
    %swap3A_6 = arith.constant 0 : index
    %swap3A_7 = vector.load %arg2[%swap3A, %swap3A_6] : memref<2048x8xf32, #tpu.memory_space<vmem>>, vector<2048x8xf32>
    tpu.vector_store %arg2[%swap3A, %swap3A_6], %dot_general3A_5 {strides = array<i32>} : memref<2048x8xf32, #tpu.memory_space<vmem>>, vector<2048x8xf32>,
    %logistic3A = arith.negf %dot_general3A_5 : vector<2048x8xf32>
    %logistic3A_8 = math.exp %logistic3A : vector<2048x8xf32>
    %logistic3A_9 = arith.constant 1.000000e+00 : f32
    %logistic3A_10 = vector.broadcast %logistic3A_9 : f32 to vector<2048x8xf32>
    %logistic3A_11 = arith.addf %logistic3A_10, %logistic3A_8 : vector<2048x8xf32>
    %logistic3A_12 = arith.divf %logistic3A_10, %logistic3A_11 : vector<2048x8xf32>
    %argmax3A = tpu.reduce_index %logistic3A_12 {axis = 1 : i32, kind = #tpu.reduction_kind<arg_max>} : vector<2048x8xf32> -> vector<2048xi32>
    %reduce_max3A = arith.constant dense<0xFF800000> : vector<2048xf32>
    %reduce_max3A_13 = vector.multi_reduction <maximumf>, %logistic3A_12, %reduce_max3A [1] : vector<2048x8xf32> to vector<2048xf32>
    %iota3A = tpu.iota {dimensions = array<i32: 1>} : vector<2048x8xi32>
    %broadcast_in_dim3A = vector.shape_cast %argmax3A : vector<2048xi32> to vector<2048x1xi32>
    %eq3A = vector.broadcast %broadcast_in_dim3A : vector<2048x1xi32> to vector<2048x8xi32>
    %eq3A_14 = arith.cmpi eq, %iota3A, %eq3A : vector<2048x8xi32>
    %jit3A = arith.constant 0xFF800000 : f32
    %broadcast_in_dim3A_15 = vector.broadcast %jit3A : f32 to vector<2048x8xf32>
    %select_n3A = arith.select %eq3A_14, %broadcast_in_dim3A_15, %logistic3A_12 : vector<2048x8xi1>, vector<2048x8xf32>
    %argmax3A_16 = tpu.reduce_index %select_n3A {axis = 1 : i32, kind = #tpu.reduction_kind<arg_max>} : vector<2048x8xf32> -> vector<2048xi32>
    %reduce_max3A_17 = arith.constant dense<0xFF800000> : vector<2048xf32>
    %reduce_max3A_18 = vector.multi_reduction <maximumf>, %select_n3A, %reduce_max3A_17 [1] : vector<2048x8xf32> to vector<2048xf32>
    %add3A = arith.addf %reduce_max3A_13, %reduce_max3A_18 : vector<2048xf32>
    %add3A_19 = arith.constant 9.99999997E-7 : f32
    %add3A_20 = vector.broadcast %add3A_19 : f32 to vector<2048xf32>
    %add3A_21 = arith.addf %add3A, %add3A_20 : vector<2048xf32>
    %div3A = arith.divf %reduce_max3A_13, %add3A_21 : vector<2048xf32>
    %broadcast_in_dim3A_22 = vector.shape_cast %div3A : vector<2048xf32> to vector<2048x1xf32>
    %div3A_23 = arith.divf %reduce_max3A_18, %add3A_21 : vector<2048xf32>
    %broadcast_in_dim3A_24 = vector.shape_cast %div3A_23 : vector<2048xf32> to vector<2048x1xf32>
    %broadcast_in_dim3A_25 = vector.shape_cast %argmax3A : vector<2048xi32> to vector<2048x1xi32>
    %eq3A_26 = vector.broadcast %broadcast_in_dim3A_25 : vector<2048x1xi32> to vector<2048x8xi32>
    %eq3A_27 = arith.cmpi eq, %iota3A, %eq3A_26 : vector<2048x8xi32>
    %convert_element_type3A = arith.extui %eq3A_27 : vector<2048x8xi1> to vector<2048x8xi32>
    %convert_element_type3A_28 = arith.sitofp %convert_element_type3A : vector<2048x8xi32> to vector<2048x8xf32>
    %broadcast_in_dim3A_29 = vector.shape_cast %argmax3A_16 : vector<2048xi32> to vector<2048x1xi32>
    %eq3A_30 = vector.broadcast %broadcast_in_dim3A_29 : vector<2048x1xi32> to vector<2048x8xi32>
    %eq3A_31 = arith.cmpi eq, %iota3A, %eq3A_30 : vector<2048x8xi32>
    %convert_element_type3A_32 = arith.extui %eq3A_31 : vector<2048x8xi1> to vector<2048x8xi32>
    %convert_element_type3A_33 = arith.sitofp %convert_element_type3A_32 : vector<2048x8xi32> to vector<2048x8xf32>
    %add3A_34 = arith.addf %convert_element_type3A_28, %convert_element_type3A_33 : vector<2048x8xf32>
    %iota3A_35 = tpu.iota {dimensions = array<i32: 0>} : vector<256x256xi32>
    %iota3A_36 = tpu.iota {dimensions = array<i32: 1>} : vector<256x256xi32>
    %lt3A = arith.cmpi slt, %iota3A_36, %iota3A_35 : vector<256x256xi32>
    %convert_element_type3A_37 = arith.extui %lt3A : vector<256x256xi1> to vector<256x256xi32>
    %convert_element_type3A_38 = arith.sitofp %convert_element_type3A_37 : vector<256x256xi32> to vector<256x256xf32>
    %broadcast_in_dim3A_39 = arith.constant 0.000000e+00 : f32
    %broadcast_in_dim3A_40 = vector.broadcast %broadcast_in_dim3A_39 : f32 to vector<1x8xf32>
    %slice3A = vector.extract_strided_slice %add3A_34 {offsets = [0, 0], sizes = [256, 8], strides = [1, 1]} : vector<2048x8xf32> to vector<256x8xf32>
    %dot_general3A_41 = arith.constant dense<0.000000e+00> : vector<256x8xf32>
    %dot_general3A_42 = tpu.matmul %convert_element_type3A_38, %slice3A, %dot_general3A_41 {dimension_numbers = #tpu.dot_dimension_numbers<[1], [0], [0], [1], [0, 0, 1, 1], [], []>, transpose_lhs_hint = false} : vector<256x256xf32>, vector<256x8xf32>, vector<256x8xf32> -> vector<256x8xf32>
    %add3A_43 = vector.broadcast %broadcast_in_dim3A_40 : vector<1x8xf32> to vector<256x8xf32>
    %add3A_44 = arith.addf %dot_general3A_42, %add3A_43 : vector<256x8xf32>
    %reduce_sum3A = arith.constant dense<0.000000e+00> : vector<8xf32>
    %reduce_sum3A_45 = vector.multi_reduction <add>, %slice3A, %reduce_sum3A [0] : vector<256x8xf32> to vector<8xf32>
    %broadcast_in_dim3A_46 = vector.shape_cast %reduce_sum3A_45 : vector<8xf32> to vector<1x8xf32>
    %add3A_47 = arith.addf %broadcast_in_dim3A_40, %broadcast_in_dim3A_46 : vector<1x8xf32>
    %slice3A_48 = vector.extract_strided_slice %add3A_34 {offsets = [256, 0], sizes = [256, 8], strides = [1, 1]} : vector<2048x8xf32> to vector<256x8xf32>
    %dot_general3A_49 = arith.constant dense<0.000000e+00> : vector<256x8xf32>
    %dot_general3A_50 = tpu.matmul %convert_element_type3A_38, %slice3A_48, %dot_general3A_49 {dimension_numbers = #tpu.dot_dimension_numbers<[1], [0], [0], [1], [0, 0, 1, 1], [], []>, transpose_lhs_hint = false} : vector<256x256xf32>, vector<256x8xf32>, vector<256x8xf32> -> vector<256x8xf32>
    %add3A_51 = vector.broadcast %add3A_47 : vector<1x8xf32> to vector<256x8xf32>
    %add3A_52 = arith.addf %dot_general3A_50, %add3A_51 : vector<256x8xf32>
    %reduce_sum3A_53 = arith.constant dense<0.000000e+00> : vector<8xf32>
    %reduce_sum3A_54 = vector.multi_reduction <add>, %slice3A_48, %reduce_sum3A_53 [0] : vector<256x8xf32> to vector<8xf32>
    %broadcast_in_dim3A_55 = vector.shape_cast %reduce_sum3A_54 : vector<8xf32> to vector<1x8xf32>
    %add3A_56 = arith.addf %add3A_47, %broadcast_in_dim3A_55 : vector<1x8xf32>
    %slice3A_57 = vector.extract_strided_slice %add3A_34 {offsets = [512, 0], sizes = [256, 8], strides = [1, 1]} : vector<2048x8xf32> to vector<256x8xf32>
    %dot_general3A_58 = arith.constant dense<0.000000e+00> : vector<256x8xf32>
    %dot_general3A_59 = tpu.matmul %convert_element_type3A_38, %slice3A_57, %dot_general3A_58 {dimension_numbers = #tpu.dot_dimension_numbers<[1], [0], [0], [1], [0, 0, 1, 1], [], []>, transpose_lhs_hint = false} : vector<256x256xf32>, vector<256x8xf32>, vector<256x8xf32> -> vector<256x8xf32>
    %add3A_60 = vector.broadcast %add3A_56 : vector<1x8xf32> to vector<256x8xf32>
    %add3A_61 = arith.addf %dot_general3A_59, %add3A_60 : vector<256x8xf32>
    %reduce_sum3A_62 = arith.constant dense<0.000000e+00> : vector<8xf32>
    %reduce_sum3A_63 = vector.multi_reduction <add>, %slice3A_57, %reduce_sum3A_62 [0] : vector<256x8xf32> to vector<8xf32>
    %broadcast_in_dim3A_64 = vector.shape_cast %reduce_sum3A_63 : vector<8xf32> to vector<1x8xf32>
    %add3A_65 = arith.addf %add3A_56, %broadcast_in_dim3A_64 : vector<1x8xf32>
    %slice3A_66 = vector.extract_strided_slice %add3A_34 {offsets = [768, 0], sizes = [256, 8], strides = [1, 1]} : vector<2048x8xf32> to vector<256x8xf32>
    %dot_general3A_67 = arith.constant dense<0.000000e+00> : vector<256x8xf32>
    %dot_general3A_68 = tpu.matmul %convert_element_type3A_38, %slice3A_66, %dot_general3A_67 {dimension_numbers = #tpu.dot_dimension_numbers<[1], [0], [0], [1], [0, 0, 1, 1], [], []>, transpose_lhs_hint = false} : vector<256x256xf32>, vector<256x8xf32>, vector<256x8xf32> -> vector<256x8xf32>
    %add3A_69 = vector.broadcast %add3A_65 : vector<1x8xf32> to vector<256x8xf32>
    %add3A_70 = arith.addf %dot_general3A_68, %add3A_69 : vector<256x8xf32>
    %reduce_sum3A_71 = arith.constant dense<0.000000e+00> : vector<8xf32>
    %reduce_sum3A_72 = vector.multi_reduction <add>, %slice3A_66, %reduce_sum3A_71 [0] : vector<256x8xf32> to vector<8xf32>
    %broadcast_in_dim3A_73 = vector.shape_cast %reduce_sum3A_72 : vector<8xf32> to vector<1x8xf32>
    %add3A_74 = arith.addf %add3A_65, %broadcast_in_dim3A_73 : vector<1x8xf32>
    %slice3A_75 = vector.extract_strided_slice %add3A_34 {offsets = [1024, 0], sizes = [256, 8], strides = [1, 1]} : vector<2048x8xf32> to vector<256x8xf32>
    %dot_general3A_76 = arith.constant dense<0.000000e+00> : vector<256x8xf32>
    %dot_general3A_77 = tpu.matmul %convert_element_type3A_38, %slice3A_75, %dot_general3A_76 {dimension_numbers = #tpu.dot_dimension_numbers<[1], [0], [0], [1], [0, 0, 1, 1], [], []>, transpose_lhs_hint = false} : vector<256x256xf32>, vector<256x8xf32>, vector<256x8xf32> -> vector<256x8xf32>
    %add3A_78 = vector.broadcast %add3A_74 : vector<1x8xf32> to vector<256x8xf32>
    %add3A_79 = arith.addf %dot_general3A_77, %add3A_78 : vector<256x8xf32>
    %reduce_sum3A_80 = arith.constant dense<0.000000e+00> : vector<8xf32>
    %reduce_sum3A_81 = vector.multi_reduction <add>, %slice3A_75, %reduce_sum3A_80 [0] : vector<256x8xf32> to vector<8xf32>
    %broadcast_in_dim3A_82 = vector.shape_cast %reduce_sum3A_81 : vector<8xf32> to vector<1x8xf32>
    %add3A_83 = arith.addf %add3A_74, %broadcast_in_dim3A_82 : vector<1x8xf32>
    %slice3A_84 = vector.extract_strided_slice %add3A_34 {offsets = [1280, 0], sizes = [256, 8], strides = [1, 1]} : vector<2048x8xf32> to vector<256x8xf32>
    %dot_general3A_85 = arith.constant dense<0.000000e+00> : vector<256x8xf32>
    %dot_general3A_86 = tpu.matmul %convert_element_type3A_38, %slice3A_84, %dot_general3A_85 {dimension_numbers = #tpu.dot_dimension_numbers<[1], [0], [0], [1], [0, 0, 1, 1], [], []>, transpose_lhs_hint = false} : vector<256x256xf32>, vector<256x8xf32>, vector<256x8xf32> -> vector<256x8xf32>
    %add3A_87 = vector.broadcast %add3A_83 : vector<1x8xf32> to vector<256x8xf32>
    %add3A_88 = arith.addf %dot_general3A_86, %add3A_87 : vector<256x8xf32>
    %reduce_sum3A_89 = arith.constant dense<0.000000e+00> : vector<8xf32>
    %reduce_sum3A_90 = vector.multi_reduction <add>, %slice3A_84, %reduce_sum3A_89 [0] : vector<256x8xf32> to vector<8xf32>
    %broadcast_in_dim3A_91 = vector.shape_cast %reduce_sum3A_90 : vector<8xf32> to vector<1x8xf32>
    %add3A_92 = arith.addf %add3A_83, %broadcast_in_dim3A_91 : vector<1x8xf32>
    %slice3A_93 = vector.extract_strided_slice %add3A_34 {offsets = [1536, 0], sizes = [256, 8], strides = [1, 1]} : vector<2048x8xf32> to vector<256x8xf32>
    %dot_general3A_94 = arith.constant dense<0.000000e+00> : vector<256x8xf32>
    %dot_general3A_95 = tpu.matmul %convert_element_type3A_38, %slice3A_93, %dot_general3A_94 {dimension_numbers = #tpu.dot_dimension_numbers<[1], [0], [0], [1], [0, 0, 1, 1], [], []>, transpose_lhs_hint = false} : vector<256x256xf32>, vector<256x8xf32>, vector<256x8xf32> -> vector<256x8xf32>
    %add3A_96 = vector.broadcast %add3A_92 : vector<1x8xf32> to vector<256x8xf32>
    %add3A_97 = arith.addf %dot_general3A_95, %add3A_96 : vector<256x8xf32>
    %reduce_sum3A_98 = arith.constant dense<0.000000e+00> : vector<8xf32>
    %reduce_sum3A_99 = vector.multi_reduction <add>, %slice3A_93, %reduce_sum3A_98 [0] : vector<256x8xf32> to vector<8xf32>
    %broadcast_in_dim3A_100 = vector.shape_cast %reduce_sum3A_99 : vector<8xf32> to vector<1x8xf32>
    %add3A_101 = arith.addf %add3A_92, %broadcast_in_dim3A_100 : vector<1x8xf32>
    %slice3A_102 = vector.extract_strided_slice %add3A_34 {offsets = [1792, 0], sizes = [256, 8], strides = [1, 1]} : vector<2048x8xf32> to vector<256x8xf32>
    %dot_general3A_103 = arith.constant dense<0.000000e+00> : vector<256x8xf32>
    %dot_general3A_104 = tpu.matmul %convert_element_type3A_38, %slice3A_102, %dot_general3A_103 {dimension_numbers = #tpu.dot_dimension_numbers<[1], [0], [0], [1], [0, 0, 1, 1], [], []>, transpose_lhs_hint = false} : vector<256x256xf32>, vector<256x8xf32>, vector<256x8xf32> -> vector<256x8xf32>
    %add3A_105 = vector.broadcast %add3A_101 : vector<1x8xf32> to vector<256x8xf32>
    %add3A_106 = arith.addf %dot_general3A_104, %add3A_105 : vector<256x8xf32>
    %reduce_sum3A_107 = arith.constant dense<0.000000e+00> : vector<8xf32>
    %reduce_sum3A_108 = vector.multi_reduction <add>, %slice3A_102, %reduce_sum3A_107 [0] : vector<256x8xf32> to vector<8xf32>
    %broadcast_in_dim3A_109 = vector.shape_cast %reduce_sum3A_108 : vector<8xf32> to vector<1x8xf32>
    %add3A_110 = arith.addf %add3A_101, %broadcast_in_dim3A_109 : vector<1x8xf32>
    %concatenate3A = tpu.concatenate %add3A_44, %add3A_52, %add3A_61, %add3A_70, %add3A_79, %add3A_88, %add3A_97, %add3A_106 in 0 : vector<256x8xf32>, vector<256x8xf32>, vector<256x8xf32>, vector<256x8xf32>, vector<256x8xf32>, vector<256x8xf32>, vector<256x8xf32>, vector<256x8xf32> -> vector<2048x8xf32>
    %add3A_111 = arith.constant 2.550000e+02 : f32
    %add3A_112 = vector.broadcast %add3A_111 : f32 to vector<1x8xf32>
    %add3A_113 = arith.addf %add3A_110, %add3A_112 : vector<1x8xf32>
    %mul3A = arith.constant 3.906250e-03 : f32
    %mul3A_114 = vector.broadcast %mul3A : f32 to vector<1x8xf32>
    %mul3A_115 = arith.mulf %add3A_113, %mul3A_114 : vector<1x8xf32>
    %floor3A = math.floor %mul3A_115 : vector<1x8xf32>
    %iota3A_116 = tpu.iota {dimensions = array<i32: 0>} : vector<8x8xi32>
    %iota3A_117 = tpu.iota {dimensions = array<i32: 1>} : vector<8x8xi32>
    %lt3A_118 = arith.cmpi slt, %iota3A_116, %iota3A_117 : vector<8x8xi32>
    %convert_element_type3A_119 = arith.extui %lt3A_118 : vector<8x8xi1> to vector<8x8xi32>
    %convert_element_type3A_120 = arith.sitofp %convert_element_type3A_119 : vector<8x8xi32> to vector<8x8xf32>
    %dot_general3A_121 = arith.constant dense<0.000000e+00> : vector<1x8xf32>
    %dot_general3A_122 = tpu.matmul %floor3A, %convert_element_type3A_120, %dot_general3A_121 {dimension_numbers = #tpu.dot_dimension_numbers<[1], [0], [0], [1], [0, 0, 1, 1], [], []>, transpose_lhs_hint = false} : vector<1x8xf32>, vector<8x8xf32>, vector<1x8xf32> -> vector<1x8xf32>
    %mul3A_123 = arith.constant 2.560000e+02 : f32
    %mul3A_124 = vector.broadcast %mul3A_123 : f32 to vector<1x8xf32>
    %mul3A_125 = arith.mulf %dot_general3A_122, %mul3A_124 : vector<1x8xf32>
    %transpose3A = tpu.transpose %dot_general3A_122, [1, 0] : vector<1x8xf32> -> vector<8x1xf32>
    %convert_element_type3A_126 = arith.fptosi %transpose3A : vector<8x1xf32> to vector<8x1xi32>
    %iota3A_127 = tpu.iota {dimensions = array<i32: 1>} : vector<8x23xi32>
    %ge3A = vector.broadcast %convert_element_type3A_126 : vector<8x1xi32> to vector<8x23xi32>
    %ge3A_128 = arith.cmpi sge, %iota3A_127, %ge3A : vector<8x23xi32>
    %convert_element_type3A_129 = arith.extui %ge3A_128 : vector<8x23xi1> to vector<8x23xi32>
    %reduce_sum3A_130 = arith.constant dense<0> : vector<23xi32>
    %reduce_sum3A_131 = vector.multi_reduction <add>, %convert_element_type3A_129, %reduce_sum3A_130 [0] : vector<8x23xi32> to vector<23xi32>
    %broadcast_in_dim3A_132 = vector.shape_cast %reduce_sum3A_131 : vector<23xi32> to vector<1x23xi32>
    %sub3A = arith.constant 1 : i32
    %sub3A_133 = vector.broadcast %sub3A : i32 to vector<1x23xi32>
    %sub3A_134 = arith.subi %broadcast_in_dim3A_132, %sub3A_133 : vector<1x23xi32>
    %swap3A_135 = arith.constant 0 : index
    %swap3A_136 = arith.constant 0 : index
    %swap3A_137 = vector.load %arg7[%swap3A_135, %swap3A_136] : memref<1x23xi32, #tpu.memory_space<vmem>>, vector<1x23xi32>
    tpu.vector_store %arg7[%swap3A_135, %swap3A_136], %sub3A_134 {strides = array<i32>} : memref<1x23xi32, #tpu.memory_space<vmem>>, vector<1x23xi32>,
    %add3A_138 = vector.broadcast %mul3A_125 : vector<1x8xf32> to vector<2048x8xf32>
    %add3A_139 = arith.addf %concatenate3A, %add3A_138 : vector<2048x8xf32>
    %mul3A_140 = arith.mulf %convert_element_type3A_28, %add3A_139 : vector<2048x8xf32>
    %reduce_sum3A_141 = arith.constant dense<0.000000e+00> : vector<2048xf32>
    %reduce_sum3A_142 = vector.multi_reduction <add>, %mul3A_140, %reduce_sum3A_141 [1] : vector<2048x8xf32> to vector<2048xf32>
    %broadcast_in_dim3A_143 = vector.shape_cast %reduce_sum3A_142 : vector<2048xf32> to vector<2048x1xf32>
    %mul3A_144 = arith.mulf %convert_element_type3A_33, %add3A_139 : vector<2048x8xf32>
    %reduce_sum3A_145 = arith.constant dense<0.000000e+00> : vector<2048xf32>
    %reduce_sum3A_146 = vector.multi_reduction <add>, %mul3A_144, %reduce_sum3A_145 [1] : vector<2048x8xf32> to vector<2048xf32>
    %broadcast_in_dim3A_147 = vector.shape_cast %reduce_sum3A_146 : vector<2048xf32> to vector<2048x1xf32>
    %convert_element_type3A_148 = arith.fptosi %broadcast_in_dim3A_143 : vector<2048x1xf32> to vector<2048x1xi32>
    %swap3A_149 = arith.constant 0 : index
    %swap3A_150 = arith.constant 0 : index
    %swap3A_151 = vector.load %arg3[%swap3A_149, %swap3A_150] : memref<2048x1xi32, #tpu.memory_space<vmem>>, vector<2048x1xi32>
    tpu.vector_store %arg3[%swap3A_149, %swap3A_150], %convert_element_type3A_148 {strides = array<i32>} : memref<2048x1xi32, #tpu.memory_space<vmem>>, vector<2048x1xi32>,
    %convert_element_type3A_152 = arith.fptosi %broadcast_in_dim3A_147 : vector<2048x1xf32> to vector<2048x1xi32>
    %swap3A_153 = arith.constant 0 : index
    %swap3A_154 = arith.constant 0 : index
    %swap3A_155 = vector.load %arg4[%swap3A_153, %swap3A_154] : memref<2048x1xi32, #tpu.memory_space<vmem>>, vector<2048x1xi32>
    tpu.vector_store %arg4[%swap3A_153, %swap3A_154], %convert_element_type3A_152 {strides = array<i32>} : memref<2048x1xi32, #tpu.memory_space<vmem>>, vector<2048x1xi32>,
    %broadcast_in_dim3A_156 = arith.constant 1.000000e+00 : f32
    %broadcast_in_dim3A_157 = vector.broadcast %broadcast_in_dim3A_156 : f32 to vector<1x128xf32>
    %mul3A_158 = vector.broadcast %broadcast_in_dim3A_22 : vector<2048x1xf32> to vector<2048x128xf32>
    %mul3A_159 = vector.broadcast %broadcast_in_dim3A_157 : vector<1x128xf32> to vector<2048x128xf32>
    %mul3A_160 = arith.mulf %mul3A_158, %mul3A_159 : vector<2048x128xf32>
    %swap3A_161 = arith.constant 0 : index
    %swap3A_162 = arith.constant 0 : index
    %swap3A_163 = vector.load %arg5[%swap3A_161, %swap3A_162] : memref<2048x128xf32, #tpu.memory_space<vmem>>, vector<2048x128xf32>
    tpu.vector_store %arg5[%swap3A_161, %swap3A_162], %mul3A_160 {strides = array<i32>} : memref<2048x128xf32, #tpu.memory_space<vmem>>, vector<2048x128xf32>,
    %mul3A_164 = vector.broadcast %broadcast_in_dim3A_24 : vector<2048x1xf32> to vector<2048x128xf32>
    %mul3A_165 = vector.broadcast %broadcast_in_dim3A_157 : vector<1x128xf32> to vector<2048x128xf32>
    %mul3A_166 = arith.mulf %mul3A_164, %mul3A_165 : vector<2048x128xf32>
    %swap3A_167 = arith.constant 0 : index
    %swap3A_168 = arith.constant 0 : index
    %swap3A_169 = vector.load %arg6[%swap3A_167, %swap3A_168] : memref<2048x128xf32, #tpu.memory_space<vmem>>, vector<2048x128xf32>
    tpu.vector_store %arg6[%swap3A_167, %swap3A_168], %mul3A_166 {strides = array<i32>} : memref<2048x128xf32, #tpu.memory_space<vmem>>, vector<2048x128xf32>,
    return
  }
}

module attributes {stable_mosaic.version = 14 : i64} {
  func.func @_ffn_kernel(%arg0: i32, %arg1: memref<23xi32, #tpu.memory_space<smem>>, %arg2: memref<256x1024xf32, #tpu.memory_space<vmem>>, %arg3: memref<256x128xf32, #tpu.memory_space<vmem>>, %arg4: memref<1x512x1024xf32, #tpu.memory_space<vmem>>, %arg5: memref<1x512x1024xf32, #tpu.memory_space<vmem>>, %arg6: memref<1x1024x512xf32, #tpu.memory_space<vmem>>, %arg7: memref<256x1024xf32, #tpu.memory_space<vmem>>) attributes {dimension_semantics = [#tpu.dimension_semantics<arbitrary>], iteration_bounds = array<i64: 23>, scalar_prefetch = 1 : i64, scratch_operands = 0 : i64, tpu.core_type = #tpu.core_type<tc>, window_params = [{transform_indices = @transform_0, window_bounds = array<i64: 256, 1024>}, {transform_indices = @transform_1, window_bounds = array<i64: 256, 128>}, {transform_indices = @transform_2, window_bounds = array<i64: 1, 512, 1024>}, {transform_indices = @transform_3, window_bounds = array<i64: 1, 512, 1024>}, {transform_indices = @transform_4, window_bounds = array<i64: 1, 1024, 512>}, {transform_indices = @transform_5, window_bounds = array<i64: 256, 1024>}]} {
    %get3A = arith.constant 0 : index
    %get3A_0 = arith.constant 0 : index
    %get3A_1 = vector.load %arg2[%get3A, %get3A_0] : memref<256x1024xf32, #tpu.memory_space<vmem>>, vector<256x1024xf32>
    %get3A_2 = arith.constant 0 : index
    %get3A_3 = arith.constant 0 : index
    %get3A_4 = arith.constant 0 : index
    %get3A_5 = vector.load %arg4[%get3A_2, %get3A_3, %get3A_4] : memref<1x512x1024xf32, #tpu.memory_space<vmem>>, vector<1x512x1024xf32>
    %get3A_6 = vector.shape_cast %get3A_5 : vector<1x512x1024xf32> to vector<512x1024xf32>
    %dot_general3A = arith.constant dense<0.000000e+00> : vector<256x512xf32>
    %dot_general3A_7 = tpu.matmul %get3A_1, %get3A_6, %dot_general3A {dimension_numbers = #tpu.dot_dimension_numbers<[1], [1], [0], [0], [0, 0, 1, 0], [], []>, transpose_lhs_hint = false} : vector<256x1024xf32>, vector<512x1024xf32>, vector<256x512xf32> -> vector<256x512xf32>
    %get3A_8 = arith.constant 0 : index
    %get3A_9 = arith.constant 0 : index
    %get3A_10 = arith.constant 0 : index
    %get3A_11 = vector.load %arg5[%get3A_8, %get3A_9, %get3A_10] : memref<1x512x1024xf32, #tpu.memory_space<vmem>>, vector<1x512x1024xf32>
    %get3A_12 = vector.shape_cast %get3A_11 : vector<1x512x1024xf32> to vector<512x1024xf32>
    %dot_general3A_13 = arith.constant dense<0.000000e+00> : vector<256x512xf32>
    %dot_general3A_14 = tpu.matmul %get3A_1, %get3A_12, %dot_general3A_13 {dimension_numbers = #tpu.dot_dimension_numbers<[1], [1], [0], [0], [0, 0, 1, 0], [], []>, transpose_lhs_hint = false} : vector<256x1024xf32>, vector<512x1024xf32>, vector<256x512xf32> -> vector<256x512xf32>
    %logistic3A = arith.negf %dot_general3A_7 : vector<256x512xf32>
    %logistic3A_15 = math.exp %logistic3A : vector<256x512xf32>
    %logistic3A_16 = arith.constant 1.000000e+00 : f32
    %logistic3A_17 = vector.broadcast %logistic3A_16 : f32 to vector<256x512xf32>
    %logistic3A_18 = arith.addf %logistic3A_17, %logistic3A_15 : vector<256x512xf32>
    %logistic3A_19 = arith.divf %logistic3A_17, %logistic3A_18 : vector<256x512xf32>
    %mul3A = arith.mulf %dot_general3A_7, %logistic3A_19 : vector<256x512xf32>
    %mul3A_20 = arith.mulf %mul3A, %dot_general3A_14 : vector<256x512xf32>
    %get3A_21 = arith.constant 0 : index
    %get3A_22 = arith.constant 0 : index
    %get3A_23 = arith.constant 0 : index
    %get3A_24 = vector.load %arg6[%get3A_21, %get3A_22, %get3A_23] : memref<1x1024x512xf32, #tpu.memory_space<vmem>>, vector<1x1024x512xf32>
    %get3A_25 = vector.shape_cast %get3A_24 : vector<1x1024x512xf32> to vector<1024x512xf32>
    %dot_general3A_26 = arith.constant dense<0.000000e+00> : vector<256x1024xf32>
    %dot_general3A_27 = tpu.matmul %mul3A_20, %get3A_25, %dot_general3A_26 {dimension_numbers = #tpu.dot_dimension_numbers<[1], [1], [0], [0], [0, 0, 1, 0], [], []>, transpose_lhs_hint = false} : vector<256x512xf32>, vector<1024x512xf32>, vector<256x1024xf32> -> vector<256x1024xf32>
    %get3A_28 = arith.constant 0 : index
    %get3A_29 = arith.constant 0 : index
    %get3A_30 = vector.load %arg3[%get3A_28, %get3A_29] : memref<256x128xf32, #tpu.memory_space<vmem>>, vector<256x1xf32>
    %mul3A_31 = vector.broadcast %get3A_30 : vector<256x1xf32> to vector<256x1024xf32>
    %mul3A_32 = arith.mulf %dot_general3A_27, %mul3A_31 : vector<256x1024xf32>
    %swap3A = arith.constant 0 : index
    %swap3A_33 = arith.constant 0 : index
    %swap3A_34 = vector.load %arg7[%swap3A, %swap3A_33] : memref<256x1024xf32, #tpu.memory_space<vmem>>, vector<256x1024xf32>
    tpu.vector_store %arg7[%swap3A, %swap3A_33], %mul3A_32 {strides = array<i32>} : memref<256x1024xf32, #tpu.memory_space<vmem>>, vector<256x1024xf32>,
    return
  }
  func.func @transform_0(%arg0: i32, %arg1: memref<23xi32, #tpu.memory_space<smem>>) -> (i32, i32) {
    %c0_i32 = arith.constant 0 : i32
    %c0_i32_0 = arith.constant 0 : i32
    return %arg0, %c0_i32 : i32, i32
  }
  func.func @transform_1(%arg0: i32, %arg1: memref<23xi32, #tpu.memory_space<smem>>) -> (i32, i32) {
    %c0_i32 = arith.constant 0 : i32
    %c0_i32_0 = arith.constant 0 : i32
    return %arg0, %c0_i32 : i32, i32
  }
  func.func @transform_2(%arg0: i32, %arg1: memref<23xi32, #tpu.memory_space<smem>>) -> (i32, i32, i32) {
    %get3A = arith.index_cast %arg0 : i32 to index
    %get3A_0 = memref.load %arg1[%get3A] : memref<23xi32, #tpu.memory_space<smem>>
    %c0_i32 = arith.constant 0 : i32
    %c0_i32_1 = arith.constant 0 : i32
    %c0_i32_2 = arith.constant 0 : i32
    return %get3A_0, %c0_i32, %c0_i32_1 : i32, i32, i32
  }
  func.func @transform_3(%arg0: i32, %arg1: memref<23xi32, #tpu.memory_space<smem>>) -> (i32, i32, i32) {
    %get3A = arith.index_cast %arg0 : i32 to index
    %get3A_0 = memref.load %arg1[%get3A] : memref<23xi32, #tpu.memory_space<smem>>
    %c0_i32 = arith.constant 0 : i32
    %c0_i32_1 = arith.constant 0 : i32
    %c0_i32_2 = arith.constant 0 : i32
    return %get3A_0, %c0_i32, %c0_i32_1 : i32, i32, i32
  }
  func.func @transform_4(%arg0: i32, %arg1: memref<23xi32, #tpu.memory_space<smem>>) -> (i32, i32, i32) {
    %get3A = arith.index_cast %arg0 : i32 to index
    %get3A_0 = memref.load %arg1[%get3A] : memref<23xi32, #tpu.memory_space<smem>>
    %c0_i32 = arith.constant 0 : i32
    %c0_i32_1 = arith.constant 0 : i32
    %c0_i32_2 = arith.constant 0 : i32
    return %get3A_0, %c0_i32, %c0_i32_1 : i32, i32, i32
  }
  func.func @transform_5(%arg0: i32, %arg1: memref<23xi32, #tpu.memory_space<smem>>) -> (i32, i32) {
    %c0_i32 = arith.constant 0 : i32
    %c0_i32_0 = arith.constant 0 : i32
    return %arg0, %c0_i32 : i32, i32
  }
}

</mosaic_0001>

<sc_bundles>
// kernel: kernel.6.cloned.1.call-start
scs
__scs_entry_jumppad:
0x0: {  	(pc) =	sbr.rel $0x88, $3  }
0x1: {  	(tag) =	ssettag $0x0;
	lr =	simm.s32 $0x1  }
0x2: {  	[smem:$0x3F9C] =	sst lr;
	_ =	strace $0xD0000000  }
0x3: {  	_ = 	snop  }
0x4: {  	_ = 	snop  }
0x5: {  	_ = 	snop  }
0x6: {  	_ = 	snop  }
0x7: {  	_ = 	snop  }
__scs_overlays_trampoline_lowered:
0x8: {  	[smem:$0x3FAB] =	sst s0  }
0x9: {  	[smem:$0x3FAC] =	sst s1  }
0xa: {  	[smem:$0x3FAD] =	sst s2  }
0xb: {  	[smem:$0x3FAE] =	sst s3  }
0xc: {  	[smem:$0x3FAF] =	sst s4  }
0xd: {  	[smem:$0x3FB0] =	sst s5  }
0xe: {  	[smem:$0x3FB1] =	sst s6  }
0xf: {  	[smem:$0x3FB2] =	sst s7  }
0x10: {  	[smem:$0x3FB3] =	sst s8  }
0x11: {  	[smem:$0x3FB4] =	sst s9;
	s0 =	simm.s32 @!p0 $0x0  }
0x12: {  	s1 =	sld [smem:$0x3F9A];
	s0 =	simm.s32 @p0 $0x1  }
0x13: {  	[smem:$0x3FB5] =	sst s0;
	s0 =	simm.s32 @!p1 $0x0  }
0x14: {  	s2 =	sld [smem:$0x3F99];
	s0 =	simm.s32 @p1 $0x1  }
0x15: {  	[smem:$0x3FB6] =	sst s0;
	s0 =	simm.s32 @!p2 $0x0  }
0x16: {  	s3 =	sld [smem:$0x3FDB];
	s0 =	simm.s32 @p2 $0x1  }
0x17: {  	s4 =	simm.s32 $0x1BF5;
	[smem:$0x3FB8] =	sst s0  }
0x18: {  	s0 =	sld [smem:$0x3F9B];
	_ =	swait.ge [sflag:s4], $0x0  }
0x19: {  	s7 =	sld [smem:$0x3F9C]  }
0x1a: {  	s8 =	sadd.s32 $0xFFFFE003, lr  }
0x1b: {  	s9 =	sadd.s32 $0xFFFFFEF7, lr;
	s5 =	simm.s32 $0xFFFFFFFF;
	p2 =	slt.u32 s8, $0xFFFFF086  }
0x1c: {  	p1 =	slt.u32 s9, $0xF7A;
	s5 =	simm.s32 @!p2 $0x0  }
0x1d: {  	s5 =	simm.s32 @p1 $0x1;
	p0 =	seq.s32 s7, s2  }
0x1e: {  	s7 =	smul.u32 @!p0 $0xF7A, s2;
	p2 =	seq.s32 @!p0 s5, $0x0  }
0x1f: {  	s9 =	smul.u32 $0xF7A, s1;
	s8 =	simm.s32 @!p0 $0x1BF5;
	p2 =	por !p2, p0  }
0x20: {  	[sflag:s8] =	ssyncset.s32 @!p0 $0xFFFFF086;
	s6 =	sadd.s32 @!p0 s3, s7;
	s7 =	simm.s32 @!p0 $0x108  }
0x21: {  	s3 =	sadd.s32 s3, s9;
	s6 =	sadd.s32 @!p0 $0x88, s6;
	s7 =	simm.s32 @p2 $0x1082  }
0x22: {  	[simem:s7], [sflag:s8] =	dma.local @!p0 [hbm:s6], $0xF7A  }
0x23: {  	s9 =	sor.u32 $0xD0000000, s2;
	s6 =	simm.s32 $0x108;
	_ =	swait.ge @!p0 [sflag:s8], $0x0  }
0x24: {  	s3 =	sadd.s32 $0x88, s3;
	s6 =	simm.s32 @!p1 $0x1082;
	[sflag:s4] =	ssyncset.s32 $0xFFFFF086  }
0x25: {  	[simem:s6], [sflag:s4] =	dma.local [hbm:s3], $0xF7A  }
0x26: {  	[smem:$0x3F9C] =	sst s1;
	(tag) =	ssettag s2;
	_ =	strace s9  }
0x27: {  	s1 =	sld [smem:$0x3FAC]  }
0x28: {  	s2 =	sld [smem:$0x3FAD]  }
0x29: {  	s4 =	sld [smem:$0x3FAF]  }
0x2a: {  	p0 =	seq.s32 s5, $0x0;
	s5 =	sld [smem:$0x3FB0]  }
0x2b: {  	s6 =	sld [smem:$0x3FB1]  }
0x2c: {  	s7 =	sld [smem:$0x3FB2]  }
0x2d: {  	s3 =	simm.s32 $0x108;
	s8 =	sld [smem:$0x3FB3]  }
0x2e: {  	s3 =	simm.s32 @!p0 $0x1082;
	s9 =	sld [smem:$0x3FB4]  }
0x2f: {  	lr =	sadd.s32 s0, s3;
	s0 =	sld [smem:$0x3FAB]  }
0x30: {  	s3 =	sld [smem:$0x3FAE]  }
0x31: {  	[smem:$0x3FB7] =	sst s10  }
0x32: {  	s10 =	sld [smem:$0x3FB5];
	_ =	sdelay $0x3  }
0x33: {  	p0 =	seq.s32 s10, $0x1;
	s10 =	sld [smem:$0x3FB7];
	_ =	sdelay $0x3  }
0x34: {  	[smem:$0x3FB7] =	sst s10  }
0x35: {  	s10 =	sld [smem:$0x3FB6];
	_ =	sdelay $0x3  }
0x36: {  	p1 =	seq.s32 s10, $0x1;
	s10 =	sld [smem:$0x3FB7];
	_ =	sdelay $0x3  }
0x37: {  	[smem:$0x3FB7] =	sst s10  }
0x38: {  	s10 =	sld [smem:$0x3FB8]  }
0x39: {  	_ = 	snop;
	(pc) =	sbr.ind lr, $3  }
0x3a: {  	_ = 	snop  }
0x3b: {  	_ = 	snop  }
0x3c: {  	p2 =	seq.s32 s10, $0x1;
	s10 =	sld [smem:$0x3FB7]  }
0x3d: {  	_ =	shalt  }
0x3e: {  	_ =	shalt  }
0x3f: {  	_ =	shalt  }
0x40: {  	_ =	shalt  }
0x41: {  	_ =	shalt  }
0x42: {  	_ =	shalt  }
0x43: {  	_ =	shalt  }
0x44: {  	_ =	shalt  }
0x45: {  	_ =	shalt  }
0x46: {  	_ =	shalt  }
0x47: {  	_ =	shalt  }
0x48: {  	_ =	shalt  }
0x49: {  	_ =	shalt  }
0x4a: {  	_ =	shalt  }
0x4b: {  	_ =	shalt  }
0x4c: {  	_ =	shalt  }
0x4d: {  	_ =	shalt  }
0x4e: {  	_ =	shalt  }
0x4f: {  	_ =	shalt  }
0x50: {  	_ =	shalt  }
0x51: {  	_ =	shalt  }
0x52: {  	_ =	shalt  }
0x53: {  	_ =	shalt  }
0x54: {  	_ =	shalt  }
0x55: {  	_ =	shalt  }
0x56: {  	_ =	shalt  }
0x57: {  	_ =	shalt  }
0x58: {  	_ =	shalt  }
0x59: {  	_ =	shalt  }
0x5a: {  	_ =	shalt  }
0x5b: {  	_ =	shalt  }
0x5c: {  	_ =	shalt  }
0x5d: {  	_ =	shalt  }
0x5e: {  	_ =	shalt  }
0x5f: {  	_ =	shalt  }
0x60: {  	_ =	shalt  }
0x61: {  	_ =	shalt  }
0x62: {  	_ =	shalt  }
0x63: {  	_ =	shalt  }
0x64: {  	_ =	shalt  }
0x65: {  	_ =	shalt  }
0x66: {  	_ =	shalt  }
0x67: {  	_ =	shalt  }
0x68: {  	_ =	shalt  }
0x69: {  	_ =	shalt  }
0x6a: {  	_ =	shalt  }
0x6b: {  	_ =	shalt  }
0x6c: {  	_ =	shalt  }
0x6d: {  	_ =	shalt  }
0x6e: {  	_ =	shalt  }
0x6f: {  	_ =	shalt  }
0x70: {  	_ =	shalt  }
0x71: {  	_ =	shalt  }
0x72: {  	_ =	shalt  }
0x73: {  	_ =	shalt  }
0x74: {  	_ =	shalt  }
0x75: {  	_ =	shalt  }
0x76: {  	_ =	shalt  }
0x77: {  	_ =	shalt  }
0x78: {  	_ =	shalt  }
0x79: {  	_ =	shalt  }
0x7a: {  	_ =	shalt  }
0x7b: {  	_ =	shalt  }
0x7c: {  	_ =	shalt  }
0x7d: {  	_ =	shalt  }
0x7e: {  	_ =	shalt  }
0x7f: {  	_ =	shalt  }
0x80: {  	_ =	shalt  }
0x81: {  	_ =	shalt  }
0x82: {  	_ =	shalt  }
0x83: {  	_ =	shalt  }
0x84: {  	_ =	shalt  }
0x85: {  	_ =	shalt  }
0x86: {  	_ =	shalt  }
0x87: {  	_ =	shalt  }
.Lfunc_end0:
.L_simem_size_0:
called_computation_lowered:
.L_overlay_start_0:
0x88: {  	s2 =	sld [smem:$0x3FD9]  }
0x89: {  	s3 =	sld [smem:$0x3FFE];
	_ =	sdelay $0x1  }
0x8a: {  	s1 =	srdreg.scid  }
0x8b: {  	s0 =	sand.u32 $0x1, s1  }
0x8c: {  	s14 =	sshll.u32 s0, $0xA;
	s2 =	sadd.s32 s3, s2  }
0x8d: {  	s2 =	sadd.s32 s2, s14  }
0x8e: {  	[smem:$0x3FC3] =	sst s2  }
0x8f: {  	_ = 	snop  }
0x90: {  	s2 =	sld [smem:$0x3FD0];
	_ =	sdelay $0x2  }
0x91: {  	s4 =	simm.s32 $0xA;
	s5 =	simm.s32 $0x10;
	s15 =	sld [smem:$0x3FC9]  }
0x92: {  	[smem:s5], [sflag:s4] =	dma.local [hbm:s2], $0x1  }
0x93: {  	_ =	swait.eq [sflag:s4], $0x1  }
0x94: {  	[sflag:s4] =	ssyncset.done $0x0  }
0x95: {  	[sflag:s4] =	ssyncadd.s32 $0xFFFFFFFF  }
0x96: {  	s16 =	sld [smem:$0x10];
	(tm) =	ssettm $0x1  }
0x97: {  	s17 =	sld [smem:$0x3FFB];
	_ =	sdelay $0x3  }
0x98: {  	_ =	strace s17  }
0x99: {  	s4 =	sld [smem:$0x3FFC];
	_ =	sdelay $0x3  }
0x9a: {  	_ =	strace s4  }
0x9b: {  	s4 =	sld [smem:$0x3FFD];
	_ =	sdelay $0x3  }
0x9c: {  	_ =	strace s4  }
0x9d: {  	_ =	strace $0x8FFFFFFF  }
0x9e: {  	s18 =	sld [smem:$0x3FDB];
	_ =	sdelay $0x1  }
0x9f: {  	s19 =	simm.s32 $_scs_section_size  }
0xa0: {  	s6 =	simm.s32 $_size__tile_overlayer_lowered;
	s7 =	simm.s32 $_tile_overlayer_lowered  }
0xa1: {  	s22 =	simm.s32 $0x1BFF;
	s21 =	sshll.u32 s7, $0x1;
	s4 =	sadd.s32 s19, s18  }
0xa2: {  	s8 =	simm.s32 $0x0;
	s20 =	sshll.u32 s6, $0x1;
	s6 =	sadd.s32 s21, s4  }
0xa3: {  	[timem:s8], [sflag:s22] =	dma.local [hbm:s6], s20  }
0xa4: {  	_ =	swait.ge [sflag:s22], s20  }
0xa5: {  	s5 =	ssub.s32 $0x0, s20;
	[sflag:s22] =	ssyncset.done $0x0  }
0xa6: {  	[sflag:s22] =	ssyncadd.s32 s5;
	_ =	sdelay $0x1  }
0xa7: {  	s23 =	simm.s32 $0x1B8B  }
0xa8: {  	_ =	swait.ge [sflag:s23], $0x1  }
0xa9: {  	[sflag:s23] =	ssyncset.done $0x0  }
0xaa: {  	s25 =	simm.s32 $0x1B8E;
	s24 =	sld [smem:$0x3FFE];
	[sflag:s23] =	ssyncadd.s32 $0xFFFFFFFF  }
0xab: {  	s26 =	simm.s32 $execute0_lowered;
	[smem:$0x3FD2] =	sst s25  }
0xac: {  	s6 =	sshll.u32 s26, $0x1;
	_ =	strace $0x80000046;
	[dreg:$0x1] =	wrdreg $0xFFFFFFFF  }
0xad: {  	s28 =	simm.s32 $_size_execute0_lowered;
	s4 =	sadd.s32 s4, s6;
	[dreg:$0x0] =	wrdreg $0x0  }
0xae: {  	s6 =	sshll.u32 s28, $0x1;
	[dreg:$0x2] =	wrdreg s4  }
0xaf: {  	[dreg:$0x3] =	wrdreg s6  }
0xb0: {  	[dreg:$0x4] =	wrdreg $0xC0  }
0xb1: {  	_ =	task [dreg:s8], $0x5FFFF  }
0xb2: {  	[dreg:$0x1] =	wrdreg $0xFFFFFFFF  }
0xb3: {  	[dreg:$0x0] =	wrdreg $0x60  }
0xb4: {  	[dreg:$0x2] =	wrdreg s15  }
0xb5: {  	[dreg:$0x3] =	wrdreg s24  }
0xb6: {  	[dreg:$0x4] =	wrdreg s16  }
0xb7: {  	[dreg:$0x5] =	wrdreg $0x9  }
0xb8: {  	_ =	task.clear_ibuf [dreg:s8], $0x6FFFF;
	_ =	strace $0x90000046  }
0xb9: {  	s29 =	simm.s32 $0x9;
	_ =	strace $0x80000048  }
0xba: {  	_ =	swait.ge [sflag:s29], $0x1  }
0xbb: {  	[sflag:s29] =	ssyncadd.s32 $0xFFFFFFFF  }
0xbc: {  	_ =	strace $0x90000048  }
0xbd: {  	_ =	sfence  }
0xbe: {  	s30 =	sld [smem:$0x0];
	_ =	sdelay $0x2  }
0xbf: {  	s31 =	sshll.u32 s1, $0xD;
	s1 =	sshrl.u32 s1, $0x2  }
0xc0: {  	s3 =	sand.u32 $0x4000, s31;
	s1 =	sadd.s32 s1, s30  }
0xc1: {  	s0 =	sor.u32 s3, s0;
	s1 =	sshll.u32 s1, $0x11  }
0xc2: {  	s0 =	sor.u32 s1, s0  }
0xc3: {  	s0 =	sadd.s32 $0x8F2B, s0  }
0xc4: {  	[sflag:s0] =	ssyncadd.remote.s32 $0x1  }
0xc5: {  	_ =	sfence.sel $0xFFFF  }
0xc6: {  	[dreg:$0x0] =	wrdreg $0xFFFFFFFF;
	(pc) =	sbr.abs _section_cstart, $3  }
0xc7: {  	[dreg:$0x1] =	wrdreg $0xFFFFFFFF  }
0xc8: {  	_ =	task.clear_ibuf [dreg:s8], $0x2FFFF;
	_ =	strace $0x9FFFFFFF  }
0xc9: {  	(tm) =	ssettm $0x7FFFFFFF  }
tec
execute0_lowered:
.L_overlay_start_1:
0x0: {  	(tag) =	ssettag $0x1  }
0x1: {  	s0 =	rddreg [dreg:$0x0]  }
0x2: {  	s1 =	rddreg [dreg:$0x1];
	s4 =	srdreg.scid  }
0x3: {  	s3 =	simm.s32 $0x0;
	s6 =	stileid.u32;
	s31 =	simm.s32 $0x2  }
0x4: {  	s2 =	simm.s32 $0x8000;
	s14 =	simm.s32 $0x10200;
	s15 =	simm.s32 $0x11200  }
0x5: {  	s16 =	simm.s32 $0x12200;
	s5 =	sand.u32 $0x1, s4;
	[smem:$0x7FF] =	sst s3  }
0x6: {  	s17 =	sshll.u32 s6, $0x7;
	s7 =	sadd.s32 $0x11E00, s1;
	s8 =	sadd.s32 $0x12000, s1  }
0x7: {  	s10 =	sadd.s32 $0x1E00, s1;
	s13 =	sadd.s32 $0x9E00, s1;
	s18 =	sshll.u32 s5, $0x6  }
0x8: {  	_ =	strace $0x80000047;
	s5 =	ssub.s32 $0x2, s5;
	s6 =	sor.u32 s18, s17  }
0x9: {  	s28 =	sshrl.u32 s5, $0x1;
	s17 =	simm.s32 $0x13200;
	s4 =	sshll.u32 s6, $0x7  }
0xa: {  	s9 =	sor.u32 $0x20, s6;
	s19 =	sshrl.u32 s6, $0x3;
	s6 =	sshll.u32 s6, $0x4  }
0xb: {  	s4 =	sadd.s32 s0, s4;
	s11 =	sshll.u32 s9, $0x7;
	s20 =	sadd.s32 s7, s19  }
0xc: {  	s12 =	sshrl.u32 s9, $0x3;
	s22 =	sadd.s32 s8, s19;
	[dreg:$0x4] =	wrdreg s4  }
0xd: {  	s24 =	sadd.s32 s10, s6;
	s25 =	sshll.u32 s9, $0x4;
	[dreg:$0x6] =	wrdreg s20  }
0xe: {  	s29 =	sadd.s32 s13, s6;
	s6 =	sadd.s32 $0x12400, s1;
	[dreg:$0x8] =	wrdreg s22  }
0xf: {  	s19 =	simm.s32 $0x1;
	s0 =	sadd.s32 s0, s11;
	[dreg:$0xa] =	wrdreg s24  }
0x10: {  	s21 =	sadd.s32 s7, s12;
	s4 =	sadd.s32 $0x12200, s1;
	[dreg:$0xc] =	wrdreg s29  }
0x11: {  	s23 =	sadd.s32 s8, s12;
	s26 =	sadd.s32 s10, s25;
	[dreg:$0x5] =	wrdreg s0  }
0x12: {  	s8 =	ssub.s32 s5, s28;
	s30 =	sadd.s32 s13, s25;
	[dreg:$0x7] =	wrdreg s21  }
0x13: {  	v2 =	vlaneseq.u32;
	s5 =	sadd.s32 $0x12300, s1;
	s7 =	sadd.s32 $0x12500, s1;
	[dreg:$0x9] =	wrdreg s23  }
0x14: {  	vm0 =	vmmov $0xffff;
	v1 =	vshrl.u32 v2, $0x3;
	s11 =	simm.s32 $0x3;
	s12 =	simm.s32 $0x20;
	[dreg:$0xb] =	wrdreg s26  }
0x15: {  	v0 =	vand.u32 $0x7, v2;
	v2 =	vor.u32 $0x8, v2;
	v1 =	vmul.u32 $0x8, v1;
	s13 =	simm.s32 $0x10180;
	[dreg:$0xd] =	wrdreg s30;
	s8 =	smax.u32 s8, $0x1  }
.LBB2_1:
0x16: {  	s0 =	rddreg [dreg:$0x4]  }
0x17: {  	[tilespmem:s3], [sflag:$0x1] =	stream.linear.gather [hbm4b:s0+s3], $0x8000, $0x38;
	[tilespmem:$0x14200] =	vst v63  }
0x18: {  	s1 =	rddreg [dreg:$0x5]  }
0x19: {  	[tilespmem:s2], [sflag:$0x1] =	stream.linear.gather [hbm4b:s1+s3], $0x8000, $0x38;
	[tilespmem:$0x14200] =	vst v63  }
0x1a: {  	s29 =	rddreg [dreg:$0x6];
	s30 =	simm.s32 $0x10000  }
0x1b: {  	[tilespmem:s30], [sflag:$0x3] =	stream.linear.gather [hbm4b:s29+s3], $0x20, $0x38;
	[tilespmem:$0x14200] =	vst v63  }
0x1c: {  	_ =	swait.ge [sflag:s11], $0x20  }
0x1d: {  	[sflag:s11] =	ssyncset.done $0x0  }
0x1e: {  	s10 =	simm.s32 $0x10080;
	s9 =	rddreg [dreg:$0x7];
	[sflag:s11] =	ssyncadd.s32 $0xFFFFFFE0  }
0x1f: {  	[tilespmem:s10], [sflag:$0x3] =	stream.linear.gather [hbm4b:s9+s3], $0x20, $0x38;
	[tilespmem:$0x14200] =	vst v63  }
0x20: {  	_ =	swait.ge [sflag:s11], $0x20  }
0x21: {  	[sflag:s11] =	ssyncset.done $0x0  }
0x22: {  	s20 =	simm.s32 $0x10100;
	s18 =	rddreg [dreg:$0x8];
	[sflag:s11] =	ssyncadd.s32 $0xFFFFFFE0  }
0x23: {  	[tilespmem:s20], [sflag:$0x3] =	stream.linear.gather [hbm4b:s18+s3], $0x20, $0x38;
	[tilespmem:$0x14200] =	vst v63  }
0x24: {  	_ =	swait.ge [sflag:s11], $0x20  }
0x25: {  	[sflag:s11] =	ssyncset.done $0x0  }
0x26: {  	s21 =	rddreg [dreg:$0x9];
	[sflag:s11] =	ssyncadd.s32 $0xFFFFFFE0  }
0x27: {  	[tilespmem:s13], [sflag:$0x3] =	stream.linear.gather [hbm4b:s21+s3], $0x20, $0x38;
	[tilespmem:$0x14200] =	vst v63  }
0x28: {  	_ =	swait.ge [sflag:s11], $0x20  }
0x29: {  	[sflag:s11] =	ssyncset.done $0x0  }
0x2a: {  	s22 =	rddreg [dreg:$0xa];
	[sflag:s11] =	ssyncadd.s32 $0xFFFFFFE0  }
0x2b: {  	[tilespmem:s14], [sflag:$0x3] =	stream.linear.gather [hbm4b:s22+s3], $0x1000, $0x38;
	[tilespmem:$0x14200] =	vst v63  }
0x2c: {  	_ =	swait.ge [sflag:s11], $0x1000  }
0x2d: {  	[sflag:s11] =	ssyncset.done $0x0  }
0x2e: {  	s23 =	rddreg [dreg:$0xb];
	[sflag:s11] =	ssyncadd.s32 $0xFFFFF000  }
0x2f: {  	[tilespmem:s15], [sflag:$0x3] =	stream.linear.gather [hbm4b:s23+s3], $0x1000, $0x38;
	[tilespmem:$0x14200] =	vst v63  }
0x30: {  	_ =	swait.ge [sflag:s11], $0x1000  }
0x31: {  	[sflag:s11] =	ssyncset.done $0x0  }
0x32: {  	s24 =	rddreg [dreg:$0xc];
	[sflag:s11] =	ssyncadd.s32 $0xFFFFF000  }
0x33: {  	[tilespmem:s16], [sflag:$0x3] =	stream.linear.gather [hbm4b:s24+s3], $0x1000, $0x38;
	[tilespmem:$0x14200] =	vst v63  }
0x34: {  	_ =	swait.ge [sflag:s11], $0x1000  }
0x35: {  	[sflag:s11] =	ssyncset.done $0x0  }
0x36: {  	s25 =	rddreg [dreg:$0xd];
	[sflag:s11] =	ssyncadd.s32 $0xFFFFF000  }
0x37: {  	[tilespmem:s17], [sflag:$0x3] =	stream.linear.gather [hbm4b:s25+s3], $0x1000, $0x38;
	[tilespmem:$0x14200] =	vst v63  }
0x38: {  	_ =	swait.ge [sflag:s11], $0x1000  }
0x39: {  	[sflag:s11] =	ssyncset.done $0x0  }
0x3a: {  	[sflag:s11] =	ssyncadd.s32 $0xFFFFF000  }
0x3b: {  	_ =	swait.ge [sflag:s19], $0x8000  }
0x3c: {  	[sflag:s19] =	ssyncset.done $0x0  }
0x3d: {  	[sflag:s19] =	ssyncadd.s32 $0xFFFF8000  }
0x3e: {  	v3 =	vld [tilespmem:$0x10000];
	_ =	sdelay $0x4  }
0x3f: {  	v4 =	vshll.u32 v3, $0x3  }
0x40: {  	v3 =	vand.u32 $0x7, v3;
	v4 =	vand.u32 $0xFFFFFFC0, v4  }
0x41: {  	v3 =	vor.u32 v3, v4  }
0x42: {  	v4 =	vperm.xlane v3, v0;
	_ =	sdelay $0x1  }
0x43: {  	v4 =	vadd.s32 v1, v4;
	_ =	sdelay $0x4  }
0x44: {  	[hbm4b:s4+s3] =	stream.indirect_vreg.scatter [tilespmem:s3], [sflag:$0x2], $0x80, v4, vm0, $0xb8;
	[tilespmem:$0x14200] =	vst v63  }
0x45: {  	s0 =	simm.s32 $0x800;
	v3 =	vperm.xlane v3, v2  }
0x46: {  	[hbm4b:s5+s3] =	stream.indirect_vreg.scatter [tilespmem:s0], [sflag:$0x2], $0x80, v4, vm0, $0xb8;
	[tilespmem:$0x14200] =	vst v63  }
0x47: {  	s18 =	simm.s32 $0x1000;
	v3 =	vadd.s32 v1, v3  }
0x48: {  	[hbm4b:s6+s3] =	stream.indirect_vreg.scatter [tilespmem:s18], [sflag:$0x2], $0x80, v4, vm0, $0xb8;
	[tilespmem:$0x14200] =	vst v63  }
0x49: {  	s20 =	simm.s32 $0x1800  }
0x4a: {  	[hbm4b:s7+s3] =	stream.indirect_vreg.scatter [tilespmem:s20], [sflag:$0x2], $0x80, v4, vm0, $0xb8;
	[tilespmem:$0x14200] =	vst v63  }
0x4b: {  	s21 =	simm.s32 $0x2000  }
0x4c: {  	[hbm4b:s4+s3] =	stream.indirect_vreg.scatter [tilespmem:s21], [sflag:$0x2], $0x80, v3, vm0, $0xb8;
	[tilespmem:$0x14200] =	vst v63  }
0x4d: {  	s22 =	simm.s32 $0x2800  }
0x4e: {  	[hbm4b:s5+s3] =	stream.indirect_vreg.scatter [tilespmem:s22], [sflag:$0x2], $0x80, v3, vm0, $0xb8;
	[tilespmem:$0x14200] =	vst v63  }
0x4f: {  	s23 =	simm.s32 $0x3000  }
0x50: {  	[hbm4b:s6+s3] =	stream.indirect_vreg.scatter [tilespmem:s23], [sflag:$0x2], $0x80, v3, vm0, $0xb8;
	[tilespmem:$0x14200] =	vst v63  }
0x51: {  	s24 =	simm.s32 $0x3800  }
0x52: {  	[hbm4b:s7+s3] =	stream.indirect_vreg.scatter [tilespmem:s24], [sflag:$0x2], $0x80, v3, vm0, $0xb8;
	[tilespmem:$0x14200] =	vst v63  }
0x53: {  	v3 =	vld [tilespmem:$0x10010];
	_ =	sdelay $0x4  }
0x54: {  	v57 =	vshll.u32 v3, $0x3  }
0x55: {  	v3 =	vand.u32 $0x7, v3;
	v4 =	vand.u32 $0xFFFFFFC0, v57  }
0x56: {  	v3 =	vor.u32 v3, v4  }
0x57: {  	v4 =	vperm.xlane v3, v0;
	_ =	sdelay $0x1  }
0x58: {  	v4 =	vadd.s32 v1, v4;
	_ =	sdelay $0x3  }
0x59: {  	s25 =	simm.s32 $0x4000  }
0x5a: {  	[hbm4b:s4+s3] =	stream.indirect_vreg.scatter [tilespmem:s25], [sflag:$0x2], $0x80, v4, vm0, $0xb8;
	[tilespmem:$0x14200] =	vst v63  }
0x5b: {  	s26 =	simm.s32 $0x4800;
	v3 =	vperm.xlane v3, v2  }
0x5c: {  	[hbm4b:s5+s3] =	stream.indirect_vreg.scatter [tilespmem:s26], [sflag:$0x2], $0x80, v4, vm0, $0xb8;
	[tilespmem:$0x14200] =	vst v63  }
0x5d: {  	s28 =	simm.s32 $0x5000;
	v3 =	vadd.s32 v1, v3  }
0x5e: {  	[hbm4b:s6+s3] =	stream.indirect_vreg.scatter [tilespmem:s28], [sflag:$0x2], $0x80, v4, vm0, $0xb8;
	[tilespmem:$0x14200] =	vst v63  }
0x5f: {  	s29 =	simm.s32 $0x5800  }
0x60: {  	[hbm4b:s7+s3] =	stream.indirect_vreg.scatter [tilespmem:s29], [sflag:$0x2], $0x80, v4, vm0, $0xb8;
	[tilespmem:$0x14200] =	vst v63  }
0x61: {  	s9 =	simm.s32 $0x6000  }
0x62: {  	[hbm4b:s4+s3] =	stream.indirect_vreg.scatter [tilespmem:s9], [sflag:$0x2], $0x80, v3, vm0, $0xb8;
	[tilespmem:$0x14200] =	vst v63  }
0x63: {  	s1 =	simm.s32 $0x6800  }
0x64: {  	[hbm4b:s5+s3] =	stream.indirect_vreg.scatter [tilespmem:s1], [sflag:$0x2], $0x80, v3, vm0, $0xb8;
	[tilespmem:$0x14200] =	vst v63  }
0x65: {  	s30 =	simm.s32 $0x7000  }
0x66: {  	[hbm4b:s6+s3] =	stream.indirect_vreg.scatter [tilespmem:s30], [sflag:$0x2], $0x80, v3, vm0, $0xb8;
	[tilespmem:$0x14200] =	vst v63  }
0x67: {  	s10 =	simm.s32 $0x7800  }
0x68: {  	[hbm4b:s7+s3] =	stream.indirect_vreg.scatter [tilespmem:s10], [sflag:$0x2], $0x80, v3, vm0, $0xb8;
	[tilespmem:$0x14200] =	vst v63  }
0x69: {  	v3 =	vld [tilespmem:$0x10100];
	_ =	sdelay $0x4  }
0x6a: {  	v58 =	vshll.u32 v3, $0x3  }
0x6b: {  	v3 =	vand.u32 $0x7, v3;
	v4 =	vand.u32 $0xFFFFFFC0, v58  }
0x6c: {  	v3 =	vor.u32 v3, v4  }
0x6d: {  	v4 =	vperm.xlane v3, v0;
	_ =	sdelay $0x1  }
0x6e: {  	v4 =	vadd.s32 v1, v4;
	_ =	sdelay $0x4  }
0x6f: {  	[hbm4b:s4+s3] =	stream.indirect_vreg.scatter [tilespmem:s3], [sflag:$0x2], $0x80, v4, vm0, $0xb8;
	[tilespmem:$0x14200] =	vst v63  }
0x70: {  	v3 =	vperm.xlane v3, v2  }
0x71: {  	[hbm4b:s5+s3] =	stream.indirect_vreg.scatter [tilespmem:s0], [sflag:$0x2], $0x80, v4, vm0, $0xb8;
	[tilespmem:$0x14200] =	vst v63  }
0x72: {  	v3 =	vadd.s32 v1, v3  }
0x73: {  	[hbm4b:s6+s3] =	stream.indirect_vreg.scatter [tilespmem:s18], [sflag:$0x2], $0x80, v4, vm0, $0xb8;
	[tilespmem:$0x14200] =	vst v63  }
0x74: {  	_ = 	snop  }
0x75: {  	[hbm4b:s7+s3] =	stream.indirect_vreg.scatter [tilespmem:s20], [sflag:$0x2], $0x80, v4, vm0, $0xb8;
	[tilespmem:$0x14200] =	vst v63  }
0x76: {  	_ = 	snop  }
0x77: {  	[hbm4b:s4+s3] =	stream.indirect_vreg.scatter [tilespmem:s21], [sflag:$0x2], $0x80, v3, vm0, $0xb8;
	[tilespmem:$0x14200] =	vst v63  }
0x78: {  	_ = 	snop  }
0x79: {  	[hbm4b:s5+s3] =	stream.indirect_vreg.scatter [tilespmem:s22], [sflag:$0x2], $0x80, v3, vm0, $0xb8;
	[tilespmem:$0x14200] =	vst v63  }
0x7a: {  	_ = 	snop  }
0x7b: {  	[hbm4b:s6+s3] =	stream.indirect_vreg.scatter [tilespmem:s23], [sflag:$0x2], $0x80, v3, vm0, $0xb8;
	[tilespmem:$0x14200] =	vst v63  }
0x7c: {  	_ = 	snop  }
0x7d: {  	[hbm4b:s7+s3] =	stream.indirect_vreg.scatter [tilespmem:s24], [sflag:$0x2], $0x80, v3, vm0, $0xb8;
	[tilespmem:$0x14200] =	vst v63  }
0x7e: {  	v3 =	vld [tilespmem:$0x10110];
	_ =	sdelay $0x4  }
0x7f: {  	v59 =	vshll.u32 v3, $0x3  }
0x80: {  	v3 =	vand.u32 $0x7, v3;
	v4 =	vand.u32 $0xFFFFFFC0, v59  }
0x81: {  	v3 =	vor.u32 v3, v4  }
0x82: {  	v4 =	vperm.xlane v3, v0;
	_ =	sdelay $0x1  }
0x83: {  	v4 =	vadd.s32 v1, v4;
	_ =	sdelay $0x4  }
0x84: {  	[hbm4b:s4+s3] =	stream.indirect_vreg.scatter [tilespmem:s25], [sflag:$0x2], $0x80, v4, vm0, $0xb8;
	[tilespmem:$0x14200] =	vst v63  }
0x85: {  	v3 =	vperm.xlane v3, v2  }
0x86: {  	[hbm4b:s5+s3] =	stream.indirect_vreg.scatter [tilespmem:s26], [sflag:$0x2], $0x80, v4, vm0, $0xb8;
	[tilespmem:$0x14200] =	vst v63  }
0x87: {  	v3 =	vadd.s32 v1, v3  }
0x88: {  	[hbm4b:s6+s3] =	stream.indirect_vreg.scatter [tilespmem:s28], [sflag:$0x2], $0x80, v4, vm0, $0xb8;
	[tilespmem:$0x14200] =	vst v63  }
0x89: {  	_ = 	snop  }
0x8a: {  	[hbm4b:s7+s3] =	stream.indirect_vreg.scatter [tilespmem:s29], [sflag:$0x2], $0x80, v4, vm0, $0xb8;
	[tilespmem:$0x14200] =	vst v63  }
0x8b: {  	_ = 	snop  }
0x8c: {  	[hbm4b:s4+s3] =	stream.indirect_vreg.scatter [tilespmem:s9], [sflag:$0x2], $0x80, v3, vm0, $0xb8;
	[tilespmem:$0x14200] =	vst v63  }
0x8d: {  	_ = 	snop  }
0x8e: {  	[hbm4b:s5+s3] =	stream.indirect_vreg.scatter [tilespmem:s1], [sflag:$0x2], $0x80, v3, vm0, $0xb8;
	[tilespmem:$0x14200] =	vst v63  }
0x8f: {  	_ = 	snop  }
0x90: {  	[hbm4b:s6+s3] =	stream.indirect_vreg.scatter [tilespmem:s30], [sflag:$0x2], $0x80, v3, vm0, $0xb8;
	[tilespmem:$0x14200] =	vst v63  }
0x91: {  	_ = 	snop  }
0x92: {  	[hbm4b:s7+s3] =	stream.indirect_vreg.scatter [tilespmem:s10], [sflag:$0x2], $0x80, v3, vm0, $0xb8;
	[tilespmem:$0x14200] =	vst v63  }
0x93: {  	_ =	swait.ge [sflag:s19], $0x8000  }
0x94: {  	[sflag:s19] =	ssyncset.done $0x0  }
0x95: {  	[sflag:s19] =	ssyncadd.s32 $0xFFFF8000  }
0x96: {  	v3 =	vld [tilespmem:$0x10080];
	_ =	sdelay $0x4  }
0x97: {  	v60 =	vshll.u32 v3, $0x3  }
0x98: {  	v3 =	vand.u32 $0x7, v3;
	v4 =	vand.u32 $0xFFFFFFC0, v60  }
0x99: {  	v3 =	vor.u32 v3, v4  }
0x9a: {  	v4 =	vperm.xlane v3, v0;
	_ =	sdelay $0x1  }
0x9b: {  	v4 =	vadd.s32 v1, v4;
	_ =	sdelay $0x4  }
0x9c: {  	[hbm4b:s4+s3] =	stream.indirect_vreg.scatter [tilespmem:s2], [sflag:$0x2], $0x80, v4, vm0, $0xb8;
	[tilespmem:$0x14200] =	vst v63  }
0x9d: {  	s0 =	simm.s32 $0x8800;
	v3 =	vperm.xlane v3, v2  }
0x9e: {  	[hbm4b:s5+s3] =	stream.indirect_vreg.scatter [tilespmem:s0], [sflag:$0x2], $0x80, v4, vm0, $0xb8;
	[tilespmem:$0x14200] =	vst v63  }
0x9f: {  	s1 =	simm.s32 $0x9000;
	v3 =	vadd.s32 v1, v3  }
0xa0: {  	[hbm4b:s6+s3] =	stream.indirect_vreg.scatter [tilespmem:s1], [sflag:$0x2], $0x80, v4, vm0, $0xb8;
	[tilespmem:$0x14200] =	vst v63  }
0xa1: {  	s9 =	simm.s32 $0x9800  }
0xa2: {  	[hbm4b:s7+s3] =	stream.indirect_vreg.scatter [tilespmem:s9], [sflag:$0x2], $0x80, v4, vm0, $0xb8;
	[tilespmem:$0x14200] =	vst v63  }
0xa3: {  	s10 =	simm.s32 $0xA000  }
0xa4: {  	[hbm4b:s4+s3] =	stream.indirect_vreg.scatter [tilespmem:s10], [sflag:$0x2], $0x80, v3, vm0, $0xb8;
	[tilespmem:$0x14200] =	vst v63  }
0xa5: {  	s18 =	simm.s32 $0xA800  }
0xa6: {  	[hbm4b:s5+s3] =	stream.indirect_vreg.scatter [tilespmem:s18], [sflag:$0x2], $0x80, v3, vm0, $0xb8;
	[tilespmem:$0x14200] =	vst v63  }
0xa7: {  	s20 =	simm.s32 $0xB000  }
0xa8: {  	[hbm4b:s6+s3] =	stream.indirect_vreg.scatter [tilespmem:s20], [sflag:$0x2], $0x80, v3, vm0, $0xb8;
	[tilespmem:$0x14200] =	vst v63  }
0xa9: {  	s21 =	simm.s32 $0xB800  }
0xaa: {  	[hbm4b:s7+s3] =	stream.indirect_vreg.scatter [tilespmem:s21], [sflag:$0x2], $0x80, v3, vm0, $0xb8;
	[tilespmem:$0x14200] =	vst v63  }
0xab: {  	v3 =	vld [tilespmem:$0x10090];
	_ =	sdelay $0x4  }
0xac: {  	v61 =	vshll.u32 v3, $0x3  }
0xad: {  	v3 =	vand.u32 $0x7, v3;
	v4 =	vand.u32 $0xFFFFFFC0, v61  }
0xae: {  	v3 =	vor.u32 v3, v4  }
0xaf: {  	v4 =	vperm.xlane v3, v0;
	_ =	sdelay $0x1  }
0xb0: {  	v4 =	vadd.s32 v1, v4;
	_ =	sdelay $0x3  }
0xb1: {  	s22 =	simm.s32 $0xC000  }
0xb2: {  	[hbm4b:s4+s3] =	stream.indirect_vreg.scatter [tilespmem:s22], [sflag:$0x2], $0x80, v4, vm0, $0xb8;
	[tilespmem:$0x14200] =	vst v63  }
0xb3: {  	s23 =	simm.s32 $0xC800;
	v3 =	vperm.xlane v3, v2  }
0xb4: {  	[hbm4b:s5+s3] =	stream.indirect_vreg.scatter [tilespmem:s23], [sflag:$0x2], $0x80, v4, vm0, $0xb8;
	[tilespmem:$0x14200] =	vst v63  }
0xb5: {  	s24 =	simm.s32 $0xD000;
	v3 =	vadd.s32 v1, v3  }
0xb6: {  	[hbm4b:s6+s3] =	stream.indirect_vreg.scatter [tilespmem:s24], [sflag:$0x2], $0x80, v4, vm0, $0xb8;
	[tilespmem:$0x14200] =	vst v63  }
0xb7: {  	s25 =	simm.s32 $0xD800  }
0xb8: {  	[hbm4b:s7+s3] =	stream.indirect_vreg.scatter [tilespmem:s25], [sflag:$0x2], $0x80, v4, vm0, $0xb8;
	[tilespmem:$0x14200] =	vst v63  }
0xb9: {  	s26 =	simm.s32 $0xE000  }
0xba: {  	[hbm4b:s4+s3] =	stream.indirect_vreg.scatter [tilespmem:s26], [sflag:$0x2], $0x80, v3, vm0, $0xb8;
	[tilespmem:$0x14200] =	vst v63  }
0xbb: {  	s28 =	simm.s32 $0xE800  }
0xbc: {  	[hbm4b:s5+s3] =	stream.indirect_vreg.scatter [tilespmem:s28], [sflag:$0x2], $0x80, v3, vm0, $0xb8;
	[tilespmem:$0x14200] =	vst v63  }
0xbd: {  	s29 =	simm.s32 $0xF000  }
0xbe: {  	[hbm4b:s6+s3] =	stream.indirect_vreg.scatter [tilespmem:s29], [sflag:$0x2], $0x80, v3, vm0, $0xb8;
	[tilespmem:$0x14200] =	vst v63  }
0xbf: {  	s30 =	simm.s32 $0xF800  }
0xc0: {  	[hbm4b:s7+s3] =	stream.indirect_vreg.scatter [tilespmem:s30], [sflag:$0x2], $0x80, v3, vm0, $0xb8;
	[tilespmem:$0x14200] =	vst v63  }
0xc1: {  	v3 =	vld [tilespmem:$0x10180];
	_ =	sdelay $0x4  }
0xc2: {  	v62 =	vshll.u32 v3, $0x3  }
0xc3: {  	v3 =	vand.u32 $0x7, v3;
	v4 =	vand.u32 $0xFFFFFFC0, v62  }
0xc4: {  	v3 =	vor.u32 v3, v4  }
0xc5: {  	v4 =	vperm.xlane v3, v0;
	_ =	sdelay $0x1  }
0xc6: {  	v4 =	vadd.s32 v1, v4;
	_ =	sdelay $0x4  }
0xc7: {  	[hbm4b:s4+s3] =	stream.indirect_vreg.scatter [tilespmem:s2], [sflag:$0x2], $0x80, v4, vm0, $0xb8;
	[tilespmem:$0x14200] =	vst v63  }
0xc8: {  	v3 =	vperm.xlane v3, v2  }
0xc9: {  	[hbm4b:s5+s3] =	stream.indirect_vreg.scatter [tilespmem:s0], [sflag:$0x2], $0x80, v4, vm0, $0xb8;
	[tilespmem:$0x14200] =	vst v63  }
0xca: {  	v3 =	vadd.s32 v1, v3  }
0xcb: {  	[hbm4b:s6+s3] =	stream.indirect_vreg.scatter [tilespmem:s1], [sflag:$0x2], $0x80, v4, vm0, $0xb8;
	[tilespmem:$0x14200] =	vst v63  }
0xcc: {  	_ = 	snop  }
0xcd: {  	[hbm4b:s7+s3] =	stream.indirect_vreg.scatter [tilespmem:s9], [sflag:$0x2], $0x80, v4, vm0, $0xb8;
	[tilespmem:$0x14200] =	vst v63  }
0xce: {  	_ = 	snop  }
0xcf: {  	[hbm4b:s4+s3] =	stream.indirect_vreg.scatter [tilespmem:s10], [sflag:$0x2], $0x80, v3, vm0, $0xb8;
	[tilespmem:$0x14200] =	vst v63  }
0xd0: {  	_ = 	snop  }
0xd1: {  	[hbm4b:s5+s3] =	stream.indirect_vreg.scatter [tilespmem:s18], [sflag:$0x2], $0x80, v3, vm0, $0xb8;
	[tilespmem:$0x14200] =	vst v63  }
0xd2: {  	_ = 	snop  }
0xd3: {  	[hbm4b:s6+s3] =	stream.indirect_vreg.scatter [tilespmem:s20], [sflag:$0x2], $0x80, v3, vm0, $0xb8;
	[tilespmem:$0x14200] =	vst v63  }
0xd4: {  	_ = 	snop  }
0xd5: {  	[hbm4b:s7+s3] =	stream.indirect_vreg.scatter [tilespmem:s21], [sflag:$0x2], $0x80, v3, vm0, $0xb8;
	[tilespmem:$0x14200] =	vst v63  }
0xd6: {  	v3 =	vld [tilespmem:$0x10190];
	_ =	sdelay $0x4  }
0xd7: {  	v63 =	vshll.u32 v3, $0x3  }
0xd8: {  	v3 =	vand.u32 $0x7, v3;
	v4 =	vand.u32 $0xFFFFFFC0, v63  }
0xd9: {  	v3 =	vor.u32 v3, v4  }
0xda: {  	v4 =	vperm.xlane v3, v0;
	_ =	sdelay $0x1  }
0xdb: {  	v4 =	vadd.s32 v1, v4;
	_ =	sdelay $0x4  }
0xdc: {  	[hbm4b:s4+s3] =	stream.indirect_vreg.scatter [tilespmem:s22], [sflag:$0x2], $0x80, v4, vm0, $0xb8;
	[tilespmem:$0x14200] =	vst v63  }
0xdd: {  	v3 =	vperm.xlane v3, v2  }
0xde: {  	[hbm4b:s5+s3] =	stream.indirect_vreg.scatter [tilespmem:s23], [sflag:$0x2], $0x80, v4, vm0, $0xb8;
	[tilespmem:$0x14200] =	vst v63  }
0xdf: {  	v3 =	vadd.s32 v1, v3  }
0xe0: {  	[hbm4b:s6+s3] =	stream.indirect_vreg.scatter [tilespmem:s24], [sflag:$0x2], $0x80, v4, vm0, $0xb8;
	[tilespmem:$0x14200] =	vst v63  }
0xe1: {  	_ = 	snop  }
0xe2: {  	[hbm4b:s7+s3] =	stream.indirect_vreg.scatter [tilespmem:s25], [sflag:$0x2], $0x80, v4, vm0, $0xb8;
	[tilespmem:$0x14200] =	vst v63  }
0xe3: {  	_ = 	snop  }
0xe4: {  	[hbm4b:s4+s3] =	stream.indirect_vreg.scatter [tilespmem:s26], [sflag:$0x2], $0x80, v3, vm0, $0xb8;
	[tilespmem:$0x14200] =	vst v63  }
0xe5: {  	_ = 	snop  }
0xe6: {  	[hbm4b:s5+s3] =	stream.indirect_vreg.scatter [tilespmem:s28], [sflag:$0x2], $0x80, v3, vm0, $0xb8;
	[tilespmem:$0x14200] =	vst v63  }
0xe7: {  	_ = 	snop  }
0xe8: {  	[hbm4b:s6+s3] =	stream.indirect_vreg.scatter [tilespmem:s29], [sflag:$0x2], $0x80, v3, vm0, $0xb8;
	[tilespmem:$0x14200] =	vst v63  }
0xe9: {  	_ = 	snop  }
0xea: {  	[hbm4b:s7+s3] =	stream.indirect_vreg.scatter [tilespmem:s30], [sflag:$0x2], $0x80, v3, vm0, $0xb8;
	[tilespmem:$0x14200] =	vst v63  }
0xeb: {  	s26 =	rddreg [dreg:$0x2];
	s28 =	simm.s32 $0x10000  }
0xec: {  	[hbm4b:s26+s12] =	stream.indirect.scatter [tilespmem:s14], [sflag:$0x2], $0x80, s28, s12, $0xb8;
	[tilespmem:$0x14200] =	vst v63  }
0xed: {  	s29 =	simm.s32 $0x10100  }
0xee: {  	[hbm4b:s26+s12] =	stream.indirect.scatter [tilespmem:s16], [sflag:$0x2], $0x80, s29, s12, $0xb8;
	[tilespmem:$0x14200] =	vst v63  }
0xef: {  	s30 =	simm.s32 $0x10080  }
0xf0: {  	[hbm4b:s26+s12] =	stream.indirect.scatter [tilespmem:s15], [sflag:$0x2], $0x80, s30, s12, $0xb8;
	[tilespmem:$0x14200] =	vst v63  }
0xf1: {  	_ = 	snop  }
0xf2: {  	[hbm4b:s26+s12] =	stream.indirect.scatter [tilespmem:s17], [sflag:$0x2], $0x80, s13, s12, $0xb8;
	[tilespmem:$0x14200] =	vst v63  }
0xf3: {  	_ =	swait.ge [sflag:s31], $0x8000  }
0xf4: {  	[sflag:s31] =	ssyncset.done $0x0  }
0xf5: {  	[sflag:s31] =	ssyncadd.s32 $0xFFFF8000  }
0xf6: {  	_ =	swait.ge [sflag:s31], $0x8000  }
0xf7: {  	[sflag:s31] =	ssyncset.done $0x0  }
0xf8: {  	[sflag:s31] =	ssyncadd.s32 $0xFFFF8000  }
0xf9: {  	_ =	swait.ge [sflag:s31], $0x8000  }
0xfa: {  	[sflag:s31] =	ssyncset.done $0x0  }
0xfb: {  	[sflag:s31] =	ssyncadd.s32 $0xFFFF8000  }
0xfc: {  	_ =	swait.ge [sflag:s31], $0x8000  }
0xfd: {  	[sflag:s31] =	ssyncset.done $0x0  }
0xfe: {  	[sflag:s31] =	ssyncadd.s32 $0xFFFF8000  }
0xff: {  	_ =	swait.ge [sflag:s31], $0x1000  }
0x100: {  	[sflag:s31] =	ssyncset.done $0x0  }
0x101: {  	[sflag:s31] =	ssyncadd.s32 $0xFFFFF000  }
0x102: {  	_ =	swait.ge [sflag:s31], $0x1000  }
0x103: {  	[sflag:s31] =	ssyncset.done $0x0  }
0x104: {  	[sflag:s31] =	ssyncadd.s32 $0xFFFFF000  }
0x105: {  	p0 =	sne.s32 s8, $0x1;
	_ =	swait.ge [sflag:s31], $0x1000  }
.Ltmp0:
0x106: {  	[sflag:s31] =	ssyncset.done $0x0;
	(pc) =	sbr.rel @p0 .LBB2_1-.Ltmp0, $4  }
0x107: {  	[sflag:s31] =	ssyncadd.s32 $0xFFFFF000  }
0x108: {  	_ =	swait.ge [sflag:s31], $0x1000  }
0x109: {  	[sflag:s31] =	ssyncset.done $0x0  }
0x10a: {  	s8 =	sadd.s32 $0xFFFFFFFF, s8;
	[sflag:s31] =	ssyncadd.s32 $0xFFFFF000  }
0x10b: {  	_ =	sfence.sel $0x180000  }
0x10c: {  	[bflag:$0x0] =	sbarrier.arrive $0xFFFF  }
0x10d: {  	_ =	strace $0x90000047  }
0x10e: {  	s0 =	stileid.u32;
	[bflag:$0x2] =	sbarrier.arrive $0xFFFF  }
0x10f: {  	p0 =	sne.s32 s0, $0x0;
	s0 =	rddreg [dreg:$0x3]  }
0x110: {  	s0 =	sadd.s32 @!p0 $0x100000, s0  }
0x111: {  	[sflag:s0] =	ssyncadd.tile.s32 @!p0 $0x1;
	_ =	shalt  }
.Lfunc_end2:
_tile_overlayer_lowered:
.L_overlay_start_2:
0x112: {  	(tag) =	ssettag $0x2  }
0x113: {  	s0 =	rddreg [dreg:$0x0];
	s2 =	stileid.u32  }
0x114: {  	s1 =	rddreg [dreg:$0x1];
	p0 =	sne.s32 s2, $0x0  }
0x115: {  	s3 =	rddreg [dreg:$0x2];
	[bflag:$0x3] =	sbarrier.arrive $0xFFFF;
	s2 =	simm.s32 @!p0 $0x1C03  }
0x116: {  	[timem:s3], [sflag:s2] =	dma.local @!p0 [hbm:s0], s1  }
0x117: {  	s0 =	simm.s32 @!p0 $0x3  }
0x118: {  	_ =	swait.ge @!p0 [sflag:s0], s1  }
0x119: {  	s1 =	ssub.s32 @!p0 $0x0, s1;
	[sflag:s0] =	ssyncset.done @!p0 $0x0  }
0x11a: {  	[sflag:s0] =	ssyncadd.s32 @!p0 s1  }
0x11b: {  	[bflag:$0x3] =	sbarrier.arrive $0xFFFF  }
0x11c: {  	_ =	shalt  }

// kernel: kernel.9.cloned.1.call-start
scs
__scs_entry_jumppad:
0x0: {  	(pc) =	sbr.rel $0x88, $3  }
0x1: {  	(tag) =	ssettag $0x0;
	lr =	simm.s32 $0x1  }
0x2: {  	[smem:$0x3F9C] =	sst lr;
	_ =	strace $0xD0000000  }
0x3: {  	_ = 	snop  }
0x4: {  	_ = 	snop  }
0x5: {  	_ = 	snop  }
0x6: {  	_ = 	snop  }
0x7: {  	_ = 	snop  }
__scs_overlays_trampoline_lowered:
0x8: {  	[smem:$0x3FAB] =	sst s0  }
0x9: {  	[smem:$0x3FAC] =	sst s1  }
0xa: {  	[smem:$0x3FAD] =	sst s2  }
0xb: {  	[smem:$0x3FAE] =	sst s3  }
0xc: {  	[smem:$0x3FAF] =	sst s4  }
0xd: {  	[smem:$0x3FB0] =	sst s5  }
0xe: {  	[smem:$0x3FB1] =	sst s6  }
0xf: {  	[smem:$0x3FB2] =	sst s7  }
0x10: {  	[smem:$0x3FB3] =	sst s8  }
0x11: {  	[smem:$0x3FB4] =	sst s9;
	s0 =	simm.s32 @!p0 $0x0  }
0x12: {  	s1 =	sld [smem:$0x3F9A];
	s0 =	simm.s32 @p0 $0x1  }
0x13: {  	[smem:$0x3FB5] =	sst s0;
	s0 =	simm.s32 @!p1 $0x0  }
0x14: {  	s2 =	sld [smem:$0x3F99];
	s0 =	simm.s32 @p1 $0x1  }
0x15: {  	[smem:$0x3FB6] =	sst s0;
	s0 =	simm.s32 @!p2 $0x0  }
0x16: {  	s3 =	sld [smem:$0x3FDB];
	s0 =	simm.s32 @p2 $0x1  }
0x17: {  	s4 =	simm.s32 $0x1BF5;
	[smem:$0x3FB8] =	sst s0  }
0x18: {  	s0 =	sld [smem:$0x3F9B];
	_ =	swait.ge [sflag:s4], $0x0  }
0x19: {  	s7 =	sld [smem:$0x3F9C]  }
0x1a: {  	s8 =	sadd.s32 $0xFFFFE003, lr  }
0x1b: {  	s9 =	sadd.s32 $0xFFFFFEF7, lr;
	s5 =	simm.s32 $0xFFFFFFFF;
	p2 =	slt.u32 s8, $0xFFFFF086  }
0x1c: {  	p1 =	slt.u32 s9, $0xF7A;
	s5 =	simm.s32 @!p2 $0x0  }
0x1d: {  	s5 =	simm.s32 @p1 $0x1;
	p0 =	seq.s32 s7, s2  }
0x1e: {  	s7 =	smul.u32 @!p0 $0xF7A, s2;
	p2 =	seq.s32 @!p0 s5, $0x0  }
0x1f: {  	s9 =	smul.u32 $0xF7A, s1;
	s8 =	simm.s32 @!p0 $0x1BF5;
	p2 =	por !p2, p0  }
0x20: {  	[sflag:s8] =	ssyncset.s32 @!p0 $0xFFFFF086;
	s6 =	sadd.s32 @!p0 s3, s7;
	s7 =	simm.s32 @!p0 $0x108  }
0x21: {  	s3 =	sadd.s32 s3, s9;
	s6 =	sadd.s32 @!p0 $0x88, s6;
	s7 =	simm.s32 @p2 $0x1082  }
0x22: {  	[simem:s7], [sflag:s8] =	dma.local @!p0 [hbm:s6], $0xF7A  }
0x23: {  	s9 =	sor.u32 $0xD0000000, s2;
	s6 =	simm.s32 $0x108;
	_ =	swait.ge @!p0 [sflag:s8], $0x0  }
0x24: {  	s3 =	sadd.s32 $0x88, s3;
	s6 =	simm.s32 @!p1 $0x1082;
	[sflag:s4] =	ssyncset.s32 $0xFFFFF086  }
0x25: {  	[simem:s6], [sflag:s4] =	dma.local [hbm:s3], $0xF7A  }
0x26: {  	[smem:$0x3F9C] =	sst s1;
	(tag) =	ssettag s2;
	_ =	strace s9  }
0x27: {  	s1 =	sld [smem:$0x3FAC]  }
0x28: {  	s2 =	sld [smem:$0x3FAD]  }
0x29: {  	s4 =	sld [smem:$0x3FAF]  }
0x2a: {  	p0 =	seq.s32 s5, $0x0;
	s5 =	sld [smem:$0x3FB0]  }
0x2b: {  	s6 =	sld [smem:$0x3FB1]  }
0x2c: {  	s7 =	sld [smem:$0x3FB2]  }
0x2d: {  	s3 =	simm.s32 $0x108;
	s8 =	sld [smem:$0x3FB3]  }
0x2e: {  	s3 =	simm.s32 @!p0 $0x1082;
	s9 =	sld [smem:$0x3FB4]  }
0x2f: {  	lr =	sadd.s32 s0, s3;
	s0 =	sld [smem:$0x3FAB]  }
0x30: {  	s3 =	sld [smem:$0x3FAE]  }
0x31: {  	[smem:$0x3FB7] =	sst s10  }
0x32: {  	s10 =	sld [smem:$0x3FB5];
	_ =	sdelay $0x3  }
0x33: {  	p0 =	seq.s32 s10, $0x1;
	s10 =	sld [smem:$0x3FB7];
	_ =	sdelay $0x3  }
0x34: {  	[smem:$0x3FB7] =	sst s10  }
0x35: {  	s10 =	sld [smem:$0x3FB6];
	_ =	sdelay $0x3  }
0x36: {  	p1 =	seq.s32 s10, $0x1;
	s10 =	sld [smem:$0x3FB7];
	_ =	sdelay $0x3  }
0x37: {  	[smem:$0x3FB7] =	sst s10  }
0x38: {  	s10 =	sld [smem:$0x3FB8]  }
0x39: {  	_ = 	snop;
	(pc) =	sbr.ind lr, $3  }
0x3a: {  	_ = 	snop  }
0x3b: {  	_ = 	snop  }
0x3c: {  	p2 =	seq.s32 s10, $0x1;
	s10 =	sld [smem:$0x3FB7]  }
0x3d: {  	_ =	shalt  }
0x3e: {  	_ =	shalt  }
0x3f: {  	_ =	shalt  }
0x40: {  	_ =	shalt  }
0x41: {  	_ =	shalt  }
0x42: {  	_ =	shalt  }
0x43: {  	_ =	shalt  }
0x44: {  	_ =	shalt  }
0x45: {  	_ =	shalt  }
0x46: {  	_ =	shalt  }
0x47: {  	_ =	shalt  }
0x48: {  	_ =	shalt  }
0x49: {  	_ =	shalt  }
0x4a: {  	_ =	shalt  }
0x4b: {  	_ =	shalt  }
0x4c: {  	_ =	shalt  }
0x4d: {  	_ =	shalt  }
0x4e: {  	_ =	shalt  }
0x4f: {  	_ =	shalt  }
0x50: {  	_ =	shalt  }
0x51: {  	_ =	shalt  }
0x52: {  	_ =	shalt  }
0x53: {  	_ =	shalt  }
0x54: {  	_ =	shalt  }
0x55: {  	_ =	shalt  }
0x56: {  	_ =	shalt  }
0x57: {  	_ =	shalt  }
0x58: {  	_ =	shalt  }
0x59: {  	_ =	shalt  }
0x5a: {  	_ =	shalt  }
0x5b: {  	_ =	shalt  }
0x5c: {  	_ =	shalt  }
0x5d: {  	_ =	shalt  }
0x5e: {  	_ =	shalt  }
0x5f: {  	_ =	shalt  }
0x60: {  	_ =	shalt  }
0x61: {  	_ =	shalt  }
0x62: {  	_ =	shalt  }
0x63: {  	_ =	shalt  }
0x64: {  	_ =	shalt  }
0x65: {  	_ =	shalt  }
0x66: {  	_ =	shalt  }
0x67: {  	_ =	shalt  }
0x68: {  	_ =	shalt  }
0x69: {  	_ =	shalt  }
0x6a: {  	_ =	shalt  }
0x6b: {  	_ =	shalt  }
0x6c: {  	_ =	shalt  }
0x6d: {  	_ =	shalt  }
0x6e: {  	_ =	shalt  }
0x6f: {  	_ =	shalt  }
0x70: {  	_ =	shalt  }
0x71: {  	_ =	shalt  }
0x72: {  	_ =	shalt  }
0x73: {  	_ =	shalt  }
0x74: {  	_ =	shalt  }
0x75: {  	_ =	shalt  }
0x76: {  	_ =	shalt  }
0x77: {  	_ =	shalt  }
0x78: {  	_ =	shalt  }
0x79: {  	_ =	shalt  }
0x7a: {  	_ =	shalt  }
0x7b: {  	_ =	shalt  }
0x7c: {  	_ =	shalt  }
0x7d: {  	_ =	shalt  }
0x7e: {  	_ =	shalt  }
0x7f: {  	_ =	shalt  }
0x80: {  	_ =	shalt  }
0x81: {  	_ =	shalt  }
0x82: {  	_ =	shalt  }
0x83: {  	_ =	shalt  }
0x84: {  	_ =	shalt  }
0x85: {  	_ =	shalt  }
0x86: {  	_ =	shalt  }
0x87: {  	_ =	shalt  }
.Lfunc_end0:
.L_simem_size_0:
called_computation.1_lowered:
.L_overlay_start_0:
0x88: {  	s2 =	sld [smem:$0x3FD9]  }
0x89: {  	s3 =	sld [smem:$0x3FFE];
	_ =	sdelay $0x1  }
0x8a: {  	s1 =	srdreg.scid  }
0x8b: {  	s0 =	sand.u32 $0x1, s1  }
0x8c: {  	s14 =	sshll.u32 s0, $0xA;
	s2 =	sadd.s32 s3, s2  }
0x8d: {  	s2 =	sadd.s32 s2, s14  }
0x8e: {  	[smem:$0x3FC3] =	sst s2  }
0x8f: {  	_ = 	snop  }
0x90: {  	s2 =	sld [smem:$0x3FD0];
	_ =	sdelay $0x2  }
0x91: {  	s15 =	simm.s32 $0xA;
	s4 =	simm.s32 $0x10  }
0x92: {  	[smem:s4], [sflag:s15] =	dma.local [hbm:s2], $0x1  }
0x93: {  	_ =	swait.eq [sflag:s15], $0x1  }
0x94: {  	[sflag:s15] =	ssyncset.done $0x0  }
0x95: {  	[sflag:s15] =	ssyncadd.s32 $0xFFFFFFFF  }
0x96: {  	s16 =	sld [smem:$0x10];
	(tm) =	ssettm $0x1  }
0x97: {  	s17 =	sld [smem:$0x3FFB];
	_ =	sdelay $0x3  }
0x98: {  	_ =	strace s17  }
0x99: {  	s3 =	sld [smem:$0x3FFC];
	_ =	sdelay $0x3  }
0x9a: {  	_ =	strace s3  }
0x9b: {  	s3 =	sld [smem:$0x3FFD];
	_ =	sdelay $0x3  }
0x9c: {  	_ =	strace s3  }
0x9d: {  	_ =	strace $0x8FFFFFFF  }
0x9e: {  	s18 =	sld [smem:$0x3FDB];
	_ =	sdelay $0x1  }
0x9f: {  	s19 =	simm.s32 $_scs_section_size  }
0xa0: {  	s5 =	simm.s32 $_size__tile_overlayer_lowered;
	s6 =	simm.s32 $_tile_overlayer_lowered  }
0xa1: {  	s22 =	simm.s32 $0x1BFF;
	s21 =	sshll.u32 s6, $0x1;
	s3 =	sadd.s32 s19, s18  }
0xa2: {  	s7 =	simm.s32 $0x0;
	s20 =	sshll.u32 s5, $0x1;
	s5 =	sadd.s32 s21, s3  }
0xa3: {  	[timem:s7], [sflag:s22] =	dma.local [hbm:s5], s20  }
0xa4: {  	_ =	swait.ge [sflag:s22], s20  }
0xa5: {  	s4 =	ssub.s32 $0x0, s20;
	[sflag:s22] =	ssyncset.done $0x0  }
0xa6: {  	[sflag:s22] =	ssyncadd.s32 s4;
	_ =	sdelay $0x1  }
0xa7: {  	s23 =	simm.s32 $0x1B8B  }
0xa8: {  	_ =	swait.ge [sflag:s23], $0x1  }
0xa9: {  	[sflag:s23] =	ssyncset.done $0x0  }
0xaa: {  	s25 =	simm.s32 $0x1B8E;
	s24 =	sld [smem:$0x3FFE];
	[sflag:s23] =	ssyncadd.s32 $0xFFFFFFFF  }
0xab: {  	s26 =	simm.s32 $execute0_lowered;
	[smem:$0x3FD2] =	sst s25  }
0xac: {  	s5 =	sshll.u32 s26, $0x1;
	_ =	strace $0x80000049;
	[dreg:$0x1] =	wrdreg $0xFFFFFFFF  }
0xad: {  	s28 =	simm.s32 $_size_execute0_lowered;
	s3 =	sadd.s32 s3, s5;
	[dreg:$0x0] =	wrdreg $0x0  }
0xae: {  	s5 =	sshll.u32 s28, $0x1;
	[dreg:$0x2] =	wrdreg s3  }
0xaf: {  	[dreg:$0x3] =	wrdreg s5  }
0xb0: {  	[dreg:$0x4] =	wrdreg $0xC0  }
0xb1: {  	_ =	task [dreg:s7], $0x5FFFF  }
0xb2: {  	[dreg:$0x1] =	wrdreg $0xFFFFFFFF  }
0xb3: {  	[dreg:$0x0] =	wrdreg $0x60  }
0xb4: {  	[dreg:$0x2] =	wrdreg s24  }
0xb5: {  	[dreg:$0x3] =	wrdreg s16  }
0xb6: {  	[dreg:$0x4] =	wrdreg $0x9  }
0xb7: {  	_ =	task.clear_ibuf [dreg:s7], $0x5FFFF;
	_ =	strace $0x90000049  }
0xb8: {  	s29 =	simm.s32 $0x9;
	_ =	strace $0x8000004B  }
0xb9: {  	_ =	swait.ge [sflag:s29], $0x1  }
0xba: {  	[sflag:s29] =	ssyncadd.s32 $0xFFFFFFFF  }
0xbb: {  	_ =	strace $0x9000004B  }
0xbc: {  	_ =	sfence  }
0xbd: {  	s30 =	sld [smem:$0x0];
	_ =	sdelay $0x2  }
0xbe: {  	s31 =	sshll.u32 s1, $0xD;
	s1 =	sshrl.u32 s1, $0x2  }
0xbf: {  	s3 =	sand.u32 $0x4000, s31;
	s1 =	sadd.s32 s1, s30  }
0xc0: {  	s0 =	sor.u32 s3, s0;
	s1 =	sshll.u32 s1, $0x11  }
0xc1: {  	s0 =	sor.u32 s1, s0  }
0xc2: {  	s0 =	sadd.s32 $0x8F2B, s0  }
0xc3: {  	[sflag:s0] =	ssyncadd.remote.s32 $0x1  }
0xc4: {  	_ =	sfence.sel $0xFFFF  }
0xc5: {  	[dreg:$0x0] =	wrdreg $0xFFFFFFFF;
	(pc) =	sbr.abs _section_cstart, $3  }
0xc6: {  	[dreg:$0x1] =	wrdreg $0xFFFFFFFF  }
0xc7: {  	_ =	task.clear_ibuf [dreg:s7], $0x2FFFF;
	_ =	strace $0x9FFFFFFF  }
0xc8: {  	(tm) =	ssettm $0x7FFFFFFF  }
0xc9: {  	_ =	shalt  }
tec
execute0_lowered:
.L_overlay_start_1:
0x0: {  	(tag) =	ssettag $0x1  }
0x1: {  	s0 =	rddreg [dreg:$0x0]  }
0x2: {  	s1 =	rddreg [dreg:$0x1]  }
0x3: {  	s2 =	srdreg.scid;
	s4 =	stileid.u32;
	s14 =	simm.s32 $0x3  }
0x4: {  	s17 =	simm.s32 $0x9900;
	s18 =	simm.s32 $0xA100;
	s19 =	simm.s32 $0xA900  }
0x5: {  	s20 =	simm.s32 $0xB900;
	s21 =	simm.s32 $0xC100;
	s22 =	simm.s32 $0xD100  }
0x6: {  	s28 =	simm.s32 $0x1;
	s11 =	simm.s32 $0x10100;
	s29 =	simm.s32 $0x14100  }
0x7: {  	s12 =	simm.s32 $0x2;
	s30 =	simm.s32 $0x0;
	s3 =	sand.u32 $0x1, s2  }
0x8: {  	s2 =	simm.s32 $0x0;
	s4 =	sshll.u32 s4, $0x7;
	s8 =	sadd.s32 $0xCA400, s0  }
0x9: {  	s9 =	sadd.s32 $0xCA500, s0;
	s5 =	sshll.u32 s3, $0x6;
	s6 =	ssub.s32 $0x2, s3  }
0xa: {  	[smem:$0x7FF] =	sst s2;
	s4 =	sor.u32 s5, s4;
	s7 =	sshrl.u32 s6, $0x1  }
0xb: {  	s3 =	sadd.s32 $0xCA200, s0;
	s5 =	sshrl.u32 s4, $0x3;
	s10 =	ssub.s32 s6, s7  }
0xc: {  	_ =	strace $0x8000004A;
	s5 =	sadd.s32 s5, s0;
	s31 =	smax.u32 s10, $0x1  }
0xd: {  	s4 =	sshll.u32 s4, $0x7;
	s23 =	sadd.s32 $0x11E00, s5;
	[dreg:$0x8] =	wrdreg s31  }
0xe: {  	s7 =	sadd.s32 s1, s4;
	s5 =	sadd.s32 $0x12000, s5;
	[dreg:$0x3] =	wrdreg s23  }
0xf: {  	s6 =	sadd.s32 $0xCA300, s0;
	s24 =	sadd.s32 $0x800, s7;
	[dreg:$0x4] =	wrdreg s5  }
0x10: {  	s4 =	simm.s32 $0xB100;
	s25 =	sadd.s32 $0x1000, s7;
	[dreg:$0x5] =	wrdreg s24  }
0x11: {  	v2 =	vlaneseq.u32;
	s10 =	simm.s32 $0xF900;
	s26 =	sadd.s32 $0x1800, s7;
	[dreg:$0x6] =	wrdreg s25  }
0x12: {  	vm0 =	vmmov $0xffff;
	v1 =	vshrl.u32 v2, $0x3;
	[dreg:$0x7] =	wrdreg s26;
	s5 =	simm.s32 $0xC900;
	s23 =	simm.s32 $0xD900  }
0x13: {  	v0 =	vand.u32 $0x7, v2;
	v2 =	vor.u32 $0x8, v2;
	v1 =	vmul.u32 $0x8, v1;
	s24 =	simm.s32 $0xE100;
	s25 =	simm.s32 $0xE900;
	s26 =	simm.s32 $0xF100  }
.LBB2_1:
0x14: {  	s0 =	rddreg [dreg:$0x3]  }
0x15: {  	[tilespmem:s2], [sflag:$0x3] =	stream.linear.gather [hbm4b:s0+s2], $0x40, $0x38;
	[tilespmem:$0x18100] =	vst v63  }
0x16: {  	_ =	swait.ge [sflag:s14], $0x40  }
0x17: {  	[sflag:s14] =	ssyncset.done $0x0  }
0x18: {  	s1 =	simm.s32 $0x80;
	s13 =	rddreg [dreg:$0x4];
	[sflag:s14] =	ssyncadd.s32 $0xFFFFFFC0  }
0x19: {  	[tilespmem:s1], [sflag:$0x3] =	stream.linear.gather [hbm4b:s13+s2], $0x40, $0x38;
	[tilespmem:$0x18100] =	vst v63  }
0x1a: {  	_ =	swait.ge [sflag:s14], $0x40  }
0x1b: {  	[sflag:s14] =	ssyncset.done $0x0  }
0x1c: {  	[sflag:s14] =	ssyncadd.s32 $0xFFFFFFC0  }
0x1d: {  	v3 =	vld [tilespmem:$0x0];
	_ =	sdelay $0x4  }
0x1e: {  	v4 =	vshll.u32 v3, $0x3  }
0x1f: {  	v3 =	vand.u32 $0x7, v3;
	v4 =	vand.u32 $0xFFFFFFC0, v4  }
0x20: {  	v3 =	vor.u32 v3, v4  }
0x21: {  	v4 =	vperm.xlane v3, v0;
	_ =	sdelay $0x1  }
0x22: {  	v4 =	vadd.s32 v1, v4;
	_ =	sdelay $0x3  }
0x23: {  	s15 =	simm.s32 $0x100  }
0x24: {  	[tilespmem:s15], [sflag:$0x1] =	stream.indirect_vreg.gather [hbm4b:s3+s2], $0x80, v4, vm0, $0xb8;
	[tilespmem:$0x18100] =	vst v63  }
0x25: {  	s16 =	simm.s32 $0x900;
	v3 =	vperm.xlane v3, v2  }
0x26: {  	[tilespmem:s16], [sflag:$0x1] =	stream.indirect_vreg.gather [hbm4b:s6+s2], $0x80, v4, vm0, $0xb8;
	[tilespmem:$0x18100] =	vst v63  }
0x27: {  	s1 =	simm.s32 $0x1100;
	v3 =	vadd.s32 v1, v3  }
0x28: {  	[tilespmem:s1], [sflag:$0x1] =	stream.indirect_vreg.gather [hbm4b:s8+s2], $0x80, v4, vm0, $0xb8;
	[tilespmem:$0x18100] =	vst v63  }
0x29: {  	s13 =	simm.s32 $0x1900  }
0x2a: {  	[tilespmem:s13], [sflag:$0x1] =	stream.indirect_vreg.gather [hbm4b:s9+s2], $0x80, v4, vm0, $0xb8;
	[tilespmem:$0x18100] =	vst v63  }
0x2b: {  	s15 =	simm.s32 $0x2100  }
0x2c: {  	[tilespmem:s15], [sflag:$0x1] =	stream.indirect_vreg.gather [hbm4b:s3+s2], $0x80, v3, vm0, $0xb8;
	[tilespmem:$0x18100] =	vst v63  }
0x2d: {  	s16 =	simm.s32 $0x2900  }
0x2e: {  	[tilespmem:s16], [sflag:$0x1] =	stream.indirect_vreg.gather [hbm4b:s6+s2], $0x80, v3, vm0, $0xb8;
	[tilespmem:$0x18100] =	vst v63  }
0x2f: {  	s1 =	simm.s32 $0x3100  }
0x30: {  	[tilespmem:s1], [sflag:$0x1] =	stream.indirect_vreg.gather [hbm4b:s8+s2], $0x80, v3, vm0, $0xb8;
	[tilespmem:$0x18100] =	vst v63  }
0x31: {  	s13 =	simm.s32 $0x3900  }
0x32: {  	[tilespmem:s13], [sflag:$0x1] =	stream.indirect_vreg.gather [hbm4b:s9+s2], $0x80, v3, vm0, $0xb8;
	[tilespmem:$0x18100] =	vst v63  }
0x33: {  	v3 =	vld [tilespmem:$0x80];
	_ =	sdelay $0x4  }
0x34: {  	v4 =	vshll.u32 v3, $0x3  }
0x35: {  	v3 =	vand.u32 $0x7, v3;
	v4 =	vand.u32 $0xFFFFFFC0, v4  }
0x36: {  	v3 =	vor.u32 v3, v4  }
0x37: {  	v4 =	vperm.xlane v3, v0;
	_ =	sdelay $0x1  }
0x38: {  	v4 =	vadd.s32 v1, v4;
	_ =	sdelay $0x3  }
0x39: {  	s15 =	simm.s32 $0x4100  }
0x3a: {  	[tilespmem:s15], [sflag:$0x1] =	stream.indirect_vreg.gather [hbm4b:s3+s2], $0x80, v4, vm0, $0xb8;
	[tilespmem:$0x18100] =	vst v63  }
0x3b: {  	s16 =	simm.s32 $0x4900;
	v3 =	vperm.xlane v3, v2  }
0x3c: {  	[tilespmem:s16], [sflag:$0x1] =	stream.indirect_vreg.gather [hbm4b:s6+s2], $0x80, v4, vm0, $0xb8;
	[tilespmem:$0x18100] =	vst v63  }
0x3d: {  	s1 =	simm.s32 $0x5100;
	v3 =	vadd.s32 v1, v3  }
0x3e: {  	[tilespmem:s1], [sflag:$0x1] =	stream.indirect_vreg.gather [hbm4b:s8+s2], $0x80, v4, vm0, $0xb8;
	[tilespmem:$0x18100] =	vst v63  }
0x3f: {  	s13 =	simm.s32 $0x5900  }
0x40: {  	[tilespmem:s13], [sflag:$0x1] =	stream.indirect_vreg.gather [hbm4b:s9+s2], $0x80, v4, vm0, $0xb8;
	[tilespmem:$0x18100] =	vst v63  }
0x41: {  	s15 =	simm.s32 $0x6100  }
0x42: {  	[tilespmem:s15], [sflag:$0x1] =	stream.indirect_vreg.gather [hbm4b:s3+s2], $0x80, v3, vm0, $0xb8;
	[tilespmem:$0x18100] =	vst v63  }
0x43: {  	s16 =	simm.s32 $0x6900  }
0x44: {  	[tilespmem:s16], [sflag:$0x1] =	stream.indirect_vreg.gather [hbm4b:s6+s2], $0x80, v3, vm0, $0xb8;
	[tilespmem:$0x18100] =	vst v63  }
0x45: {  	s1 =	simm.s32 $0x7100  }
0x46: {  	[tilespmem:s1], [sflag:$0x1] =	stream.indirect_vreg.gather [hbm4b:s8+s2], $0x80, v3, vm0, $0xb8;
	[tilespmem:$0x18100] =	vst v63  }
0x47: {  	s13 =	simm.s32 $0x7900  }
0x48: {  	[tilespmem:s13], [sflag:$0x1] =	stream.indirect_vreg.gather [hbm4b:s9+s2], $0x80, v3, vm0, $0xb8;
	[tilespmem:$0x18100] =	vst v63  }
0x49: {  	v3 =	vld [tilespmem:$0x10];
	_ =	sdelay $0x4  }
0x4a: {  	v4 =	vshll.u32 v3, $0x3  }
0x4b: {  	v3 =	vand.u32 $0x7, v3;
	v4 =	vand.u32 $0xFFFFFFC0, v4  }
0x4c: {  	v3 =	vor.u32 v3, v4  }
0x4d: {  	v4 =	vperm.xlane v3, v0;
	_ =	sdelay $0x1  }
0x4e: {  	v4 =	vadd.s32 v1, v4;
	_ =	sdelay $0x3  }
0x4f: {  	s15 =	simm.s32 $0x8100  }
0x50: {  	[tilespmem:s15], [sflag:$0x1] =	stream.indirect_vreg.gather [hbm4b:s3+s2], $0x80, v4, vm0, $0xb8;
	[tilespmem:$0x18100] =	vst v63  }
0x51: {  	s16 =	simm.s32 $0x8900;
	v3 =	vperm.xlane v3, v2  }
0x52: {  	[tilespmem:s16], [sflag:$0x1] =	stream.indirect_vreg.gather [hbm4b:s6+s2], $0x80, v4, vm0, $0xb8;
	[tilespmem:$0x18100] =	vst v63  }
0x53: {  	s1 =	simm.s32 $0x9100;
	v3 =	vadd.s32 v1, v3  }
0x54: {  	[tilespmem:s1], [sflag:$0x1] =	stream.indirect_vreg.gather [hbm4b:s8+s2], $0x80, v4, vm0, $0xb8;
	[tilespmem:$0x18100] =	vst v63  }
0x55: {  	_ = 	snop  }
0x56: {  	[tilespmem:s17], [sflag:$0x1] =	stream.indirect_vreg.gather [hbm4b:s9+s2], $0x80, v4, vm0, $0xb8;
	[tilespmem:$0x18100] =	vst v63  }
0x57: {  	_ = 	snop  }
0x58: {  	[tilespmem:s18], [sflag:$0x1] =	stream.indirect_vreg.gather [hbm4b:s3+s2], $0x80, v3, vm0, $0xb8;
	[tilespmem:$0x18100] =	vst v63  }
0x59: {  	_ = 	snop  }
0x5a: {  	[tilespmem:s19], [sflag:$0x1] =	stream.indirect_vreg.gather [hbm4b:s6+s2], $0x80, v3, vm0, $0xb8;
	[tilespmem:$0x18100] =	vst v63  }
0x5b: {  	_ = 	snop  }
0x5c: {  	[tilespmem:s4], [sflag:$0x1] =	stream.indirect_vreg.gather [hbm4b:s8+s2], $0x80, v3, vm0, $0xb8;
	[tilespmem:$0x18100] =	vst v63  }
0x5d: {  	_ = 	snop  }
0x5e: {  	[tilespmem:s20], [sflag:$0x1] =	stream.indirect_vreg.gather [hbm4b:s9+s2], $0x80, v3, vm0, $0xb8;
	[tilespmem:$0x18100] =	vst v63  }
0x5f: {  	v3 =	vld [tilespmem:$0x90];
	_ =	sdelay $0x4  }
0x60: {  	v4 =	vshll.u32 v3, $0x3  }
0x61: {  	v3 =	vand.u32 $0x7, v3;
	v4 =	vand.u32 $0xFFFFFFC0, v4  }
0x62: {  	v3 =	vor.u32 v3, v4  }
0x63: {  	v4 =	vperm.xlane v3, v0;
	_ =	sdelay $0x1  }
0x64: {  	v4 =	vadd.s32 v1, v4;
	_ =	sdelay $0x4  }
0x65: {  	[tilespmem:s21], [sflag:$0x1] =	stream.indirect_vreg.gather [hbm4b:s3+s2], $0x80, v4, vm0, $0xb8;
	[tilespmem:$0x18100] =	vst v63  }
0x66: {  	v3 =	vperm.xlane v3, v2  }
0x67: {  	[tilespmem:s5], [sflag:$0x1] =	stream.indirect_vreg.gather [hbm4b:s6+s2], $0x80, v4, vm0, $0xb8;
	[tilespmem:$0x18100] =	vst v63  }
0x68: {  	v3 =	vadd.s32 v1, v3  }
0x69: {  	[tilespmem:s22], [sflag:$0x1] =	stream.indirect_vreg.gather [hbm4b:s8+s2], $0x80, v4, vm0, $0xb8;
	[tilespmem:$0x18100] =	vst v63  }
0x6a: {  	_ = 	snop  }
0x6b: {  	[tilespmem:s23], [sflag:$0x1] =	stream.indirect_vreg.gather [hbm4b:s9+s2], $0x80, v4, vm0, $0xb8;
	[tilespmem:$0x18100] =	vst v63  }
0x6c: {  	_ = 	snop  }
0x6d: {  	[tilespmem:s24], [sflag:$0x1] =	stream.indirect_vreg.gather [hbm4b:s3+s2], $0x80, v3, vm0, $0xb8;
	[tilespmem:$0x18100] =	vst v63  }
0x6e: {  	_ = 	snop  }
0x6f: {  	[tilespmem:s25], [sflag:$0x1] =	stream.indirect_vreg.gather [hbm4b:s6+s2], $0x80, v3, vm0, $0xb8;
	[tilespmem:$0x18100] =	vst v63  }
0x70: {  	_ = 	snop  }
0x71: {  	[tilespmem:s26], [sflag:$0x1] =	stream.indirect_vreg.gather [hbm4b:s8+s2], $0x80, v3, vm0, $0xb8;
	[tilespmem:$0x18100] =	vst v63  }
0x72: {  	_ = 	snop  }
0x73: {  	[tilespmem:s10], [sflag:$0x1] =	stream.indirect_vreg.gather [hbm4b:s9+s2], $0x80, v3, vm0, $0xb8;
	[tilespmem:$0x18100] =	vst v63  }
0x74: {  	_ =	swait.ge [sflag:s28], $0x4000  }
0x75: {  	[sflag:s28] =	ssyncset.done $0x0  }
0x76: {  	[sflag:s28] =	ssyncadd.s32 $0xFFFFC000  }
0x77: {  	_ =	swait.ge [sflag:s28], $0x4000  }
0x78: {  	s13 =	sand.u32 $0x70, s2;
	s15 =	sand.u32 $0x1C00, s2;
	[sflag:s28] =	ssyncset.done $0x0  }
0x79: {  	s13 =	sor.u32 s13, s15;
	[sflag:s28] =	ssyncadd.s32 $0xFFFFC000  }
0x7a: {  	v3 =	vld [tilespmem:s13+$0x4400]  }
0x7b: {  	v4 =	vld [tilespmem:s13+$0x4280]  }
0x7c: {  	v5 =	vld [tilespmem:s13+$0x4300]  }
0x7d: {  	v6 =	vld [tilespmem:s13+$0x400]  }
0x7e: {  	v7 =	vld [tilespmem:s13+$0x4380]  }
0x7f: {  	v8 =	vld [tilespmem:s13+$0x280]  }
0x80: {  	v9 =	vld [tilespmem:s13+$0x380]  }
0x81: {  	v10 =	vld [tilespmem:s13+$0x200]  }
0x82: {  	v11 =	vld [tilespmem:s13+$0x4200]  }
0x83: {  	v13 =	vld [tilespmem:s13+$0x4100]  }
0x84: {  	v62 =	vld [tilespmem:s13+$0x100]  }
0x85: {  	v12 =	vld [tilespmem:s13+$0x4180]  }
0x86: {  	v14 =	vld [tilespmem:s13+$0x180];
	v3 =	vadd.f32 v3, v6  }
0x87: {  	v63 =	vld [tilespmem:s13+$0x300];
	v4 =	vadd.f32 v4, v8  }
0x88: {  	v7 =	vadd.f32 v7, v9;
	[tilespmem:s13+$0x10400] =	vst v3  }
0x89: {  	v6 =	vadd.f32 v13, v62;
	[tilespmem:s13+$0x10280] =	vst v4  }
0x8a: {  	v3 =	vadd.f32 v11, v10;
	[tilespmem:s13+$0x10380] =	vst v7  }
0x8b: {  	v4 =	vadd.f32 v12, v14;
	[tilespmem:s13+$0x10100] =	vst v6  }
0x8c: {  	[tilespmem:s13+$0x10200] =	vst v3;
	v3 =	vadd.f32 v5, v63  }
0x8d: {  	s15 =	sor.u32 s2, s2;
	[tilespmem:s13+$0x10180] =	vst v4  }
0x8e: {  	s16 =	sor.u32 $0x380, s15;
	[tilespmem:s13+$0x10300] =	vst v3  }
0x8f: {  	v3 =	vld [tilespmem:s16+$0x100]  }
0x90: {  	v4 =	vld [tilespmem:s16+$0x4100];
	_ =	sdelay $0x4  }
0x91: {  	v3 =	vadd.f32 v4, v3;
	_ =	sdelay $0x1  }
0x92: {  	[tilespmem:s16+$0x10100] =	vst v3  }
0x93: {  	s31 =	simm.s32 $0x10;
	s0 =	simm.s32 $0x0;
	v3 =	vld [tilespmem:s13+$0x6400]  }
.LBB2_2:
0x94: {  	p0 =	sne.s32 s31, $0x3F0  }
0x95: {  	v4 =	vld [tilespmem:s13+$0x2400];
	s0 =	sadd.s32 $0x80, s0;
	s1 =	smov.u32 s31;
	s31 =	sadd.s32 $0x10, s31  }
0x96: {  	v5 =	vld [tilespmem:s13+$0x2380]  }
0x97: {  	v6 =	vld [tilespmem:s13+$0x6380]  }
0x98: {  	v7 =	vld [tilespmem:s13+$0x2300]  }
0x99: {  	v8 =	vld [tilespmem:s13+$0x2280]  }
0x9a: {  	v9 =	vld [tilespmem:s13+$0x6300];
	v3 =	vadd.f32 v3, v4  }
0x9b: {  	v4 =	vld [tilespmem:s13+$0x6200]  }
0x9c: {  	v10 =	vld [tilespmem:s13+$0x6280];
	[tilespmem:s13+$0x12400] =	vst v3  }
0x9d: {  	v3 =	vld [tilespmem:s13+$0x2180]  }
0x9e: {  	v11 =	vld [tilespmem:s13+$0x6100]  }
0x9f: {  	v12 =	vld [tilespmem:s13+$0x2200];
	v7 =	vadd.f32 v9, v7  }
0xa0: {  	v9 =	vld [tilespmem:s13+$0x6180]  }
0xa1: {  	v5 =	vadd.f32 v6, v5;
	v13 =	vld [tilespmem:s13+$0x2100];
	v8 =	vadd.f32 v10, v8;
	[tilespmem:s13+$0x12300] =	vst v7;
	_ =	sdelay $0x1  }
0xa2: {  	[tilespmem:s13+$0x12380] =	vst v5  }
0xa3: {  	v4 =	vadd.f32 v4, v12;
	[tilespmem:s13+$0x12280] =	vst v8  }
0xa4: {  	v3 =	vadd.f32 v9, v3  }
0xa5: {  	v5 =	vadd.f32 v11, v13;
	[tilespmem:s13+$0x12200] =	vst v4  }
0xa6: {  	[tilespmem:s13+$0x12180] =	vst v3  }
0xa7: {  	s15 =	sor.u32 $0x2380, s15;
	[tilespmem:s13+$0x12100] =	vst v5  }
0xa8: {  	v3 =	vld [tilespmem:s15+$0x100]  }
0xa9: {  	v4 =	vld [tilespmem:s15+$0x4100];
	_ =	sdelay $0x4  }
0xaa: {  	v3 =	vadd.f32 v4, v3  }
0xab: {  	s16 =	sand.u32 $0x1C00, s0;
	s13 =	sand.u32 $0x70, s1  }
0xac: {  	s13 =	sor.u32 s13, s16;
	[tilespmem:s15+$0x10100] =	vst v3  }
0xad: {  	v3 =	vld [tilespmem:s13+$0x4400]  }
0xae: {  	v4 =	vld [tilespmem:s13+$0x4280]  }
0xaf: {  	v5 =	vld [tilespmem:s13+$0x4300]  }
0xb0: {  	v6 =	vld [tilespmem:s13+$0x400]  }
0xb1: {  	v7 =	vld [tilespmem:s13+$0x4380]  }
0xb2: {  	v8 =	vld [tilespmem:s13+$0x280]  }
0xb3: {  	v9 =	vld [tilespmem:s13+$0x380]  }
0xb4: {  	v10 =	vld [tilespmem:s13+$0x200]  }
0xb5: {  	v11 =	vld [tilespmem:s13+$0x4200];
	v3 =	vadd.f32 v3, v6  }
0xb6: {  	v6 =	vld [tilespmem:s13+$0x4180]  }
0xb7: {  	v12 =	vld [tilespmem:s13+$0x4100];
	v4 =	vadd.f32 v4, v8  }
0xb8: {  	v8 =	vld [tilespmem:s13+$0x180];
	v7 =	vadd.f32 v7, v9  }
0xb9: {  	v9 =	vld [tilespmem:s13+$0x100]  }
0xba: {  	v10 =	vadd.f32 v11, v10;
	v11 =	vld [tilespmem:s13+$0x300]  }
0xbb: {  	[tilespmem:s13+$0x10400] =	vst v3  }
0xbc: {  	[tilespmem:s13+$0x10280] =	vst v4  }
0xbd: {  	v3 =	vadd.f32 v6, v8;
	[tilespmem:s13+$0x10380] =	vst v7  }
0xbe: {  	v4 =	vadd.f32 v12, v9;
	[tilespmem:s13+$0x10200] =	vst v10  }
0xbf: {  	[tilespmem:s13+$0x10180] =	vst v3;
	v3 =	vadd.f32 v5, v11  }
0xc0: {  	s15 =	sor.u32 s1, s0;
	[tilespmem:s13+$0x10100] =	vst v4  }
0xc1: {  	s1 =	sor.u32 $0x380, s15;
	[tilespmem:s13+$0x10300] =	vst v3  }
0xc2: {  	v3 =	vld [tilespmem:s1+$0x100]  }
0xc3: {  	v4 =	vld [tilespmem:s1+$0x4100];
	_ =	sdelay $0x3  }
.Ltmp0:
0xc4: {  	(pc) =	sbr.rel @p0 .LBB2_2-.Ltmp0, $3  }
0xc5: {  	v3 =	vadd.f32 v4, v3;
	_ =	sdelay $0x1  }
0xc6: {  	[tilespmem:s1+$0x10100] =	vst v3  }
0xc7: {  	v3 =	vld [tilespmem:s13+$0x6400]  }
0xc8: {  	v4 =	vld [tilespmem:s13+$0x2400]  }
0xc9: {  	v5 =	vld [tilespmem:s13+$0x2380]  }
0xca: {  	v6 =	vld [tilespmem:s13+$0x6380]  }
0xcb: {  	v7 =	vld [tilespmem:s13+$0x2300]  }
0xcc: {  	v8 =	vld [tilespmem:s13+$0x2280]  }
0xcd: {  	v9 =	vld [tilespmem:s13+$0x6300]  }
0xce: {  	v10 =	vld [tilespmem:s13+$0x6280]  }
0xcf: {  	v11 =	vld [tilespmem:s13+$0x6100]  }
0xd0: {  	v12 =	vld [tilespmem:s13+$0x2200]  }
0xd1: {  	v13 =	vld [tilespmem:s13+$0x6180]  }
0xd2: {  	v52 =	vld [tilespmem:s13+$0x2100];
	v3 =	vadd.f32 v3, v4  }
0xd3: {  	v4 =	vld [tilespmem:s13+$0x6200]  }
0xd4: {  	v7 =	vadd.f32 v9, v7;
	[tilespmem:s13+$0x12400] =	vst v3;
	v3 =	vld [tilespmem:s13+$0x2180]  }
0xd5: {  	v5 =	vadd.f32 v6, v5  }
0xd6: {  	v53 =	vadd.f32 v10, v8;
	[tilespmem:s13+$0x12300] =	vst v7  }
0xd7: {  	[tilespmem:s13+$0x12380] =	vst v5;
	v5 =	vadd.f32 v11, v52  }
0xd8: {  	[tilespmem:s13+$0x12280] =	vst v53;
	v4 =	vadd.f32 v4, v12  }
0xd9: {  	[tilespmem:s13+$0x12100] =	vst v5;
	v3 =	vadd.f32 v13, v3  }
0xda: {  	[tilespmem:s13+$0x12200] =	vst v4  }
0xdb: {  	s0 =	sor.u32 $0x2380, s15;
	[tilespmem:s13+$0x12180] =	vst v3  }
0xdc: {  	v3 =	vld [tilespmem:s0+$0x100]  }
0xdd: {  	v4 =	vld [tilespmem:s0+$0x4100];
	_ =	sdelay $0x4  }
0xde: {  	v3 =	vadd.f32 v4, v3;
	_ =	sdelay $0x1  }
0xdf: {  	s13 =	simm.s32 $0x0;
	[tilespmem:s0+$0x10100] =	vst v3  }
0xe0: {  	[hbm4b:s7+s13] =	stream.linear.scatter [tilespmem:s11], [sflag:$0x2], $0x4000, $0x38;
	[tilespmem:$0x18100] =	vst v63  }
0xe1: {  	v3 =	vld [tilespmem:$0x20];
	_ =	sdelay $0x4  }
0xe2: {  	v4 =	vshll.u32 v3, $0x3  }
0xe3: {  	v3 =	vand.u32 $0x7, v3;
	v4 =	vand.u32 $0xFFFFFFC0, v4  }
0xe4: {  	v3 =	vor.u32 v3, v4  }
0xe5: {  	v4 =	vperm.xlane v3, v0;
	_ =	sdelay $0x1  }
0xe6: {  	v4 =	vadd.s32 v1, v4;
	_ =	sdelay $0x3  }
0xe7: {  	s1 =	simm.s32 $0x100  }
0xe8: {  	[tilespmem:s1], [sflag:$0x1] =	stream.indirect_vreg.gather [hbm4b:s3+s13], $0x80, v4, vm0, $0xb8;
	[tilespmem:$0x18100] =	vst v63  }
0xe9: {  	s15 =	simm.s32 $0x900;
	v3 =	vperm.xlane v3, v2  }
0xea: {  	[tilespmem:s15], [sflag:$0x1] =	stream.indirect_vreg.gather [hbm4b:s6+s13], $0x80, v4, vm0, $0xb8;
	[tilespmem:$0x18100] =	vst v63  }
0xeb: {  	s16 =	simm.s32 $0x1100;
	v3 =	vadd.s32 v1, v3  }
0xec: {  	[tilespmem:s16], [sflag:$0x1] =	stream.indirect_vreg.gather [hbm4b:s8+s13], $0x80, v4, vm0, $0xb8;
	[tilespmem:$0x18100] =	vst v63  }
0xed: {  	s1 =	simm.s32 $0x1900  }
0xee: {  	[tilespmem:s1], [sflag:$0x1] =	stream.indirect_vreg.gather [hbm4b:s9+s13], $0x80, v4, vm0, $0xb8;
	[tilespmem:$0x18100] =	vst v63  }
0xef: {  	s15 =	simm.s32 $0x2100  }
0xf0: {  	[tilespmem:s15], [sflag:$0x1] =	stream.indirect_vreg.gather [hbm4b:s3+s13], $0x80, v3, vm0, $0xb8;
	[tilespmem:$0x18100] =	vst v63  }
0xf1: {  	s16 =	simm.s32 $0x2900  }
0xf2: {  	[tilespmem:s16], [sflag:$0x1] =	stream.indirect_vreg.gather [hbm4b:s6+s13], $0x80, v3, vm0, $0xb8;
	[tilespmem:$0x18100] =	vst v63  }
0xf3: {  	s1 =	simm.s32 $0x3100  }
0xf4: {  	[tilespmem:s1], [sflag:$0x1] =	stream.indirect_vreg.gather [hbm4b:s8+s13], $0x80, v3, vm0, $0xb8;
	[tilespmem:$0x18100] =	vst v63  }
0xf5: {  	s15 =	simm.s32 $0x3900  }
0xf6: {  	[tilespmem:s15], [sflag:$0x1] =	stream.indirect_vreg.gather [hbm4b:s9+s13], $0x80, v3, vm0, $0xb8;
	[tilespmem:$0x18100] =	vst v63  }
0xf7: {  	v3 =	vld [tilespmem:$0xA0];
	_ =	sdelay $0x4  }
0xf8: {  	v4 =	vshll.u32 v3, $0x3  }
0xf9: {  	v3 =	vand.u32 $0x7, v3;
	v4 =	vand.u32 $0xFFFFFFC0, v4  }
0xfa: {  	v3 =	vor.u32 v3, v4  }
0xfb: {  	v4 =	vperm.xlane v3, v0;
	_ =	sdelay $0x1  }
0xfc: {  	v4 =	vadd.s32 v1, v4;
	_ =	sdelay $0x3  }
0xfd: {  	s16 =	simm.s32 $0x4100  }
0xfe: {  	[tilespmem:s16], [sflag:$0x1] =	stream.indirect_vreg.gather [hbm4b:s3+s13], $0x80, v4, vm0, $0xb8;
	[tilespmem:$0x18100] =	vst v63  }
0xff: {  	s1 =	simm.s32 $0x4900;
	v3 =	vperm.xlane v3, v2  }
0x100: {  	[tilespmem:s1], [sflag:$0x1] =	stream.indirect_vreg.gather [hbm4b:s6+s13], $0x80, v4, vm0, $0xb8;
	[tilespmem:$0x18100] =	vst v63  }
0x101: {  	s15 =	simm.s32 $0x5100;
	v3 =	vadd.s32 v1, v3  }
0x102: {  	[tilespmem:s15], [sflag:$0x1] =	stream.indirect_vreg.gather [hbm4b:s8+s13], $0x80, v4, vm0, $0xb8;
	[tilespmem:$0x18100] =	vst v63  }
0x103: {  	s16 =	simm.s32 $0x5900  }
0x104: {  	[tilespmem:s16], [sflag:$0x1] =	stream.indirect_vreg.gather [hbm4b:s9+s13], $0x80, v4, vm0, $0xb8;
	[tilespmem:$0x18100] =	vst v63  }
0x105: {  	s1 =	simm.s32 $0x6100  }
0x106: {  	[tilespmem:s1], [sflag:$0x1] =	stream.indirect_vreg.gather [hbm4b:s3+s13], $0x80, v3, vm0, $0xb8;
	[tilespmem:$0x18100] =	vst v63  }
0x107: {  	s15 =	simm.s32 $0x6900  }
0x108: {  	[tilespmem:s15], [sflag:$0x1] =	stream.indirect_vreg.gather [hbm4b:s6+s13], $0x80, v3, vm0, $0xb8;
	[tilespmem:$0x18100] =	vst v63  }
0x109: {  	s16 =	simm.s32 $0x7100  }
0x10a: {  	[tilespmem:s16], [sflag:$0x1] =	stream.indirect_vreg.gather [hbm4b:s8+s13], $0x80, v3, vm0, $0xb8;
	[tilespmem:$0x18100] =	vst v63  }
0x10b: {  	s1 =	simm.s32 $0x7900  }
0x10c: {  	[tilespmem:s1], [sflag:$0x1] =	stream.indirect_vreg.gather [hbm4b:s9+s13], $0x80, v3, vm0, $0xb8;
	[tilespmem:$0x18100] =	vst v63  }
0x10d: {  	_ =	swait.ge [sflag:s28], $0x4000  }
0x10e: {  	[sflag:s28] =	ssyncset.done $0x0  }
0x10f: {  	[sflag:s28] =	ssyncadd.s32 $0xFFFFC000  }
0x110: {  	_ =	swait.ge [sflag:s28], $0x4000  }
0x111: {  	s15 =	sand.u32 $0x70, s13;
	s1 =	sand.u32 $0x1C00, s13;
	[sflag:s28] =	ssyncset.done $0x0  }
0x112: {  	s31 =	sor.u32 s15, s1;
	[sflag:s28] =	ssyncadd.s32 $0xFFFFC000  }
0x113: {  	v3 =	vld [tilespmem:s31+$0xC400]  }
0x114: {  	v4 =	vld [tilespmem:s31+$0xC280]  }
0x115: {  	v5 =	vld [tilespmem:s31+$0xC300]  }
0x116: {  	v54 =	vld [tilespmem:s31+$0x8400]  }
0x117: {  	v55 =	vld [tilespmem:s31+$0xC380]  }
0x118: {  	v56 =	vld [tilespmem:s31+$0x8280]  }
0x119: {  	v57 =	vld [tilespmem:s31+$0x8380]  }
0x11a: {  	v58 =	vld [tilespmem:s31+$0x8200]  }
0x11b: {  	v59 =	vld [tilespmem:s31+$0xC200]  }
0x11c: {  	v61 =	vld [tilespmem:s31+$0xC100]  }
0x11d: {  	v62 =	vld [tilespmem:s31+$0x8100]  }
0x11e: {  	v60 =	vld [tilespmem:s31+$0xC180]  }
0x11f: {  	v14 =	vld [tilespmem:s31+$0x8180];
	v3 =	vadd.f32 v3, v54  }
0x120: {  	v63 =	vld [tilespmem:s31+$0x8300];
	v4 =	vadd.f32 v4, v56  }
0x121: {  	v7 =	vadd.f32 v55, v57;
	[tilespmem:s31+$0x14400] =	vst v3  }
0x122: {  	v6 =	vadd.f32 v61, v62;
	[tilespmem:s31+$0x14280] =	vst v4  }
0x123: {  	v3 =	vadd.f32 v59, v58;
	[tilespmem:s31+$0x14380] =	vst v7  }
0x124: {  	v4 =	vadd.f32 v60, v14;
	[tilespmem:s31+$0x14100] =	vst v6  }
0x125: {  	[tilespmem:s31+$0x14200] =	vst v3;
	v3 =	vadd.f32 v5, v63  }
0x126: {  	s15 =	sor.u32 s13, s13;
	[tilespmem:s31+$0x14180] =	vst v4  }
0x127: {  	s16 =	sor.u32 $0x380, s15;
	[tilespmem:s31+$0x14300] =	vst v3  }
0x128: {  	v3 =	vld [tilespmem:s16+$0x8100]  }
0x129: {  	v4 =	vld [tilespmem:s16+$0xC100];
	_ =	sdelay $0x4  }
0x12a: {  	v3 =	vadd.f32 v4, v3;
	_ =	sdelay $0x1  }
0x12b: {  	[tilespmem:s16+$0x14100] =	vst v3  }
0x12c: {  	s0 =	simm.s32 $0x10;
	v3 =	vld [tilespmem:s31+$0xE400]  }
.LBB2_4:
0x12d: {  	p0 =	sne.s32 s0, $0x3F0  }
0x12e: {  	v4 =	vld [tilespmem:s31+$0xA400];
	s13 =	sadd.s32 $0x80, s13;
	s1 =	smov.u32 s0;
	s0 =	sadd.s32 $0x10, s0  }
0x12f: {  	v5 =	vld [tilespmem:s31+$0xA380]  }
0x130: {  	v6 =	vld [tilespmem:s31+$0xE380]  }
0x131: {  	v7 =	vld [tilespmem:s31+$0xA300]  }
0x132: {  	v8 =	vld [tilespmem:s31+$0xA280]  }
0x133: {  	v9 =	vld [tilespmem:s31+$0xE300];
	v3 =	vadd.f32 v3, v4  }
0x134: {  	v4 =	vld [tilespmem:s31+$0xE200]  }
0x135: {  	v10 =	vld [tilespmem:s31+$0xE280];
	[tilespmem:s31+$0x16400] =	vst v3  }
0x136: {  	v3 =	vld [tilespmem:s31+$0xA180]  }
0x137: {  	v11 =	vld [tilespmem:s31+$0xE100]  }
0x138: {  	v12 =	vld [tilespmem:s31+$0xA200];
	v7 =	vadd.f32 v9, v7  }
0x139: {  	v9 =	vld [tilespmem:s31+$0xE180]  }
0x13a: {  	v5 =	vadd.f32 v6, v5;
	v13 =	vld [tilespmem:s31+$0xA100];
	v8 =	vadd.f32 v10, v8;
	[tilespmem:s31+$0x16300] =	vst v7;
	_ =	sdelay $0x1  }
0x13b: {  	[tilespmem:s31+$0x16380] =	vst v5  }
0x13c: {  	v4 =	vadd.f32 v4, v12;
	[tilespmem:s31+$0x16280] =	vst v8  }
0x13d: {  	v3 =	vadd.f32 v9, v3  }
0x13e: {  	v5 =	vadd.f32 v11, v13;
	[tilespmem:s31+$0x16200] =	vst v4  }
0x13f: {  	[tilespmem:s31+$0x16180] =	vst v3  }
0x140: {  	s15 =	sor.u32 $0x2380, s15;
	[tilespmem:s31+$0x16100] =	vst v5  }
0x141: {  	v3 =	vld [tilespmem:s15+$0x8100]  }
0x142: {  	v4 =	vld [tilespmem:s15+$0xC100];
	_ =	sdelay $0x4  }
0x143: {  	v3 =	vadd.f32 v4, v3  }
0x144: {  	s16 =	sand.u32 $0x70, s1;
	s31 =	sand.u32 $0x1C00, s13  }
0x145: {  	s31 =	sor.u32 s16, s31;
	[tilespmem:s15+$0x14100] =	vst v3  }
0x146: {  	v3 =	vld [tilespmem:s31+$0xC400]  }
0x147: {  	v4 =	vld [tilespmem:s31+$0xC280]  }
0x148: {  	v5 =	vld [tilespmem:s31+$0xC300]  }
0x149: {  	v6 =	vld [tilespmem:s31+$0x8400]  }
0x14a: {  	v7 =	vld [tilespmem:s31+$0xC380]  }
0x14b: {  	v8 =	vld [tilespmem:s31+$0x8280]  }
0x14c: {  	v9 =	vld [tilespmem:s31+$0x8380]  }
0x14d: {  	v10 =	vld [tilespmem:s31+$0x8200]  }
0x14e: {  	v11 =	vld [tilespmem:s31+$0xC200];
	v3 =	vadd.f32 v3, v6  }
0x14f: {  	v6 =	vld [tilespmem:s31+$0xC180]  }
0x150: {  	v12 =	vld [tilespmem:s31+$0xC100];
	v4 =	vadd.f32 v4, v8  }
0x151: {  	v8 =	vld [tilespmem:s31+$0x8180];
	v7 =	vadd.f32 v7, v9  }
0x152: {  	v9 =	vld [tilespmem:s31+$0x8100]  }
0x153: {  	v10 =	vadd.f32 v11, v10;
	v11 =	vld [tilespmem:s31+$0x8300]  }
0x154: {  	[tilespmem:s31+$0x14400] =	vst v3  }
0x155: {  	[tilespmem:s31+$0x14280] =	vst v4  }
0x156: {  	v3 =	vadd.f32 v6, v8;
	[tilespmem:s31+$0x14380] =	vst v7  }
0x157: {  	v4 =	vadd.f32 v12, v9;
	[tilespmem:s31+$0x14200] =	vst v10  }
0x158: {  	[tilespmem:s31+$0x14180] =	vst v3;
	v3 =	vadd.f32 v5, v11  }
0x159: {  	s15 =	sor.u32 s1, s13;
	[tilespmem:s31+$0x14100] =	vst v4  }
0x15a: {  	s1 =	sor.u32 $0x380, s15;
	[tilespmem:s31+$0x14300] =	vst v3  }
0x15b: {  	v3 =	vld [tilespmem:s1+$0x8100]  }
0x15c: {  	v4 =	vld [tilespmem:s1+$0xC100];
	_ =	sdelay $0x3  }
.Ltmp1:
0x15d: {  	(pc) =	sbr.rel @p0 .LBB2_4-.Ltmp1, $3  }
0x15e: {  	v3 =	vadd.f32 v4, v3;
	_ =	sdelay $0x1  }
0x15f: {  	[tilespmem:s1+$0x14100] =	vst v3  }
0x160: {  	v3 =	vld [tilespmem:s31+$0xE400]  }
0x161: {  	v4 =	vld [tilespmem:s31+$0xA400]  }
0x162: {  	v5 =	vld [tilespmem:s31+$0xA380]  }
0x163: {  	v6 =	vld [tilespmem:s31+$0xE380]  }
0x164: {  	v7 =	vld [tilespmem:s31+$0xA300]  }
0x165: {  	v8 =	vld [tilespmem:s31+$0xA280]  }
0x166: {  	v9 =	vld [tilespmem:s31+$0xE300]  }
0x167: {  	v10 =	vld [tilespmem:s31+$0xE280]  }
0x168: {  	v11 =	vld [tilespmem:s31+$0xE100]  }
0x169: {  	v12 =	vld [tilespmem:s31+$0xA200]  }
0x16a: {  	v13 =	vld [tilespmem:s31+$0xE180]  }
0x16b: {  	v52 =	vld [tilespmem:s31+$0xA100];
	v3 =	vadd.f32 v3, v4  }
0x16c: {  	v4 =	vld [tilespmem:s31+$0xE200]  }
0x16d: {  	v7 =	vadd.f32 v9, v7;
	[tilespmem:s31+$0x16400] =	vst v3;
	v3 =	vld [tilespmem:s31+$0xA180]  }
0x16e: {  	v5 =	vadd.f32 v6, v5  }
0x16f: {  	v53 =	vadd.f32 v10, v8;
	[tilespmem:s31+$0x16300] =	vst v7  }
0x170: {  	[tilespmem:s31+$0x16380] =	vst v5;
	v5 =	vadd.f32 v11, v52  }
0x171: {  	[tilespmem:s31+$0x16280] =	vst v53;
	v4 =	vadd.f32 v4, v12  }
0x172: {  	[tilespmem:s31+$0x16100] =	vst v5;
	v3 =	vadd.f32 v13, v3  }
0x173: {  	[tilespmem:s31+$0x16200] =	vst v4  }
0x174: {  	s0 =	sor.u32 $0x2380, s15;
	[tilespmem:s31+$0x16180] =	vst v3  }
0x175: {  	v3 =	vld [tilespmem:s0+$0x8100]  }
0x176: {  	v4 =	vld [tilespmem:s0+$0xC100];
	_ =	sdelay $0x4  }
0x177: {  	v3 =	vadd.f32 v4, v3;
	_ =	sdelay $0x1  }
0x178: {  	s13 =	simm.s32 $0x0;
	s1 =	rddreg [dreg:$0x5];
	[tilespmem:s0+$0x14100] =	vst v3  }
0x179: {  	[hbm4b:s1+s13] =	stream.linear.scatter [tilespmem:s29], [sflag:$0x2], $0x4000, $0x38;
	[tilespmem:$0x18100] =	vst v63  }
0x17a: {  	v3 =	vld [tilespmem:$0x30];
	_ =	sdelay $0x4  }
0x17b: {  	v4 =	vshll.u32 v3, $0x3  }
0x17c: {  	v3 =	vand.u32 $0x7, v3;
	v4 =	vand.u32 $0xFFFFFFC0, v4  }
0x17d: {  	v3 =	vor.u32 v3, v4  }
0x17e: {  	v4 =	vperm.xlane v3, v0;
	_ =	sdelay $0x1  }
0x17f: {  	v4 =	vadd.s32 v1, v4;
	_ =	sdelay $0x3  }
0x180: {  	s15 =	simm.s32 $0x8100  }
0x181: {  	[tilespmem:s15], [sflag:$0x1] =	stream.indirect_vreg.gather [hbm4b:s3+s13], $0x80, v4, vm0, $0xb8;
	[tilespmem:$0x18100] =	vst v63  }
0x182: {  	s16 =	simm.s32 $0x8900;
	v3 =	vperm.xlane v3, v2  }
0x183: {  	[tilespmem:s16], [sflag:$0x1] =	stream.indirect_vreg.gather [hbm4b:s6+s13], $0x80, v4, vm0, $0xb8;
	[tilespmem:$0x18100] =	vst v63  }
0x184: {  	s1 =	simm.s32 $0x9100;
	v3 =	vadd.s32 v1, v3  }
0x185: {  	[tilespmem:s1], [sflag:$0x1] =	stream.indirect_vreg.gather [hbm4b:s8+s13], $0x80, v4, vm0, $0xb8;
	[tilespmem:$0x18100] =	vst v63  }
0x186: {  	_ = 	snop  }
0x187: {  	[tilespmem:s17], [sflag:$0x1] =	stream.indirect_vreg.gather [hbm4b:s9+s13], $0x80, v4, vm0, $0xb8;
	[tilespmem:$0x18100] =	vst v63  }
0x188: {  	_ = 	snop  }
0x189: {  	[tilespmem:s18], [sflag:$0x1] =	stream.indirect_vreg.gather [hbm4b:s3+s13], $0x80, v3, vm0, $0xb8;
	[tilespmem:$0x18100] =	vst v63  }
0x18a: {  	_ = 	snop  }
0x18b: {  	[tilespmem:s19], [sflag:$0x1] =	stream.indirect_vreg.gather [hbm4b:s6+s13], $0x80, v3, vm0, $0xb8;
	[tilespmem:$0x18100] =	vst v63  }
0x18c: {  	_ = 	snop  }
0x18d: {  	[tilespmem:s4], [sflag:$0x1] =	stream.indirect_vreg.gather [hbm4b:s8+s13], $0x80, v3, vm0, $0xb8;
	[tilespmem:$0x18100] =	vst v63  }
0x18e: {  	_ = 	snop  }
0x18f: {  	[tilespmem:s20], [sflag:$0x1] =	stream.indirect_vreg.gather [hbm4b:s9+s13], $0x80, v3, vm0, $0xb8;
	[tilespmem:$0x18100] =	vst v63  }
0x190: {  	v3 =	vld [tilespmem:$0xB0];
	_ =	sdelay $0x4  }
0x191: {  	v4 =	vshll.u32 v3, $0x3  }
0x192: {  	v3 =	vand.u32 $0x7, v3;
	v4 =	vand.u32 $0xFFFFFFC0, v4  }
0x193: {  	v3 =	vor.u32 v3, v4  }
0x194: {  	v4 =	vperm.xlane v3, v0;
	_ =	sdelay $0x1  }
0x195: {  	v4 =	vadd.s32 v1, v4;
	_ =	sdelay $0x4  }
0x196: {  	[tilespmem:s21], [sflag:$0x1] =	stream.indirect_vreg.gather [hbm4b:s3+s13], $0x80, v4, vm0, $0xb8;
	[tilespmem:$0x18100] =	vst v63  }
0x197: {  	v3 =	vperm.xlane v3, v2  }
0x198: {  	[tilespmem:s5], [sflag:$0x1] =	stream.indirect_vreg.gather [hbm4b:s6+s13], $0x80, v4, vm0, $0xb8;
	[tilespmem:$0x18100] =	vst v63  }
0x199: {  	v3 =	vadd.s32 v1, v3  }
0x19a: {  	[tilespmem:s22], [sflag:$0x1] =	stream.indirect_vreg.gather [hbm4b:s8+s13], $0x80, v4, vm0, $0xb8;
	[tilespmem:$0x18100] =	vst v63  }
0x19b: {  	_ = 	snop  }
0x19c: {  	[tilespmem:s23], [sflag:$0x1] =	stream.indirect_vreg.gather [hbm4b:s9+s13], $0x80, v4, vm0, $0xb8;
	[tilespmem:$0x18100] =	vst v63  }
0x19d: {  	_ = 	snop  }
0x19e: {  	[tilespmem:s24], [sflag:$0x1] =	stream.indirect_vreg.gather [hbm4b:s3+s13], $0x80, v3, vm0, $0xb8;
	[tilespmem:$0x18100] =	vst v63  }
0x19f: {  	_ = 	snop  }
0x1a0: {  	[tilespmem:s25], [sflag:$0x1] =	stream.indirect_vreg.gather [hbm4b:s6+s13], $0x80, v3, vm0, $0xb8;
	[tilespmem:$0x18100] =	vst v63  }
0x1a1: {  	_ = 	snop  }
0x1a2: {  	[tilespmem:s26], [sflag:$0x1] =	stream.indirect_vreg.gather [hbm4b:s8+s13], $0x80, v3, vm0, $0xb8;
	[tilespmem:$0x18100] =	vst v63  }
0x1a3: {  	_ = 	snop  }
0x1a4: {  	[tilespmem:s10], [sflag:$0x1] =	stream.indirect_vreg.gather [hbm4b:s9+s13], $0x80, v3, vm0, $0xb8;
	[tilespmem:$0x18100] =	vst v63  }
0x1a5: {  	_ =	swait.ge [sflag:s28], $0x4000  }
0x1a6: {  	[sflag:s28] =	ssyncset.done $0x0  }
0x1a7: {  	[sflag:s28] =	ssyncadd.s32 $0xFFFFC000  }
0x1a8: {  	_ =	swait.ge [sflag:s28], $0x4000  }
0x1a9: {  	[sflag:s28] =	ssyncset.done $0x0  }
0x1aa: {  	[sflag:s28] =	ssyncadd.s32 $0xFFFFC000  }
0x1ab: {  	_ =	swait.ge [sflag:s12], $0x4000  }
0x1ac: {  	s15 =	sand.u32 $0x70, s13;
	s1 =	sand.u32 $0x1C00, s13;
	[sflag:s12] =	ssyncset.done $0x0  }
0x1ad: {  	s31 =	sor.u32 s15, s1;
	[sflag:s12] =	ssyncadd.s32 $0xFFFFC000  }
0x1ae: {  	v3 =	vld [tilespmem:s31+$0x4400]  }
0x1af: {  	v4 =	vld [tilespmem:s31+$0x4280]  }
0x1b0: {  	v5 =	vld [tilespmem:s31+$0x4300]  }
0x1b1: {  	v54 =	vld [tilespmem:s31+$0x400]  }
0x1b2: {  	v55 =	vld [tilespmem:s31+$0x4380]  }
0x1b3: {  	v56 =	vld [tilespmem:s31+$0x280]  }
0x1b4: {  	v57 =	vld [tilespmem:s31+$0x380]  }
0x1b5: {  	v58 =	vld [tilespmem:s31+$0x200]  }
0x1b6: {  	v59 =	vld [tilespmem:s31+$0x4200]  }
0x1b7: {  	v61 =	vld [tilespmem:s31+$0x4100]  }
0x1b8: {  	v62 =	vld [tilespmem:s31+$0x100]  }
0x1b9: {  	v60 =	vld [tilespmem:s31+$0x4180]  }
0x1ba: {  	v14 =	vld [tilespmem:s31+$0x180];
	v3 =	vadd.f32 v3, v54  }
0x1bb: {  	v63 =	vld [tilespmem:s31+$0x300];
	v4 =	vadd.f32 v4, v56  }
0x1bc: {  	v7 =	vadd.f32 v55, v57;
	[tilespmem:s31+$0x10400] =	vst v3  }
0x1bd: {  	v6 =	vadd.f32 v61, v62;
	[tilespmem:s31+$0x10280] =	vst v4  }
0x1be: {  	v3 =	vadd.f32 v59, v58;
	[tilespmem:s31+$0x10380] =	vst v7  }
0x1bf: {  	v4 =	vadd.f32 v60, v14;
	[tilespmem:s31+$0x10100] =	vst v6  }
0x1c0: {  	[tilespmem:s31+$0x10200] =	vst v3;
	v3 =	vadd.f32 v5, v63  }
0x1c1: {  	s15 =	sor.u32 s13, s13;
	[tilespmem:s31+$0x10180] =	vst v4  }
0x1c2: {  	s16 =	sor.u32 $0x380, s15;
	[tilespmem:s31+$0x10300] =	vst v3  }
0x1c3: {  	v3 =	vld [tilespmem:s16+$0x100]  }
0x1c4: {  	v4 =	vld [tilespmem:s16+$0x4100];
	_ =	sdelay $0x4  }
0x1c5: {  	v3 =	vadd.f32 v4, v3;
	_ =	sdelay $0x1  }
0x1c6: {  	[tilespmem:s16+$0x10100] =	vst v3  }
0x1c7: {  	s0 =	simm.s32 $0x10;
	v3 =	vld [tilespmem:s31+$0x6400]  }
.LBB2_6:
0x1c8: {  	p0 =	sne.s32 s0, $0x3F0  }
0x1c9: {  	v4 =	vld [tilespmem:s31+$0x2400];
	s13 =	sadd.s32 $0x80, s13;
	s1 =	smov.u32 s0;
	s0 =	sadd.s32 $0x10, s0  }
0x1ca: {  	v5 =	vld [tilespmem:s31+$0x2380]  }
0x1cb: {  	v6 =	vld [tilespmem:s31+$0x6380]  }
0x1cc: {  	v7 =	vld [tilespmem:s31+$0x2300]  }
0x1cd: {  	v8 =	vld [tilespmem:s31+$0x2280]  }
0x1ce: {  	v9 =	vld [tilespmem:s31+$0x6300];
	v3 =	vadd.f32 v3, v4  }
0x1cf: {  	v4 =	vld [tilespmem:s31+$0x6200]  }
0x1d0: {  	v10 =	vld [tilespmem:s31+$0x6280];
	[tilespmem:s31+$0x12400] =	vst v3  }
0x1d1: {  	v3 =	vld [tilespmem:s31+$0x2180]  }
0x1d2: {  	v11 =	vld [tilespmem:s31+$0x6100]  }
0x1d3: {  	v12 =	vld [tilespmem:s31+$0x2200];
	v7 =	vadd.f32 v9, v7  }
0x1d4: {  	v9 =	vld [tilespmem:s31+$0x6180]  }
0x1d5: {  	v5 =	vadd.f32 v6, v5;
	v13 =	vld [tilespmem:s31+$0x2100];
	v8 =	vadd.f32 v10, v8;
	[tilespmem:s31+$0x12300] =	vst v7;
	_ =	sdelay $0x1  }
0x1d6: {  	[tilespmem:s31+$0x12380] =	vst v5  }
0x1d7: {  	v4 =	vadd.f32 v4, v12;
	[tilespmem:s31+$0x12280] =	vst v8  }
0x1d8: {  	v3 =	vadd.f32 v9, v3  }
0x1d9: {  	v5 =	vadd.f32 v11, v13;
	[tilespmem:s31+$0x12200] =	vst v4  }
0x1da: {  	[tilespmem:s31+$0x12180] =	vst v3  }
0x1db: {  	s15 =	sor.u32 $0x2380, s15;
	[tilespmem:s31+$0x12100] =	vst v5  }
0x1dc: {  	v3 =	vld [tilespmem:s15+$0x100]  }
0x1dd: {  	v4 =	vld [tilespmem:s15+$0x4100];
	_ =	sdelay $0x4  }
0x1de: {  	v3 =	vadd.f32 v4, v3  }
0x1df: {  	s16 =	sand.u32 $0x70, s1;
	s31 =	sand.u32 $0x1C00, s13  }
0x1e0: {  	s31 =	sor.u32 s16, s31;
	[tilespmem:s15+$0x10100] =	vst v3  }
0x1e1: {  	v3 =	vld [tilespmem:s31+$0x4400]  }
0x1e2: {  	v4 =	vld [tilespmem:s31+$0x4280]  }
0x1e3: {  	v5 =	vld [tilespmem:s31+$0x4300]  }
0x1e4: {  	v6 =	vld [tilespmem:s31+$0x400]  }
0x1e5: {  	v7 =	vld [tilespmem:s31+$0x4380]  }
0x1e6: {  	v8 =	vld [tilespmem:s31+$0x280]  }
0x1e7: {  	v9 =	vld [tilespmem:s31+$0x380]  }
0x1e8: {  	v10 =	vld [tilespmem:s31+$0x200]  }
0x1e9: {  	v11 =	vld [tilespmem:s31+$0x4200];
	v3 =	vadd.f32 v3, v6  }
0x1ea: {  	v6 =	vld [tilespmem:s31+$0x4180]  }
0x1eb: {  	v12 =	vld [tilespmem:s31+$0x4100];
	v4 =	vadd.f32 v4, v8  }
0x1ec: {  	v8 =	vld [tilespmem:s31+$0x180];
	v7 =	vadd.f32 v7, v9  }
0x1ed: {  	v9 =	vld [tilespmem:s31+$0x100]  }
0x1ee: {  	v10 =	vadd.f32 v11, v10;
	v11 =	vld [tilespmem:s31+$0x300]  }
0x1ef: {  	[tilespmem:s31+$0x10400] =	vst v3  }
0x1f0: {  	[tilespmem:s31+$0x10280] =	vst v4  }
0x1f1: {  	v3 =	vadd.f32 v6, v8;
	[tilespmem:s31+$0x10380] =	vst v7  }
0x1f2: {  	v4 =	vadd.f32 v12, v9;
	[tilespmem:s31+$0x10200] =	vst v10  }
0x1f3: {  	[tilespmem:s31+$0x10180] =	vst v3;
	v3 =	vadd.f32 v5, v11  }
0x1f4: {  	s15 =	sor.u32 s1, s13;
	[tilespmem:s31+$0x10100] =	vst v4  }
0x1f5: {  	s1 =	sor.u32 $0x380, s15;
	[tilespmem:s31+$0x10300] =	vst v3  }
0x1f6: {  	v3 =	vld [tilespmem:s1+$0x100]  }
0x1f7: {  	v4 =	vld [tilespmem:s1+$0x4100];
	_ =	sdelay $0x3  }
.Ltmp2:
0x1f8: {  	(pc) =	sbr.rel @p0 .LBB2_6-.Ltmp2, $3  }
0x1f9: {  	v3 =	vadd.f32 v4, v3;
	_ =	sdelay $0x1  }
0x1fa: {  	[tilespmem:s1+$0x10100] =	vst v3  }
0x1fb: {  	v3 =	vld [tilespmem:s31+$0x6400]  }
0x1fc: {  	v4 =	vld [tilespmem:s31+$0x2400]  }
0x1fd: {  	v5 =	vld [tilespmem:s31+$0x2380]  }
0x1fe: {  	v6 =	vld [tilespmem:s31+$0x6380]  }
0x1ff: {  	v7 =	vld [tilespmem:s31+$0x2300]  }
0x200: {  	v8 =	vld [tilespmem:s31+$0x2280]  }
0x201: {  	v9 =	vld [tilespmem:s31+$0x6300]  }
0x202: {  	v10 =	vld [tilespmem:s31+$0x6280]  }
0x203: {  	v11 =	vld [tilespmem:s31+$0x6100]  }
0x204: {  	v12 =	vld [tilespmem:s31+$0x2200]  }
0x205: {  	v13 =	vld [tilespmem:s31+$0x6180]  }
0x206: {  	v52 =	vld [tilespmem:s31+$0x2100];
	v3 =	vadd.f32 v3, v4  }
0x207: {  	v4 =	vld [tilespmem:s31+$0x6200]  }
0x208: {  	v7 =	vadd.f32 v9, v7;
	[tilespmem:s31+$0x12400] =	vst v3;
	v3 =	vld [tilespmem:s31+$0x2180]  }
0x209: {  	v5 =	vadd.f32 v6, v5  }
0x20a: {  	v53 =	vadd.f32 v10, v8;
	[tilespmem:s31+$0x12300] =	vst v7  }
0x20b: {  	[tilespmem:s31+$0x12380] =	vst v5;
	v5 =	vadd.f32 v11, v52  }
0x20c: {  	[tilespmem:s31+$0x12280] =	vst v53;
	v4 =	vadd.f32 v4, v12  }
0x20d: {  	[tilespmem:s31+$0x12100] =	vst v5;
	v3 =	vadd.f32 v13, v3  }
0x20e: {  	[tilespmem:s31+$0x12200] =	vst v4  }
0x20f: {  	s0 =	sor.u32 $0x2380, s15;
	[tilespmem:s31+$0x12180] =	vst v3  }
0x210: {  	v3 =	vld [tilespmem:s0+$0x100]  }
0x211: {  	v4 =	vld [tilespmem:s0+$0x4100];
	_ =	sdelay $0x4  }
0x212: {  	v3 =	vadd.f32 v4, v3;
	_ =	sdelay $0x1  }
0x213: {  	s13 =	simm.s32 $0x0;
	s1 =	rddreg [dreg:$0x6];
	[tilespmem:s0+$0x10100] =	vst v3  }
0x214: {  	[hbm4b:s1+s13] =	stream.linear.scatter [tilespmem:s11], [sflag:$0x2], $0x4000, $0x38;
	[tilespmem:$0x18100] =	vst v63  }
0x215: {  	_ =	swait.ge [sflag:s28], $0x4000  }
0x216: {  	[sflag:s28] =	ssyncset.done $0x0  }
0x217: {  	[sflag:s28] =	ssyncadd.s32 $0xFFFFC000  }
0x218: {  	_ =	swait.ge [sflag:s28], $0x4000  }
0x219: {  	[sflag:s28] =	ssyncset.done $0x0  }
0x21a: {  	[sflag:s28] =	ssyncadd.s32 $0xFFFFC000  }
0x21b: {  	_ =	swait.ge [sflag:s12], $0x4000  }
0x21c: {  	s15 =	sand.u32 $0x70, s13;
	s1 =	sand.u32 $0x1C00, s13;
	[sflag:s12] =	ssyncset.done $0x0  }
0x21d: {  	s31 =	sor.u32 s15, s1;
	[sflag:s12] =	ssyncadd.s32 $0xFFFFC000  }
0x21e: {  	v3 =	vld [tilespmem:s31+$0xC400]  }
0x21f: {  	v4 =	vld [tilespmem:s31+$0xC280]  }
0x220: {  	v5 =	vld [tilespmem:s31+$0xC300]  }
0x221: {  	v54 =	vld [tilespmem:s31+$0x8400]  }
0x222: {  	v55 =	vld [tilespmem:s31+$0xC380]  }
0x223: {  	v56 =	vld [tilespmem:s31+$0x8280]  }
0x224: {  	v57 =	vld [tilespmem:s31+$0x8380]  }
0x225: {  	v58 =	vld [tilespmem:s31+$0x8200]  }
0x226: {  	v59 =	vld [tilespmem:s31+$0xC200]  }
0x227: {  	v61 =	vld [tilespmem:s31+$0xC100]  }
0x228: {  	v62 =	vld [tilespmem:s31+$0x8100]  }
0x229: {  	v60 =	vld [tilespmem:s31+$0xC180]  }
0x22a: {  	v14 =	vld [tilespmem:s31+$0x8180];
	v3 =	vadd.f32 v3, v54  }
0x22b: {  	v63 =	vld [tilespmem:s31+$0x8300];
	v4 =	vadd.f32 v4, v56  }
0x22c: {  	v7 =	vadd.f32 v55, v57;
	[tilespmem:s31+$0x14400] =	vst v3  }
0x22d: {  	v6 =	vadd.f32 v61, v62;
	[tilespmem:s31+$0x14280] =	vst v4  }
0x22e: {  	v3 =	vadd.f32 v59, v58;
	[tilespmem:s31+$0x14380] =	vst v7  }
0x22f: {  	v4 =	vadd.f32 v60, v14;
	[tilespmem:s31+$0x14100] =	vst v6  }
0x230: {  	[tilespmem:s31+$0x14200] =	vst v3;
	v3 =	vadd.f32 v5, v63  }
0x231: {  	s15 =	sor.u32 s13, s13;
	[tilespmem:s31+$0x14180] =	vst v4  }
0x232: {  	s16 =	sor.u32 $0x380, s15;
	[tilespmem:s31+$0x14300] =	vst v3  }
0x233: {  	v3 =	vld [tilespmem:s16+$0x8100]  }
0x234: {  	v4 =	vld [tilespmem:s16+$0xC100];
	_ =	sdelay $0x4  }
0x235: {  	v3 =	vadd.f32 v4, v3;
	_ =	sdelay $0x1  }
0x236: {  	[tilespmem:s16+$0x14100] =	vst v3  }
0x237: {  	s0 =	simm.s32 $0x10;
	v3 =	vld [tilespmem:s31+$0xE400]  }
.LBB2_8:
0x238: {  	p0 =	sne.s32 s0, $0x3F0  }
0x239: {  	v4 =	vld [tilespmem:s31+$0xA400];
	s13 =	sadd.s32 $0x80, s13;
	s1 =	smov.u32 s0;
	s0 =	sadd.s32 $0x10, s0  }
0x23a: {  	v5 =	vld [tilespmem:s31+$0xA380]  }
0x23b: {  	v6 =	vld [tilespmem:s31+$0xE380]  }
0x23c: {  	v7 =	vld [tilespmem:s31+$0xA300]  }
0x23d: {  	v8 =	vld [tilespmem:s31+$0xA280]  }
0x23e: {  	v9 =	vld [tilespmem:s31+$0xE300];
	v3 =	vadd.f32 v3, v4  }
0x23f: {  	v4 =	vld [tilespmem:s31+$0xE200]  }
0x240: {  	v10 =	vld [tilespmem:s31+$0xE280];
	[tilespmem:s31+$0x16400] =	vst v3  }
0x241: {  	v3 =	vld [tilespmem:s31+$0xA180]  }
0x242: {  	v11 =	vld [tilespmem:s31+$0xE100]  }
0x243: {  	v12 =	vld [tilespmem:s31+$0xA200];
	v7 =	vadd.f32 v9, v7  }
0x244: {  	v9 =	vld [tilespmem:s31+$0xE180]  }
0x245: {  	v5 =	vadd.f32 v6, v5;
	v13 =	vld [tilespmem:s31+$0xA100];
	v8 =	vadd.f32 v10, v8;
	[tilespmem:s31+$0x16300] =	vst v7;
	_ =	sdelay $0x1  }
0x246: {  	[tilespmem:s31+$0x16380] =	vst v5  }
0x247: {  	v4 =	vadd.f32 v4, v12;
	[tilespmem:s31+$0x16280] =	vst v8  }
0x248: {  	v3 =	vadd.f32 v9, v3  }
0x249: {  	v5 =	vadd.f32 v11, v13;
	[tilespmem:s31+$0x16200] =	vst v4  }
0x24a: {  	[tilespmem:s31+$0x16180] =	vst v3  }
0x24b: {  	s15 =	sor.u32 $0x2380, s15;
	[tilespmem:s31+$0x16100] =	vst v5  }
0x24c: {  	v3 =	vld [tilespmem:s15+$0x8100]  }
0x24d: {  	v4 =	vld [tilespmem:s15+$0xC100];
	_ =	sdelay $0x4  }
0x24e: {  	v3 =	vadd.f32 v4, v3  }
0x24f: {  	s16 =	sand.u32 $0x70, s1;
	s31 =	sand.u32 $0x1C00, s13  }
0x250: {  	s31 =	sor.u32 s16, s31;
	[tilespmem:s15+$0x14100] =	vst v3  }
0x251: {  	v3 =	vld [tilespmem:s31+$0xC400]  }
0x252: {  	v4 =	vld [tilespmem:s31+$0xC280]  }
0x253: {  	v5 =	vld [tilespmem:s31+$0xC300]  }
0x254: {  	v6 =	vld [tilespmem:s31+$0x8400]  }
0x255: {  	v7 =	vld [tilespmem:s31+$0xC380]  }
0x256: {  	v8 =	vld [tilespmem:s31+$0x8280]  }
0x257: {  	v9 =	vld [tilespmem:s31+$0x8380]  }
0x258: {  	v10 =	vld [tilespmem:s31+$0x8200]  }
0x259: {  	v11 =	vld [tilespmem:s31+$0xC200];
	v3 =	vadd.f32 v3, v6  }
0x25a: {  	v6 =	vld [tilespmem:s31+$0xC180]  }
0x25b: {  	v12 =	vld [tilespmem:s31+$0xC100];
	v4 =	vadd.f32 v4, v8  }
0x25c: {  	v8 =	vld [tilespmem:s31+$0x8180];
	v7 =	vadd.f32 v7, v9  }
0x25d: {  	v9 =	vld [tilespmem:s31+$0x8100]  }
0x25e: {  	v10 =	vadd.f32 v11, v10;
	v11 =	vld [tilespmem:s31+$0x8300]  }
0x25f: {  	[tilespmem:s31+$0x14400] =	vst v3  }
0x260: {  	[tilespmem:s31+$0x14280] =	vst v4  }
0x261: {  	v3 =	vadd.f32 v6, v8;
	[tilespmem:s31+$0x14380] =	vst v7  }
0x262: {  	v4 =	vadd.f32 v12, v9;
	[tilespmem:s31+$0x14200] =	vst v10  }
0x263: {  	[tilespmem:s31+$0x14180] =	vst v3;
	v3 =	vadd.f32 v5, v11  }
0x264: {  	s15 =	sor.u32 s1, s13;
	[tilespmem:s31+$0x14100] =	vst v4  }
0x265: {  	s1 =	sor.u32 $0x380, s15;
	[tilespmem:s31+$0x14300] =	vst v3  }
0x266: {  	v3 =	vld [tilespmem:s1+$0x8100]  }
0x267: {  	v4 =	vld [tilespmem:s1+$0xC100];
	_ =	sdelay $0x3  }
.Ltmp3:
0x268: {  	(pc) =	sbr.rel @p0 .LBB2_8-.Ltmp3, $3  }
0x269: {  	v3 =	vadd.f32 v4, v3;
	_ =	sdelay $0x1  }
0x26a: {  	[tilespmem:s1+$0x14100] =	vst v3  }
0x26b: {  	v3 =	vld [tilespmem:s31+$0xE400]  }
0x26c: {  	v4 =	vld [tilespmem:s31+$0xA400]  }
0x26d: {  	v5 =	vld [tilespmem:s31+$0xA380]  }
0x26e: {  	v6 =	vld [tilespmem:s31+$0xE380]  }
0x26f: {  	v7 =	vld [tilespmem:s31+$0xA300]  }
0x270: {  	v8 =	vld [tilespmem:s31+$0xA280]  }
0x271: {  	v9 =	vld [tilespmem:s31+$0xE300]  }
0x272: {  	v60 =	vld [tilespmem:s31+$0xE200]  }
0x273: {  	v10 =	vld [tilespmem:s31+$0xE280]  }
0x274: {  	v11 =	vld [tilespmem:s31+$0xE100]  }
0x275: {  	v12 =	vld [tilespmem:s31+$0xA200]  }
0x276: {  	v13 =	vld [tilespmem:s31+$0xE180];
	v3 =	vadd.f32 v3, v4  }
0x277: {  	v61 =	vld [tilespmem:s31+$0xA100]  }
0x278: {  	v7 =	vadd.f32 v9, v7;
	[tilespmem:s31+$0x16400] =	vst v3;
	v3 =	vld [tilespmem:s31+$0xA180]  }
0x279: {  	v5 =	vadd.f32 v6, v5  }
0x27a: {  	v62 =	vadd.f32 v10, v8;
	[tilespmem:s31+$0x16300] =	vst v7  }
0x27b: {  	v4 =	vadd.f32 v60, v12;
	[tilespmem:s31+$0x16380] =	vst v5  }
0x27c: {  	v63 =	vadd.f32 v11, v61;
	[tilespmem:s31+$0x16280] =	vst v62  }
0x27d: {  	[tilespmem:s31+$0x16200] =	vst v4;
	v3 =	vadd.f32 v13, v3  }
0x27e: {  	[tilespmem:s31+$0x16100] =	vst v63  }
0x27f: {  	s0 =	sor.u32 $0x2380, s15;
	[tilespmem:s31+$0x16180] =	vst v3  }
0x280: {  	v3 =	vld [tilespmem:s0+$0x8100]  }
0x281: {  	v4 =	vld [tilespmem:s0+$0xC100];
	_ =	sdelay $0x4  }
0x282: {  	v3 =	vadd.f32 v4, v3;
	_ =	sdelay $0x1  }
0x283: {  	s16 =	rddreg [dreg:$0x7];
	[tilespmem:s0+$0x14100] =	vst v3  }
0x284: {  	[hbm4b:s16+s2] =	stream.linear.scatter [tilespmem:s29], [sflag:$0x2], $0x4000, $0x38;
	[tilespmem:$0x18100] =	vst v63  }
0x285: {  	_ =	swait.ge [sflag:s12], $0x4000  }
0x286: {  	[sflag:s12] =	ssyncset.done $0x0  }
0x287: {  	[sflag:s12] =	ssyncadd.s32 $0xFFFFC000  }
0x288: {  	_ =	swait.ge [sflag:s12], $0x4000  }
0x289: {  	s30 =	sadd.s32 $0x1, s30;
	s31 =	rddreg [dreg:$0x8]  }
0x28a: {  	p0 =	sne.s32 s30, s31  }
.Ltmp4:
0x28b: {  	_ = 	snop;
	(pc) =	sbr.rel @p0 .LBB2_1-.Ltmp4, $3  }
0x28c: {  	_ =	sdelay $0x1  }
0x28d: {  	[sflag:s12] =	ssyncset.done $0x0  }
0x28e: {  	[sflag:s12] =	ssyncadd.s32 $0xFFFFC000  }
0x28f: {  	_ =	sfence.sel $0x180000  }
0x290: {  	[bflag:$0x0] =	sbarrier.arrive $0xFFFF  }
0x291: {  	_ =	strace $0x9000004A  }
0x292: {  	s0 =	stileid.u32;
	[bflag:$0x2] =	sbarrier.arrive $0xFFFF  }
0x293: {  	p0 =	sne.s32 s0, $0x0;
	s0 =	rddreg [dreg:$0x2]  }
0x294: {  	s0 =	sadd.s32 @!p0 $0x100000, s0  }
0x295: {  	[sflag:s0] =	ssyncadd.tile.s32 @!p0 $0x1;
	_ =	shalt  }
.Lfunc_end2:
_tile_overlayer_lowered:
.L_overlay_start_2:
0x296: {  	(tag) =	ssettag $0x2  }
0x297: {  	s0 =	rddreg [dreg:$0x0];
	s2 =	stileid.u32  }
0x298: {  	s1 =	rddreg [dreg:$0x1];
	p0 =	sne.s32 s2, $0x0  }
0x299: {  	s3 =	rddreg [dreg:$0x2];
	[bflag:$0x3] =	sbarrier.arrive $0xFFFF;
	s2 =	simm.s32 @!p0 $0x1C03  }
0x29a: {  	[timem:s3], [sflag:s2] =	dma.local @!p0 [hbm:s0], s1  }
0x29b: {  	s0 =	simm.s32 @!p0 $0x3  }
0x29c: {  	_ =	swait.ge @!p0 [sflag:s0], s1  }
0x29d: {  	s1 =	ssub.s32 @!p0 $0x0, s1;
	[sflag:s0] =	ssyncset.done @!p0 $0x0  }
0x29e: {  	[sflag:s0] =	ssyncadd.s32 @!p0 s1  }
0x29f: {  	[bflag:$0x3] =	sbarrier.arrive $0xFFFF  }
0x2a0: {  	_ =	shalt  }

</sc_bundles>
